<compile_context>
chip_gen: v7x
topology: tpu7x:2x2x1
jax: 0.10.2.dev20260603
libtpu: 0.0.44.dev20260713+nightly
codegen_flags: <defaults>
</compile_context>

<pallas_src>
import functools

import numpy as np

import jax
import jax.numpy as jnp
from jax import lax
from jax.experimental import pallas as pl
from jax.experimental.pallas import tpu as pltpu
from jax.experimental.pallas import tpu_sc as plsc

N_USERS = 25000
N_ITEMS = 25000
N = N_USERS + N_ITEMS
D = 64
E = 800000
NUM_LAYERS = 3

NC, NS = 2, 16
HALF = D // NC
N_PAD = 50048
ROWS_PER_TILE = N_PAD // NS
CO_CHUNK = 184
CO_STEPS = ROWS_PER_TILE // CO_CHUNK

CHUNK = 128
E_PAD = 819200
N_CHUNKS = E_PAD // CHUNK
CHUNKS_PER_TILE = N_CHUNKS // NS


def _sc_body(table0, src, dst, w, out1, out2, out3,
             acc, src_v, dst_v, w_v, rows_v, zbuf, sem):
    c = lax.axis_index("c")
    s = lax.axis_index("s")
    coff = c * N_PAD
    r0 = s * ROWS_PER_TILE

    zero16 = jnp.zeros((16,), jnp.float32)

    def _zb(i, carry):
        zbuf[i, pl.ds(0, 16)] = zero16
        zbuf[i, pl.ds(16, 16)] = zero16
        return carry

    lax.fori_loop(0, CO_CHUNK, _zb, 0)

    def _zero_acc(i, carry):
        pltpu.sync_copy(zbuf, acc.at[pl.ds(r0 + i * CO_CHUNK, CO_CHUNK)])
        return carry

    lax.fori_loop(0, CO_STEPS, _zero_acc, 0)
    plsc.subcore_barrier()

    tables_in = (table0, out1, out2)
    tables_out = (out1, out2, out3)
    for layer in range(NUM_LAYERS):
        tin = tables_in[layer]
        tout = tables_out[layer]

        def _chunk(j, carry, tin=tin):
            row = s * CHUNKS_PER_TILE + j
            pltpu.sync_copy(src.at[row], src_v)
            pltpu.sync_copy(dst.at[row], dst_v)
            pltpu.sync_copy(w.at[row], w_v)
            for q in range(CHUNK // 16):
                src_v[pl.ds(q * 16, 16)] = src_v[pl.ds(q * 16, 16)] + coff
            pltpu.async_copy(tin.at[src_v], rows_v, sem).wait()

            def _mul(t, mcarry):
                wv = w_v[pl.ds(t * 16, 16)]
                for q in range(16):
                    e = t * 16 + q
                    ws = lax.gather(
                        wv, jnp.full((16, 1), q, jnp.int32),
                        lax.GatherDimensionNumbers(
                            offset_dims=(), collapsed_slice_dims=(0,),
                            start_index_map=(0,)),
                        (1,), mode=lax.GatherScatterMode.PROMISE_IN_BOUNDS)
                    rows_v[e, pl.ds(0, 16)] = rows_v[e, pl.ds(0, 16)] * ws
                    rows_v[e, pl.ds(16, 16)] = rows_v[e, pl.ds(16, 16)] * ws
                return mcarry

            lax.fori_loop(0, CHUNK // 16, _mul, 0)
            pltpu.sync_copy(rows_v, acc.at[dst_v], add=True)
            return carry

        lax.fori_loop(0, CHUNKS_PER_TILE, _chunk, 0)
        plsc.subcore_barrier()

        def _co(i, carry, tout=tout):
            base = r0 + i * CO_CHUNK
            pltpu.sync_copy(acc.at[pl.ds(base, CO_CHUNK)],
                            tout.at[pl.ds(coff + base, CO_CHUNK)])
            pltpu.sync_copy(zbuf, acc.at[pl.ds(base, CO_CHUNK)])
            return carry

        lax.fori_loop(0, CO_STEPS, _co, 0)
        plsc.subcore_barrier()


_sc_propagate = pl.kernel(
    _sc_body,
    out_type=[jax.ShapeDtypeStruct((NC * N_PAD, HALF), jnp.float32)] * 3,
    mesh=plsc.VectorSubcoreMesh(core_axis_name="c", subcore_axis_name="s"),
    compiler_params=pltpu.CompilerParams(use_tc_tiling_on_sc=False),
    scratch_types=[
        pltpu.VMEM_SHARED((N_PAD, HALF), jnp.float32),
        pltpu.VMEM((CHUNK,), jnp.int32),
        pltpu.VMEM((CHUNK,), jnp.int32),
        pltpu.VMEM((CHUNK,), jnp.float32),
        pltpu.VMEM((CHUNK, HALF), jnp.float32),
        pltpu.VMEM((CO_CHUNK, HALF), jnp.float32),
        pltpu.SemaphoreType.DMA,
    ],
)

MROWS = NC * N_PAD * HALF // 128
MBLK = MROWS // 8


def _mean_body(a_ref, b_ref, c_ref, d_ref, o_ref):
    o_ref[...] = 0.25 * (a_ref[...] + b_ref[...] + c_ref[...] + d_ref[...])


_mean4 = pl.pallas_call(
    _mean_body,
    out_shape=jax.ShapeDtypeStruct((MROWS, 128), jnp.float32),
    grid=(MROWS // MBLK,),
    in_specs=[pl.BlockSpec((MBLK, 128), lambda i: (i, 0))] * 4,
    out_specs=pl.BlockSpec((MBLK, 128), lambda i: (i, 0)),
)


def kernel(edge_index, edge_weight, user_emb, item_emb):
    src = edge_index[1].astype(jnp.int32)
    dst = edge_index[0].astype(jnp.int32)
    pad = E_PAD - E
    src = jnp.concatenate([src, jnp.zeros((pad,), jnp.int32)]).reshape(N_CHUNKS, CHUNK)
    dst = jnp.concatenate([dst, jnp.zeros((pad,), jnp.int32)]).reshape(N_CHUNKS, CHUNK)
    w = jnp.concatenate([edge_weight.astype(jnp.float32),
                         jnp.zeros((pad,), jnp.float32)]).reshape(N_CHUNKS, CHUNK)

    all_emb = jnp.concatenate([user_emb, item_emb], axis=0)
    emb_pad = jnp.pad(all_emb, ((0, N_PAD - N), (0, 0)))
    table0 = emb_pad.reshape(N_PAD, NC, HALF).transpose(1, 0, 2)
    table0 = table0.reshape(NC * N_PAD, HALF)

    out1, out2, out3 = _sc_propagate(table0, src, dst, w)

    final = _mean4(table0.reshape(MROWS, 128), out1.reshape(MROWS, 128),
                   out2.reshape(MROWS, 128), out3.reshape(MROWS, 128))
    final = final.reshape(NC, N_PAD, HALF).transpose(1, 0, 2).reshape(N_PAD, D)
    final = final[:N]
    return (final[:N_USERS], final[N_USERS:])

# --- scband reference (transcript-rebuilt; emitter-appended) ---
"""Pipeline reference for scband-light-gcn-2894807958214 (READ-ONLY COPY).

The authoritative reference and input builder live on the scoring server;
editing this copy changes nothing except your own understanding.
"""

import jax, jax.numpy as jnp
import numpy as np

NUM_USERS = 25000
NUM_ITEMS = 25000
EMBED_DIM = 64
NUM_LAYERS = 3
NUM_EDGES = 800000
N = NUM_USERS + NUM_ITEMS


def setup_inputs(seed: int = 0) -> dict:
    key = jax.random.key(seed)
    k1, k2, k3, k4 = jax.random.split(key, 4)
    # sparse adjacency in COO form: adj[dst, src] = w
    edge_index = jax.random.randint(k1, (2, NUM_EDGES), 0, N, dtype=jnp.int64)
    edge_weight = jax.random.uniform(k2, (NUM_EDGES,), dtype=jnp.float32)
    # learned embedding tables (xavier-uniform style init)
    bound = float(np.sqrt(6.0 / (NUM_USERS + EMBED_DIM)))
    user_emb = jax.random.uniform(k3, (NUM_USERS, EMBED_DIM), dtype=jnp.float32, minval=-bound, maxval=bound)
    bound_i = float(np.sqrt(6.0 / (NUM_ITEMS + EMBED_DIM)))
    item_emb = jax.random.uniform(k4, (NUM_ITEMS, EMBED_DIM), dtype=jnp.float32, minval=-bound_i, maxval=bound_i)
    return {"edge_index": edge_index, "edge_weight": edge_weight, "user_emb": user_emb, "item_emb": item_emb}


def reference(edge_index, edge_weight, user_emb, item_emb):
    # all_emb = cat(user_emb, item_emb)
    all_emb = jnp.concatenate([user_emb, item_emb], axis=0)
    dst = edge_index[0]  # row index of sparse adj
    src = edge_index[1]  # col index of sparse adj
    embs = [all_emb]
    for _ in range(NUM_LAYERS):
        # torch.sparse.mm(adj, all_emb): gather source rows, scale by edge weight, scatter-add to dst
        msgs = jnp.take(all_emb, src, axis=0) * edge_weight[:, None]
        all_emb = jax.ops.segment_sum(msgs, dst, num_segments=N)
        embs.append(all_emb)
    final_emb = jnp.mean(jnp.stack(embs, axis=1), axis=1)
    user_final = final_emb[:NUM_USERS]
    item_final = final_emb[NUM_USERS:]
    return (user_final, item_final)

if __name__ == "__main__":
    import jax
    _d = setup_inputs()
    print(jax.jit(kernel)(*tuple(_d.values())))

</pallas_src>

<mosaic_0001>
#map = affine_map<(d0, d1) -> (0, 0)>
module attributes {stable_mosaic.version = 14 : i64} {
  func.func @_sc_body(%arg0: i32, %arg1: i32, %arg2: memref<100096x32xf32, #tpu.memory_space<hbm>>, %arg3: memref<6400x128xi32, #tpu.memory_space<hbm>>, %arg4: memref<6400x128xi32, #tpu.memory_space<hbm>>, %arg5: memref<6400x128xf32, #tpu.memory_space<hbm>>, %arg6: memref<100096x32xf32, #tpu.memory_space<hbm>>, %arg7: memref<100096x32xf32, #tpu.memory_space<hbm>>, %arg8: memref<100096x32xf32, #tpu.memory_space<hbm>>, %arg9: memref<50048x32xf32, #tpu.memory_space<vmem_shared>>, %arg10: memref<128xi32, #tpu.memory_space<vmem>>, %arg11: memref<128xi32, #tpu.memory_space<vmem>>, %arg12: memref<128xf32, #tpu.memory_space<vmem>>, %arg13: memref<128x32xf32, #tpu.memory_space<vmem>>, %arg14: memref<184x32xf32, #tpu.memory_space<vmem>>, %arg15: memref<!tpu.dma_semaphore, #tpu.memory_space<semaphore_mem>>) attributes {dimension_semantics = [#tpu.dimension_semantics<core_parallel>, #tpu.dimension_semantics<subcore_parallel>], iteration_bounds = array<i64: 2, 16>, scalar_prefetch = 0 : i64, scratch_operands = 7 : i64, tpu.core_type = #tpu.core_type<sc_vector_subcore>, window_params = [{transform_indices = #map}, {transform_indices = #map}, {transform_indices = #map}, {transform_indices = #map}, {transform_indices = #map}, {transform_indices = #map}, {transform_indices = #map}]} {
    %mul3A = arith.constant 50048 : i32
    %mul3A_0 = arith.muli %arg0, %mul3A : i32
    %mul3A_1 = arith.constant 3128 : i32
    %mul3A_2 = arith.muli %arg1, %mul3A_1 : i32
    %broadcast_in_dim3A = arith.constant 0.000000e+00 : f32
    %broadcast_in_dim3A_3 = vector.broadcast %broadcast_in_dim3A : f32 to vector<16xf32>
    %scan3A = arith.constant 0 : i32
    %scan3A_4 = arith.constant 0 : i32
    %scan3A_5 = arith.constant 184 : i32
    %scan3A_6 = arith.addi %scan3A_4, %scan3A_5 : i32
    %scan3A_7 = arith.constant 1 : i32
    scf.for %scan3A_57 = %scan3A_4 to %scan3A_6 step %scan3A_7  : i32 {
      %swap3A = arith.index_cast %scan3A_57 : i32 to index
      %swap3A_58 = arith.constant 0 : index
      %swap3A_59 = tpu.vector_load %arg14[%swap3A, %swap3A_58] {strides = array<i32>} : memref<184x32xf32, #tpu.memory_space<vmem>>, vector<1x16xf32>,
      %swap3A_60 = vector.shape_cast %swap3A_59 : vector<1x16xf32> to vector<16xf32>
      %swap3A_61 = vector.shape_cast %broadcast_in_dim3A_3 : vector<16xf32> to vector<1x16xf32>
      tpu.vector_store %arg14[%swap3A, %swap3A_58], %swap3A_61 {strides = array<i32>} : memref<184x32xf32, #tpu.memory_space<vmem>>, vector<1x16xf32>,
      %swap3A_62 = arith.index_cast %scan3A_57 : i32 to index
      %swap3A_63 = arith.constant 16 : index
      %swap3A_64 = tpu.vector_load %arg14[%swap3A_62, %swap3A_63] {strides = array<i32>} : memref<184x32xf32, #tpu.memory_space<vmem>>, vector<1x16xf32>,
      %swap3A_65 = vector.shape_cast %swap3A_64 : vector<1x16xf32> to vector<16xf32>
      %swap3A_66 = vector.shape_cast %broadcast_in_dim3A_3 : vector<16xf32> to vector<1x16xf32>
      tpu.vector_store %arg14[%swap3A_62, %swap3A_63], %swap3A_66 {strides = array<i32>} : memref<184x32xf32, #tpu.memory_space<vmem>>, vector<1x16xf32>,
    }
    %scan3A_8 = arith.constant 184 : i32
    %scan3A_9 = arith.constant 0 : i32
    %scan3A_10 = arith.constant 0 : i32
    %scan3A_11 = arith.constant 17 : i32
    %scan3A_12 = arith.addi %scan3A_10, %scan3A_11 : i32
    %scan3A_13 = arith.constant 1 : i32
    scf.for %scan3A_57 = %scan3A_10 to %scan3A_12 step %scan3A_13  : i32 {
      %mul3A_58 = arith.constant 184 : i32
      %mul3A_59 = arith.muli %scan3A_57, %mul3A_58 : i32
      %add3A = arith.addi %mul3A_2, %mul3A_59 : i32
      "tpu.region"() ({
        %run_scoped3A = tpu.sem_alloc : memref<!tpu.dma_semaphore, #tpu.memory_space<semaphore_mem>>
        %dma_start3A = arith.constant 0 : i32
        %dma_start3A_60 = tpu.memref_slice %arg9[%add3A, %dma_start3A] : memref<50048x32xf32, #tpu.memory_space<vmem_shared>> -> memref<184x32xf32, #tpu.memory_space<vmem_shared>>
        %dma_start3A_61 = arith.constant 0 : i32
        %dma_start3A_62 = tpu.memref_slice %arg9[%add3A, %dma_start3A_61] : memref<50048x32xf32, #tpu.memory_space<vmem_shared>> -> memref<184x32xf32, #tpu.memory_space<vmem_shared>>
        tpu.enqueue_dma source(%arg14 : memref<184x32xf32, #tpu.memory_space<vmem>>) target(%dma_start3A_62 : memref<184x32xf32, #tpu.memory_space<vmem_shared>>) target_semaphore(%run_scoped3A : memref<!tpu.dma_semaphore, #tpu.memory_space<semaphore_mem>>)
        %dma_wait3A = arith.constant 0 : i32
        %dma_wait3A_63 = tpu.memref_slice %arg9[%add3A, %dma_wait3A] : memref<50048x32xf32, #tpu.memory_space<vmem_shared>> -> memref<184x32xf32, #tpu.memory_space<vmem_shared>>
        %dma_wait3A_64 = arith.constant 0 : i32
        %dma_wait3A_65 = tpu.memref_slice %arg9[%add3A, %dma_wait3A_64] : memref<50048x32xf32, #tpu.memory_space<vmem_shared>> -> memref<184x32xf32, #tpu.memory_space<vmem_shared>>
        tpu.wait_dma2 semaphore(%run_scoped3A : memref<!tpu.dma_semaphore, #tpu.memory_space<semaphore_mem>>) src(%arg14 : memref<184x32xf32, #tpu.memory_space<vmem>>) dst(%dma_wait3A_65 : memref<184x32xf32, #tpu.memory_space<vmem_shared>>)
        tpu.yield
      }) : () -> ()
    }
    %scan3A_14 = arith.constant 17 : i32
    %barrier3A = arith.constant 0 : index
    tpu.barrier barrier_id(%barrier3A)
    %scan3A_15 = arith.constant 0 : i32
    %scan3A_16 = arith.constant 0 : i32
    %scan3A_17 = arith.constant 400 : i32
    %scan3A_18 = arith.addi %scan3A_16, %scan3A_17 : i32
    %scan3A_19 = arith.constant 1 : i32
    scf.for %scan3A_57 = %scan3A_16 to %scan3A_18 step %scan3A_19  : i32 {
      %mul3A_58 = arith.constant 400 : i32
      %mul3A_59 = arith.muli %arg1, %mul3A_58 : i32
      %add3A = arith.addi %mul3A_59, %scan3A_57 : i32
      "tpu.region"() ({
        %run_scoped3A = tpu.sem_alloc : memref<!tpu.dma_semaphore, #tpu.memory_space<semaphore_mem>>
        %dma_start3A_140 = arith.constant 0 : i32
        %dma_start3A_141 = tpu.memref_slice %arg3[%add3A, %dma_start3A_140] : memref<6400x128xi32, #tpu.memory_space<hbm>> -> memref<1x128xi32, #tpu.memory_space<hbm>>
        %dma_start3A_142 = tpu.memref_squeeze %dma_start3A_141 : memref<1x128xi32, #tpu.memory_space<hbm>> -> memref<128xi32, #tpu.memory_space<hbm>>
        %dma_start3A_143 = arith.constant 0 : i32
        %dma_start3A_144 = tpu.memref_slice %arg3[%add3A, %dma_start3A_143] : memref<6400x128xi32, #tpu.memory_space<hbm>> -> memref<1x128xi32, #tpu.memory_space<hbm>>
        %dma_start3A_145 = tpu.memref_squeeze %dma_start3A_144 : memref<1x128xi32, #tpu.memory_space<hbm>> -> memref<128xi32, #tpu.memory_space<hbm>>
        tpu.enqueue_dma source(%dma_start3A_145 : memref<128xi32, #tpu.memory_space<hbm>>) target(%arg10 : memref<128xi32, #tpu.memory_space<vmem>>) target_semaphore(%run_scoped3A : memref<!tpu.dma_semaphore, #tpu.memory_space<semaphore_mem>>)
        %dma_wait3A_146 = arith.constant 0 : i32
        %dma_wait3A_147 = tpu.memref_slice %arg3[%add3A, %dma_wait3A_146] : memref<6400x128xi32, #tpu.memory_space<hbm>> -> memref<1x128xi32, #tpu.memory_space<hbm>>
        %dma_wait3A_148 = tpu.memref_squeeze %dma_wait3A_147 : memref<1x128xi32, #tpu.memory_space<hbm>> -> memref<128xi32, #tpu.memory_space<hbm>>
        %dma_wait3A_149 = arith.constant 0 : i32
        %dma_wait3A_150 = tpu.memref_slice %arg3[%add3A, %dma_wait3A_149] : memref<6400x128xi32, #tpu.memory_space<hbm>> -> memref<1x128xi32, #tpu.memory_space<hbm>>
        %dma_wait3A_151 = tpu.memref_squeeze %dma_wait3A_150 : memref<1x128xi32, #tpu.memory_space<hbm>> -> memref<128xi32, #tpu.memory_space<hbm>>
        tpu.wait_dma2 semaphore(%run_scoped3A : memref<!tpu.dma_semaphore, #tpu.memory_space<semaphore_mem>>) src(%dma_wait3A_151 : memref<128xi32, #tpu.memory_space<hbm>>) dst(%arg10 : memref<128xi32, #tpu.memory_space<vmem>>)
        tpu.yield
      }) : () -> ()
      "tpu.region"() ({
        %run_scoped3A = tpu.sem_alloc : memref<!tpu.dma_semaphore, #tpu.memory_space<semaphore_mem>>
        %dma_start3A_140 = arith.constant 0 : i32
        %dma_start3A_141 = tpu.memref_slice %arg4[%add3A, %dma_start3A_140] : memref<6400x128xi32, #tpu.memory_space<hbm>> -> memref<1x128xi32, #tpu.memory_space<hbm>>
        %dma_start3A_142 = tpu.memref_squeeze %dma_start3A_141 : memref<1x128xi32, #tpu.memory_space<hbm>> -> memref<128xi32, #tpu.memory_space<hbm>>
        %dma_start3A_143 = arith.constant 0 : i32
        %dma_start3A_144 = tpu.memref_slice %arg4[%add3A, %dma_start3A_143] : memref<6400x128xi32, #tpu.memory_space<hbm>> -> memref<1x128xi32, #tpu.memory_space<hbm>>
        %dma_start3A_145 = tpu.memref_squeeze %dma_start3A_144 : memref<1x128xi32, #tpu.memory_space<hbm>> -> memref<128xi32, #tpu.memory_space<hbm>>
        tpu.enqueue_dma source(%dma_start3A_145 : memref<128xi32, #tpu.memory_space<hbm>>) target(%arg11 : memref<128xi32, #tpu.memory_space<vmem>>) target_semaphore(%run_scoped3A : memref<!tpu.dma_semaphore, #tpu.memory_space<semaphore_mem>>)
        %dma_wait3A_146 = arith.constant 0 : i32
        %dma_wait3A_147 = tpu.memref_slice %arg4[%add3A, %dma_wait3A_146] : memref<6400x128xi32, #tpu.memory_space<hbm>> -> memref<1x128xi32, #tpu.memory_space<hbm>>
        %dma_wait3A_148 = tpu.memref_squeeze %dma_wait3A_147 : memref<1x128xi32, #tpu.memory_space<hbm>> -> memref<128xi32, #tpu.memory_space<hbm>>
        %dma_wait3A_149 = arith.constant 0 : i32
        %dma_wait3A_150 = tpu.memref_slice %arg4[%add3A, %dma_wait3A_149] : memref<6400x128xi32, #tpu.memory_space<hbm>> -> memref<1x128xi32, #tpu.memory_space<hbm>>
        %dma_wait3A_151 = tpu.memref_squeeze %dma_wait3A_150 : memref<1x128xi32, #tpu.memory_space<hbm>> -> memref<128xi32, #tpu.memory_space<hbm>>
        tpu.wait_dma2 semaphore(%run_scoped3A : memref<!tpu.dma_semaphore, #tpu.memory_space<semaphore_mem>>) src(%dma_wait3A_151 : memref<128xi32, #tpu.memory_space<hbm>>) dst(%arg11 : memref<128xi32, #tpu.memory_space<vmem>>)
        tpu.yield
      }) : () -> ()
      "tpu.region"() ({
        %run_scoped3A = tpu.sem_alloc : memref<!tpu.dma_semaphore, #tpu.memory_space<semaphore_mem>>
        %dma_start3A_140 = arith.constant 0 : i32
        %dma_start3A_141 = tpu.memref_slice %arg5[%add3A, %dma_start3A_140] : memref<6400x128xf32, #tpu.memory_space<hbm>> -> memref<1x128xf32, #tpu.memory_space<hbm>>
        %dma_start3A_142 = tpu.memref_squeeze %dma_start3A_141 : memref<1x128xf32, #tpu.memory_space<hbm>> -> memref<128xf32, #tpu.memory_space<hbm>>
        %dma_start3A_143 = arith.constant 0 : i32
        %dma_start3A_144 = tpu.memref_slice %arg5[%add3A, %dma_start3A_143] : memref<6400x128xf32, #tpu.memory_space<hbm>> -> memref<1x128xf32, #tpu.memory_space<hbm>>
        %dma_start3A_145 = tpu.memref_squeeze %dma_start3A_144 : memref<1x128xf32, #tpu.memory_space<hbm>> -> memref<128xf32, #tpu.memory_space<hbm>>
        tpu.enqueue_dma source(%dma_start3A_145 : memref<128xf32, #tpu.memory_space<hbm>>) target(%arg12 : memref<128xf32, #tpu.memory_space<vmem>>) target_semaphore(%run_scoped3A : memref<!tpu.dma_semaphore, #tpu.memory_space<semaphore_mem>>)
        %dma_wait3A_146 = arith.constant 0 : i32
        %dma_wait3A_147 = tpu.memref_slice %arg5[%add3A, %dma_wait3A_146] : memref<6400x128xf32, #tpu.memory_space<hbm>> -> memref<1x128xf32, #tpu.memory_space<hbm>>
        %dma_wait3A_148 = tpu.memref_squeeze %dma_wait3A_147 : memref<1x128xf32, #tpu.memory_space<hbm>> -> memref<128xf32, #tpu.memory_space<hbm>>
        %dma_wait3A_149 = arith.constant 0 : i32
        %dma_wait3A_150 = tpu.memref_slice %arg5[%add3A, %dma_wait3A_149] : memref<6400x128xf32, #tpu.memory_space<hbm>> -> memref<1x128xf32, #tpu.memory_space<hbm>>
        %dma_wait3A_151 = tpu.memref_squeeze %dma_wait3A_150 : memref<1x128xf32, #tpu.memory_space<hbm>> -> memref<128xf32, #tpu.memory_space<hbm>>
        tpu.wait_dma2 semaphore(%run_scoped3A : memref<!tpu.dma_semaphore, #tpu.memory_space<semaphore_mem>>) src(%dma_wait3A_151 : memref<128xf32, #tpu.memory_space<hbm>>) dst(%arg12 : memref<128xf32, #tpu.memory_space<vmem>>)
        tpu.yield
      }) : () -> ()
      %get3A = arith.constant 0 : index
      %get3A_60 = tpu.vector_load %arg10[%get3A] {strides = array<i32>} : memref<128xi32, #tpu.memory_space<vmem>>, vector<16xi32>,
      %get3A_61 = vector.shape_cast %get3A_60 : vector<16xi32> to vector<16xi32>
      %add3A_62 = vector.broadcast %mul3A_0 : i32 to vector<16xi32>
      %add3A_63 = arith.addi %get3A_61, %add3A_62 : vector<16xi32>
      %swap3A = arith.constant 0 : index
      %swap3A_64 = tpu.vector_load %arg10[%swap3A] {strides = array<i32>} : memref<128xi32, #tpu.memory_space<vmem>>, vector<16xi32>,
      %swap3A_65 = vector.shape_cast %swap3A_64 : vector<16xi32> to vector<16xi32>
      %swap3A_66 = vector.shape_cast %add3A_63 : vector<16xi32> to vector<16xi32>
      tpu.vector_store %arg10[%swap3A], %swap3A_66 {strides = array<i32>} : memref<128xi32, #tpu.memory_space<vmem>>, vector<16xi32>,
      %get3A_67 = arith.constant 16 : index
      %get3A_68 = tpu.vector_load %arg10[%get3A_67] {strides = array<i32>} : memref<128xi32, #tpu.memory_space<vmem>>, vector<16xi32>,
      %get3A_69 = vector.shape_cast %get3A_68 : vector<16xi32> to vector<16xi32>
      %add3A_70 = vector.broadcast %mul3A_0 : i32 to vector<16xi32>
      %add3A_71 = arith.addi %get3A_69, %add3A_70 : vector<16xi32>
      %swap3A_72 = arith.constant 16 : index
      %swap3A_73 = tpu.vector_load %arg10[%swap3A_72] {strides = array<i32>} : memref<128xi32, #tpu.memory_space<vmem>>, vector<16xi32>,
      %swap3A_74 = vector.shape_cast %swap3A_73 : vector<16xi32> to vector<16xi32>
      %swap3A_75 = vector.shape_cast %add3A_71 : vector<16xi32> to vector<16xi32>
      tpu.vector_store %arg10[%swap3A_72], %swap3A_75 {strides = array<i32>} : memref<128xi32, #tpu.memory_space<vmem>>, vector<16xi32>,
      %get3A_76 = arith.constant 32 : index
      %get3A_77 = tpu.vector_load %arg10[%get3A_76] {strides = array<i32>} : memref<128xi32, #tpu.memory_space<vmem>>, vector<16xi32>,
      %get3A_78 = vector.shape_cast %get3A_77 : vector<16xi32> to vector<16xi32>
      %add3A_79 = vector.broadcast %mul3A_0 : i32 to vector<16xi32>
      %add3A_80 = arith.addi %get3A_78, %add3A_79 : vector<16xi32>
      %swap3A_81 = arith.constant 32 : index
      %swap3A_82 = tpu.vector_load %arg10[%swap3A_81] {strides = array<i32>} : memref<128xi32, #tpu.memory_space<vmem>>, vector<16xi32>,
      %swap3A_83 = vector.shape_cast %swap3A_82 : vector<16xi32> to vector<16xi32>
      %swap3A_84 = vector.shape_cast %add3A_80 : vector<16xi32> to vector<16xi32>
      tpu.vector_store %arg10[%swap3A_81], %swap3A_84 {strides = array<i32>} : memref<128xi32, #tpu.memory_space<vmem>>, vector<16xi32>,
      %get3A_85 = arith.constant 48 : index
      %get3A_86 = tpu.vector_load %arg10[%get3A_85] {strides = array<i32>} : memref<128xi32, #tpu.memory_space<vmem>>, vector<16xi32>,
      %get3A_87 = vector.shape_cast %get3A_86 : vector<16xi32> to vector<16xi32>
      %add3A_88 = vector.broadcast %mul3A_0 : i32 to vector<16xi32>
      %add3A_89 = arith.addi %get3A_87, %add3A_88 : vector<16xi32>
      %swap3A_90 = arith.constant 48 : index
      %swap3A_91 = tpu.vector_load %arg10[%swap3A_90] {strides = array<i32>} : memref<128xi32, #tpu.memory_space<vmem>>, vector<16xi32>,
      %swap3A_92 = vector.shape_cast %swap3A_91 : vector<16xi32> to vector<16xi32>
      %swap3A_93 = vector.shape_cast %add3A_89 : vector<16xi32> to vector<16xi32>
      tpu.vector_store %arg10[%swap3A_90], %swap3A_93 {strides = array<i32>} : memref<128xi32, #tpu.memory_space<vmem>>, vector<16xi32>,
      %get3A_94 = arith.constant 64 : index
      %get3A_95 = tpu.vector_load %arg10[%get3A_94] {strides = array<i32>} : memref<128xi32, #tpu.memory_space<vmem>>, vector<16xi32>,
      %get3A_96 = vector.shape_cast %get3A_95 : vector<16xi32> to vector<16xi32>
      %add3A_97 = vector.broadcast %mul3A_0 : i32 to vector<16xi32>
      %add3A_98 = arith.addi %get3A_96, %add3A_97 : vector<16xi32>
      %swap3A_99 = arith.constant 64 : index
      %swap3A_100 = tpu.vector_load %arg10[%swap3A_99] {strides = array<i32>} : memref<128xi32, #tpu.memory_space<vmem>>, vector<16xi32>,
      %swap3A_101 = vector.shape_cast %swap3A_100 : vector<16xi32> to vector<16xi32>
      %swap3A_102 = vector.shape_cast %add3A_98 : vector<16xi32> to vector<16xi32>
      tpu.vector_store %arg10[%swap3A_99], %swap3A_102 {strides = array<i32>} : memref<128xi32, #tpu.memory_space<vmem>>, vector<16xi32>,
      %get3A_103 = arith.constant 80 : index
      %get3A_104 = tpu.vector_load %arg10[%get3A_103] {strides = array<i32>} : memref<128xi32, #tpu.memory_space<vmem>>, vector<16xi32>,
      %get3A_105 = vector.shape_cast %get3A_104 : vector<16xi32> to vector<16xi32>
      %add3A_106 = vector.broadcast %mul3A_0 : i32 to vector<16xi32>
      %add3A_107 = arith.addi %get3A_105, %add3A_106 : vector<16xi32>
      %swap3A_108 = arith.constant 80 : index
      %swap3A_109 = tpu.vector_load %arg10[%swap3A_108] {strides = array<i32>} : memref<128xi32, #tpu.memory_space<vmem>>, vector<16xi32>,
      %swap3A_110 = vector.shape_cast %swap3A_109 : vector<16xi32> to vector<16xi32>
      %swap3A_111 = vector.shape_cast %add3A_107 : vector<16xi32> to vector<16xi32>
      tpu.vector_store %arg10[%swap3A_108], %swap3A_111 {strides = array<i32>} : memref<128xi32, #tpu.memory_space<vmem>>, vector<16xi32>,
      %get3A_112 = arith.constant 96 : index
      %get3A_113 = tpu.vector_load %arg10[%get3A_112] {strides = array<i32>} : memref<128xi32, #tpu.memory_space<vmem>>, vector<16xi32>,
      %get3A_114 = vector.shape_cast %get3A_113 : vector<16xi32> to vector<16xi32>
      %add3A_115 = vector.broadcast %mul3A_0 : i32 to vector<16xi32>
      %add3A_116 = arith.addi %get3A_114, %add3A_115 : vector<16xi32>
      %swap3A_117 = arith.constant 96 : index
      %swap3A_118 = tpu.vector_load %arg10[%swap3A_117] {strides = array<i32>} : memref<128xi32, #tpu.memory_space<vmem>>, vector<16xi32>,
      %swap3A_119 = vector.shape_cast %swap3A_118 : vector<16xi32> to vector<16xi32>
      %swap3A_120 = vector.shape_cast %add3A_116 : vector<16xi32> to vector<16xi32>
      tpu.vector_store %arg10[%swap3A_117], %swap3A_120 {strides = array<i32>} : memref<128xi32, #tpu.memory_space<vmem>>, vector<16xi32>,
      %get3A_121 = arith.constant 112 : index
      %get3A_122 = tpu.vector_load %arg10[%get3A_121] {strides = array<i32>} : memref<128xi32, #tpu.memory_space<vmem>>, vector<16xi32>,
      %get3A_123 = vector.shape_cast %get3A_122 : vector<16xi32> to vector<16xi32>
      %add3A_124 = vector.broadcast %mul3A_0 : i32 to vector<16xi32>
      %add3A_125 = arith.addi %get3A_123, %add3A_124 : vector<16xi32>
      %swap3A_126 = arith.constant 112 : index
      %swap3A_127 = tpu.vector_load %arg10[%swap3A_126] {strides = array<i32>} : memref<128xi32, #tpu.memory_space<vmem>>, vector<16xi32>,
      %swap3A_128 = vector.shape_cast %swap3A_127 : vector<16xi32> to vector<16xi32>
      %swap3A_129 = vector.shape_cast %add3A_125 : vector<16xi32> to vector<16xi32>
      tpu.vector_store %arg10[%swap3A_126], %swap3A_129 {strides = array<i32>} : memref<128xi32, #tpu.memory_space<vmem>>, vector<16xi32>,
      %dma_start3A = arith.constant 0 : i32
      %dma_start3A_130 = arith.constant 0 : i32
      %dma_start3A_131 = tpu.memref_slice %arg2[%dma_start3A, %dma_start3A_130] : memref<100096x32xf32, #tpu.memory_space<hbm>> -> memref<100096x32xf32, #tpu.memory_space<hbm>>
      tpu.enqueue_indirect_dma source(%dma_start3A_131 : memref<100096x32xf32, #tpu.memory_space<hbm>>) target(%arg13 : memref<128x32xf32, #tpu.memory_space<vmem>>) offsets(%arg10 : memref<128xi32, #tpu.memory_space<vmem>>) semaphore(%arg15 : memref<!tpu.dma_semaphore, #tpu.memory_space<semaphore_mem>>)
      %dma_wait3A = arith.constant 0 : i32
      %dma_wait3A_132 = arith.constant 0 : i32
      %dma_wait3A_133 = tpu.memref_slice %arg2[%dma_wait3A, %dma_wait3A_132] : memref<100096x32xf32, #tpu.memory_space<hbm>> -> memref<100096x32xf32, #tpu.memory_space<hbm>>
      tpu.wait_indirect_dma semaphore(%arg15 : memref<!tpu.dma_semaphore, #tpu.memory_space<semaphore_mem>>) src(%dma_wait3A_133 : memref<100096x32xf32, #tpu.memory_space<hbm>>) dst(%arg13 : memref<128x32xf32, #tpu.memory_space<vmem>>)
      %scan3A_134 = arith.constant 0 : i32
      %scan3A_135 = arith.constant 0 : i32
      %scan3A_136 = arith.constant 8 : i32
      %scan3A_137 = arith.addi %scan3A_135, %scan3A_136 : i32
      %scan3A_138 = arith.constant 1 : i32
      scf.for %scan3A_140 = %scan3A_135 to %scan3A_137 step %scan3A_138  : i32 {
        %mul3A_141 = arith.constant 16 : i32
        %mul3A_142 = arith.muli %scan3A_140, %mul3A_141 : i32
        %get3A_143 = arith.index_cast %mul3A_142 : i32 to index
        %get3A_144 = tpu.vector_load %arg12[%get3A_143] {strides = array<i32>} : memref<128xf32, #tpu.memory_space<vmem>>, vector<16xf32>,
        %get3A_145 = vector.shape_cast %get3A_144 : vector<16xf32> to vector<16xf32>
        %mul3A_146 = arith.constant 16 : i32
        %mul3A_147 = arith.muli %scan3A_140, %mul3A_146 : i32
        %add3A_148 = arith.constant 0 : i32
        %add3A_149 = arith.addi %mul3A_147, %add3A_148 : i32
        %broadcast_in_dim3A_150 = arith.constant 0 : i32
        %broadcast_in_dim3A_151 = vector.broadcast %broadcast_in_dim3A_150 : i32 to vector<16x1xi32>
        %gather3A = vector.shape_cast %broadcast_in_dim3A_151 : vector<16x1xi32> to vector<16xi32>
        %gather3A_152 = tpu.dynamic_gather %get3A_145[%gather3A] in [0] : vector<16xf32>, vector<16xi32> -> vector<16xf32>
        %get3A_153 = arith.index_cast %add3A_149 : i32 to index
        %get3A_154 = arith.constant 0 : index
        %get3A_155 = tpu.vector_load %arg13[%get3A_153, %get3A_154] {strides = array<i32>} : memref<128x32xf32, #tpu.memory_space<vmem>>, vector<1x16xf32>,
        %get3A_156 = vector.shape_cast %get3A_155 : vector<1x16xf32> to vector<16xf32>
        %mul3A_157 = arith.mulf %get3A_156, %gather3A_152 : vector<16xf32>
        %swap3A_158 = arith.index_cast %add3A_149 : i32 to index
        %swap3A_159 = arith.constant 0 : index
        %swap3A_160 = tpu.vector_load %arg13[%swap3A_158, %swap3A_159] {strides = array<i32>} : memref<128x32xf32, #tpu.memory_space<vmem>>, vector<1x16xf32>,
        %swap3A_161 = vector.shape_cast %swap3A_160 : vector<1x16xf32> to vector<16xf32>
        %swap3A_162 = vector.shape_cast %mul3A_157 : vector<16xf32> to vector<1x16xf32>
        tpu.vector_store %arg13[%swap3A_158, %swap3A_159], %swap3A_162 {strides = array<i32>} : memref<128x32xf32, #tpu.memory_space<vmem>>, vector<1x16xf32>,
        %get3A_163 = arith.index_cast %add3A_149 : i32 to index
        %get3A_164 = arith.constant 16 : index
        %get3A_165 = tpu.vector_load %arg13[%get3A_163, %get3A_164] {strides = array<i32>} : memref<128x32xf32, #tpu.memory_space<vmem>>, vector<1x16xf32>,
        %get3A_166 = vector.shape_cast %get3A_165 : vector<1x16xf32> to vector<16xf32>
        %mul3A_167 = arith.mulf %get3A_166, %gather3A_152 : vector<16xf32>
        %swap3A_168 = arith.index_cast %add3A_149 : i32 to index
        %swap3A_169 = arith.constant 16 : index
        %swap3A_170 = tpu.vector_load %arg13[%swap3A_168, %swap3A_169] {strides = array<i32>} : memref<128x32xf32, #tpu.memory_space<vmem>>, vector<1x16xf32>,
        %swap3A_171 = vector.shape_cast %swap3A_170 : vector<1x16xf32> to vector<16xf32>
        %swap3A_172 = vector.shape_cast %mul3A_167 : vector<16xf32> to vector<1x16xf32>
        tpu.vector_store %arg13[%swap3A_168, %swap3A_169], %swap3A_172 {strides = array<i32>} : memref<128x32xf32, #tpu.memory_space<vmem>>, vector<1x16xf32>,
        %mul3A_173 = arith.constant 16 : i32
        %mul3A_174 = arith.muli %scan3A_140, %mul3A_173 : i32
        %add3A_175 = arith.constant 1 : i32
        %add3A_176 = arith.addi %mul3A_174, %add3A_175 : i32
        %broadcast_in_dim3A_177 = arith.constant 1 : i32
        %broadcast_in_dim3A_178 = vector.broadcast %broadcast_in_dim3A_177 : i32 to vector<16x1xi32>
        %gather3A_179 = vector.shape_cast %broadcast_in_dim3A_178 : vector<16x1xi32> to vector<16xi32>
        %gather3A_180 = tpu.dynamic_gather %get3A_145[%gather3A_179] in [0] : vector<16xf32>, vector<16xi32> -> vector<16xf32>
        %get3A_181 = arith.index_cast %add3A_176 : i32 to index
        %get3A_182 = arith.constant 0 : index
        %get3A_183 = tpu.vector_load %arg13[%get3A_181, %get3A_182] {strides = array<i32>} : memref<128x32xf32, #tpu.memory_space<vmem>>, vector<1x16xf32>,
        %get3A_184 = vector.shape_cast %get3A_183 : vector<1x16xf32> to vector<16xf32>
        %mul3A_185 = arith.mulf %get3A_184, %gather3A_180 : vector<16xf32>
        %swap3A_186 = arith.index_cast %add3A_176 : i32 to index
        %swap3A_187 = arith.constant 0 : index
        %swap3A_188 = tpu.vector_load %arg13[%swap3A_186, %swap3A_187] {strides = array<i32>} : memref<128x32xf32, #tpu.memory_space<vmem>>, vector<1x16xf32>,
        %swap3A_189 = vector.shape_cast %swap3A_188 : vector<1x16xf32> to vector<16xf32>
        %swap3A_190 = vector.shape_cast %mul3A_185 : vector<16xf32> to vector<1x16xf32>
        tpu.vector_store %arg13[%swap3A_186, %swap3A_187], %swap3A_190 {strides = array<i32>} : memref<128x32xf32, #tpu.memory_space<vmem>>, vector<1x16xf32>,
        %get3A_191 = arith.index_cast %add3A_176 : i32 to index
        %get3A_192 = arith.constant 16 : index
        %get3A_193 = tpu.vector_load %arg13[%get3A_191, %get3A_192] {strides = array<i32>} : memref<128x32xf32, #tpu.memory_space<vmem>>, vector<1x16xf32>,
        %get3A_194 = vector.shape_cast %get3A_193 : vector<1x16xf32> to vector<16xf32>
        %mul3A_195 = arith.mulf %get3A_194, %gather3A_180 : vector<16xf32>
        %swap3A_196 = arith.index_cast %add3A_176 : i32 to index
        %swap3A_197 = arith.constant 16 : index
        %swap3A_198 = tpu.vector_load %arg13[%swap3A_196, %swap3A_197] {strides = array<i32>} : memref<128x32xf32, #tpu.memory_space<vmem>>, vector<1x16xf32>,
        %swap3A_199 = vector.shape_cast %swap3A_198 : vector<1x16xf32> to vector<16xf32>
        %swap3A_200 = vector.shape_cast %mul3A_195 : vector<16xf32> to vector<1x16xf32>
        tpu.vector_store %arg13[%swap3A_196, %swap3A_197], %swap3A_200 {strides = array<i32>} : memref<128x32xf32, #tpu.memory_space<vmem>>, vector<1x16xf32>,
        %mul3A_201 = arith.constant 16 : i32
        %mul3A_202 = arith.muli %scan3A_140, %mul3A_201 : i32
        %add3A_203 = arith.constant 2 : i32
        %add3A_204 = arith.addi %mul3A_202, %add3A_203 : i32
        %broadcast_in_dim3A_205 = arith.constant 2 : i32
        %broadcast_in_dim3A_206 = vector.broadcast %broadcast_in_dim3A_205 : i32 to vector<16x1xi32>
        %gather3A_207 = vector.shape_cast %broadcast_in_dim3A_206 : vector<16x1xi32> to vector<16xi32>
        %gather3A_208 = tpu.dynamic_gather %get3A_145[%gather3A_207] in [0] : vector<16xf32>, vector<16xi32> -> vector<16xf32>
        %get3A_209 = arith.index_cast %add3A_204 : i32 to index
        %get3A_210 = arith.constant 0 : index
        %get3A_211 = tpu.vector_load %arg13[%get3A_209, %get3A_210] {strides = array<i32>} : memref<128x32xf32, #tpu.memory_space<vmem>>, vector<1x16xf32>,
        %get3A_212 = vector.shape_cast %get3A_211 : vector<1x16xf32> to vector<16xf32>
        %mul3A_213 = arith.mulf %get3A_212, %gather3A_208 : vector<16xf32>
        %swap3A_214 = arith.index_cast %add3A_204 : i32 to index
        %swap3A_215 = arith.constant 0 : index
        %swap3A_216 = tpu.vector_load %arg13[%swap3A_214, %swap3A_215] {strides = array<i32>} : memref<128x32xf32, #tpu.memory_space<vmem>>, vector<1x16xf32>,
        %swap3A_217 = vector.shape_cast %swap3A_216 : vector<1x16xf32> to vector<16xf32>
        %swap3A_218 = vector.shape_cast %mul3A_213 : vector<16xf32> to vector<1x16xf32>
        tpu.vector_store %arg13[%swap3A_214, %swap3A_215], %swap3A_218 {strides = array<i32>} : memref<128x32xf32, #tpu.memory_space<vmem>>, vector<1x16xf32>,
        %get3A_219 = arith.index_cast %add3A_204 : i32 to index
        %get3A_220 = arith.constant 16 : index
        %get3A_221 = tpu.vector_load %arg13[%get3A_219, %get3A_220] {strides = array<i32>} : memref<128x32xf32, #tpu.memory_space<vmem>>, vector<1x16xf32>,
        %get3A_222 = vector.shape_cast %get3A_221 : vector<1x16xf32> to vector<16xf32>
        %mul3A_223 = arith.mulf %get3A_222, %gather3A_208 : vector<16xf32>
        %swap3A_224 = arith.index_cast %add3A_204 : i32 to index
        %swap3A_225 = arith.constant 16 : index
        %swap3A_226 = tpu.vector_load %arg13[%swap3A_224, %swap3A_225] {strides = array<i32>} : memref<128x32xf32, #tpu.memory_space<vmem>>, vector<1x16xf32>,
        %swap3A_227 = vector.shape_cast %swap3A_226 : vector<1x16xf32> to vector<16xf32>
        %swap3A_228 = vector.shape_cast %mul3A_223 : vector<16xf32> to vector<1x16xf32>
        tpu.vector_store %arg13[%swap3A_224, %swap3A_225], %swap3A_228 {strides = array<i32>} : memref<128x32xf32, #tpu.memory_space<vmem>>, vector<1x16xf32>,
        %mul3A_229 = arith.constant 16 : i32
        %mul3A_230 = arith.muli %scan3A_140, %mul3A_229 : i32
        %add3A_231 = arith.constant 3 : i32
        %add3A_232 = arith.addi %mul3A_230, %add3A_231 : i32
        %broadcast_in_dim3A_233 = arith.constant 3 : i32
        %broadcast_in_dim3A_234 = vector.broadcast %broadcast_in_dim3A_233 : i32 to vector<16x1xi32>
        %gather3A_235 = vector.shape_cast %broadcast_in_dim3A_234 : vector<16x1xi32> to vector<16xi32>
        %gather3A_236 = tpu.dynamic_gather %get3A_145[%gather3A_235] in [0] : vector<16xf32>, vector<16xi32> -> vector<16xf32>
        %get3A_237 = arith.index_cast %add3A_232 : i32 to index
        %get3A_238 = arith.constant 0 : index
        %get3A_239 = tpu.vector_load %arg13[%get3A_237, %get3A_238] {strides = array<i32>} : memref<128x32xf32, #tpu.memory_space<vmem>>, vector<1x16xf32>,
        %get3A_240 = vector.shape_cast %get3A_239 : vector<1x16xf32> to vector<16xf32>
        %mul3A_241 = arith.mulf %get3A_240, %gather3A_236 : vector<16xf32>
        %swap3A_242 = arith.index_cast %add3A_232 : i32 to index
        %swap3A_243 = arith.constant 0 : index
        %swap3A_244 = tpu.vector_load %arg13[%swap3A_242, %swap3A_243] {strides = array<i32>} : memref<128x32xf32, #tpu.memory_space<vmem>>, vector<1x16xf32>,
        %swap3A_245 = vector.shape_cast %swap3A_244 : vector<1x16xf32> to vector<16xf32>
        %swap3A_246 = vector.shape_cast %mul3A_241 : vector<16xf32> to vector<1x16xf32>
        tpu.vector_store %arg13[%swap3A_242, %swap3A_243], %swap3A_246 {strides = array<i32>} : memref<128x32xf32, #tpu.memory_space<vmem>>, vector<1x16xf32>,
        %get3A_247 = arith.index_cast %add3A_232 : i32 to index
        %get3A_248 = arith.constant 16 : index
        %get3A_249 = tpu.vector_load %arg13[%get3A_247, %get3A_248] {strides = array<i32>} : memref<128x32xf32, #tpu.memory_space<vmem>>, vector<1x16xf32>,
        %get3A_250 = vector.shape_cast %get3A_249 : vector<1x16xf32> to vector<16xf32>
        %mul3A_251 = arith.mulf %get3A_250, %gather3A_236 : vector<16xf32>
        %swap3A_252 = arith.index_cast %add3A_232 : i32 to index
        %swap3A_253 = arith.constant 16 : index
        %swap3A_254 = tpu.vector_load %arg13[%swap3A_252, %swap3A_253] {strides = array<i32>} : memref<128x32xf32, #tpu.memory_space<vmem>>, vector<1x16xf32>,
        %swap3A_255 = vector.shape_cast %swap3A_254 : vector<1x16xf32> to vector<16xf32>
        %swap3A_256 = vector.shape_cast %mul3A_251 : vector<16xf32> to vector<1x16xf32>
        tpu.vector_store %arg13[%swap3A_252, %swap3A_253], %swap3A_256 {strides = array<i32>} : memref<128x32xf32, #tpu.memory_space<vmem>>, vector<1x16xf32>,
        %mul3A_257 = arith.constant 16 : i32
        %mul3A_258 = arith.muli %scan3A_140, %mul3A_257 : i32
        %add3A_259 = arith.constant 4 : i32
        %add3A_260 = arith.addi %mul3A_258, %add3A_259 : i32
        %broadcast_in_dim3A_261 = arith.constant 4 : i32
        %broadcast_in_dim3A_262 = vector.broadcast %broadcast_in_dim3A_261 : i32 to vector<16x1xi32>
        %gather3A_263 = vector.shape_cast %broadcast_in_dim3A_262 : vector<16x1xi32> to vector<16xi32>
        %gather3A_264 = tpu.dynamic_gather %get3A_145[%gather3A_263] in [0] : vector<16xf32>, vector<16xi32> -> vector<16xf32>
        %get3A_265 = arith.index_cast %add3A_260 : i32 to index
        %get3A_266 = arith.constant 0 : index
        %get3A_267 = tpu.vector_load %arg13[%get3A_265, %get3A_266] {strides = array<i32>} : memref<128x32xf32, #tpu.memory_space<vmem>>, vector<1x16xf32>,
        %get3A_268 = vector.shape_cast %get3A_267 : vector<1x16xf32> to vector<16xf32>
        %mul3A_269 = arith.mulf %get3A_268, %gather3A_264 : vector<16xf32>
        %swap3A_270 = arith.index_cast %add3A_260 : i32 to index
        %swap3A_271 = arith.constant 0 : index
        %swap3A_272 = tpu.vector_load %arg13[%swap3A_270, %swap3A_271] {strides = array<i32>} : memref<128x32xf32, #tpu.memory_space<vmem>>, vector<1x16xf32>,
        %swap3A_273 = vector.shape_cast %swap3A_272 : vector<1x16xf32> to vector<16xf32>
        %swap3A_274 = vector.shape_cast %mul3A_269 : vector<16xf32> to vector<1x16xf32>
        tpu.vector_store %arg13[%swap3A_270, %swap3A_271], %swap3A_274 {strides = array<i32>} : memref<128x32xf32, #tpu.memory_space<vmem>>, vector<1x16xf32>,
        %get3A_275 = arith.index_cast %add3A_260 : i32 to index
        %get3A_276 = arith.constant 16 : index
        %get3A_277 = tpu.vector_load %arg13[%get3A_275, %get3A_276] {strides = array<i32>} : memref<128x32xf32, #tpu.memory_space<vmem>>, vector<1x16xf32>,
        %get3A_278 = vector.shape_cast %get3A_277 : vector<1x16xf32> to vector<16xf32>
        %mul3A_279 = arith.mulf %get3A_278, %gather3A_264 : vector<16xf32>
        %swap3A_280 = arith.index_cast %add3A_260 : i32 to index
        %swap3A_281 = arith.constant 16 : index
        %swap3A_282 = tpu.vector_load %arg13[%swap3A_280, %swap3A_281] {strides = array<i32>} : memref<128x32xf32, #tpu.memory_space<vmem>>, vector<1x16xf32>,
        %swap3A_283 = vector.shape_cast %swap3A_282 : vector<1x16xf32> to vector<16xf32>
        %swap3A_284 = vector.shape_cast %mul3A_279 : vector<16xf32> to vector<1x16xf32>
        tpu.vector_store %arg13[%swap3A_280, %swap3A_281], %swap3A_284 {strides = array<i32>} : memref<128x32xf32, #tpu.memory_space<vmem>>, vector<1x16xf32>,
        %mul3A_285 = arith.constant 16 : i32
        %mul3A_286 = arith.muli %scan3A_140, %mul3A_285 : i32
        %add3A_287 = arith.constant 5 : i32
        %add3A_288 = arith.addi %mul3A_286, %add3A_287 : i32
        %broadcast_in_dim3A_289 = arith.constant 5 : i32
        %broadcast_in_dim3A_290 = vector.broadcast %broadcast_in_dim3A_289 : i32 to vector<16x1xi32>
        %gather3A_291 = vector.shape_cast %broadcast_in_dim3A_290 : vector<16x1xi32> to vector<16xi32>
        %gather3A_292 = tpu.dynamic_gather %get3A_145[%gather3A_291] in [0] : vector<16xf32>, vector<16xi32> -> vector<16xf32>
        %get3A_293 = arith.index_cast %add3A_288 : i32 to index
        %get3A_294 = arith.constant 0 : index
        %get3A_295 = tpu.vector_load %arg13[%get3A_293, %get3A_294] {strides = array<i32>} : memref<128x32xf32, #tpu.memory_space<vmem>>, vector<1x16xf32>,
        %get3A_296 = vector.shape_cast %get3A_295 : vector<1x16xf32> to vector<16xf32>
        %mul3A_297 = arith.mulf %get3A_296, %gather3A_292 : vector<16xf32>
        %swap3A_298 = arith.index_cast %add3A_288 : i32 to index
        %swap3A_299 = arith.constant 0 : index
        %swap3A_300 = tpu.vector_load %arg13[%swap3A_298, %swap3A_299] {strides = array<i32>} : memref<128x32xf32, #tpu.memory_space<vmem>>, vector<1x16xf32>,
        %swap3A_301 = vector.shape_cast %swap3A_300 : vector<1x16xf32> to vector<16xf32>
        %swap3A_302 = vector.shape_cast %mul3A_297 : vector<16xf32> to vector<1x16xf32>
        tpu.vector_store %arg13[%swap3A_298, %swap3A_299], %swap3A_302 {strides = array<i32>} : memref<128x32xf32, #tpu.memory_space<vmem>>, vector<1x16xf32>,
        %get3A_303 = arith.index_cast %add3A_288 : i32 to index
        %get3A_304 = arith.constant 16 : index
        %get3A_305 = tpu.vector_load %arg13[%get3A_303, %get3A_304] {strides = array<i32>} : memref<128x32xf32, #tpu.memory_space<vmem>>, vector<1x16xf32>,
        %get3A_306 = vector.shape_cast %get3A_305 : vector<1x16xf32> to vector<16xf32>
        %mul3A_307 = arith.mulf %get3A_306, %gather3A_292 : vector<16xf32>
        %swap3A_308 = arith.index_cast %add3A_288 : i32 to index
        %swap3A_309 = arith.constant 16 : index
        %swap3A_310 = tpu.vector_load %arg13[%swap3A_308, %swap3A_309] {strides = array<i32>} : memref<128x32xf32, #tpu.memory_space<vmem>>, vector<1x16xf32>,
        %swap3A_311 = vector.shape_cast %swap3A_310 : vector<1x16xf32> to vector<16xf32>
        %swap3A_312 = vector.shape_cast %mul3A_307 : vector<16xf32> to vector<1x16xf32>
        tpu.vector_store %arg13[%swap3A_308, %swap3A_309], %swap3A_312 {strides = array<i32>} : memref<128x32xf32, #tpu.memory_space<vmem>>, vector<1x16xf32>,
        %mul3A_313 = arith.constant 16 : i32
        %mul3A_314 = arith.muli %scan3A_140, %mul3A_313 : i32
        %add3A_315 = arith.constant 6 : i32
        %add3A_316 = arith.addi %mul3A_314, %add3A_315 : i32
        %broadcast_in_dim3A_317 = arith.constant 6 : i32
        %broadcast_in_dim3A_318 = vector.broadcast %broadcast_in_dim3A_317 : i32 to vector<16x1xi32>
        %gather3A_319 = vector.shape_cast %broadcast_in_dim3A_318 : vector<16x1xi32> to vector<16xi32>
        %gather3A_320 = tpu.dynamic_gather %get3A_145[%gather3A_319] in [0] : vector<16xf32>, vector<16xi32> -> vector<16xf32>
        %get3A_321 = arith.index_cast %add3A_316 : i32 to index
        %get3A_322 = arith.constant 0 : index
        %get3A_323 = tpu.vector_load %arg13[%get3A_321, %get3A_322] {strides = array<i32>} : memref<128x32xf32, #tpu.memory_space<vmem>>, vector<1x16xf32>,
        %get3A_324 = vector.shape_cast %get3A_323 : vector<1x16xf32> to vector<16xf32>
        %mul3A_325 = arith.mulf %get3A_324, %gather3A_320 : vector<16xf32>
        %swap3A_326 = arith.index_cast %add3A_316 : i32 to index
        %swap3A_327 = arith.constant 0 : index
        %swap3A_328 = tpu.vector_load %arg13[%swap3A_326, %swap3A_327] {strides = array<i32>} : memref<128x32xf32, #tpu.memory_space<vmem>>, vector<1x16xf32>,
        %swap3A_329 = vector.shape_cast %swap3A_328 : vector<1x16xf32> to vector<16xf32>
        %swap3A_330 = vector.shape_cast %mul3A_325 : vector<16xf32> to vector<1x16xf32>
        tpu.vector_store %arg13[%swap3A_326, %swap3A_327], %swap3A_330 {strides = array<i32>} : memref<128x32xf32, #tpu.memory_space<vmem>>, vector<1x16xf32>,
        %get3A_331 = arith.index_cast %add3A_316 : i32 to index
        %get3A_332 = arith.constant 16 : index
        %get3A_333 = tpu.vector_load %arg13[%get3A_331, %get3A_332] {strides = array<i32>} : memref<128x32xf32, #tpu.memory_space<vmem>>, vector<1x16xf32>,
        %get3A_334 = vector.shape_cast %get3A_333 : vector<1x16xf32> to vector<16xf32>
        %mul3A_335 = arith.mulf %get3A_334, %gather3A_320 : vector<16xf32>
        %swap3A_336 = arith.index_cast %add3A_316 : i32 to index
        %swap3A_337 = arith.constant 16 : index
        %swap3A_338 = tpu.vector_load %arg13[%swap3A_336, %swap3A_337] {strides = array<i32>} : memref<128x32xf32, #tpu.memory_space<vmem>>, vector<1x16xf32>,
        %swap3A_339 = vector.shape_cast %swap3A_338 : vector<1x16xf32> to vector<16xf32>
        %swap3A_340 = vector.shape_cast %mul3A_335 : vector<16xf32> to vector<1x16xf32>
        tpu.vector_store %arg13[%swap3A_336, %swap3A_337], %swap3A_340 {strides = array<i32>} : memref<128x32xf32, #tpu.memory_space<vmem>>, vector<1x16xf32>,
        %mul3A_341 = arith.constant 16 : i32
        %mul3A_342 = arith.muli %scan3A_140, %mul3A_341 : i32
        %add3A_343 = arith.constant 7 : i32
        %add3A_344 = arith.addi %mul3A_342, %add3A_343 : i32
        %broadcast_in_dim3A_345 = arith.constant 7 : i32
        %broadcast_in_dim3A_346 = vector.broadcast %broadcast_in_dim3A_345 : i32 to vector<16x1xi32>
        %gather3A_347 = vector.shape_cast %broadcast_in_dim3A_346 : vector<16x1xi32> to vector<16xi32>
        %gather3A_348 = tpu.dynamic_gather %get3A_145[%gather3A_347] in [0] : vector<16xf32>, vector<16xi32> -> vector<16xf32>
        %get3A_349 = arith.index_cast %add3A_344 : i32 to index
        %get3A_350 = arith.constant 0 : index
        %get3A_351 = tpu.vector_load %arg13[%get3A_349, %get3A_350] {strides = array<i32>} : memref<128x32xf32, #tpu.memory_space<vmem>>, vector<1x16xf32>,
        %get3A_352 = vector.shape_cast %get3A_351 : vector<1x16xf32> to vector<16xf32>
        %mul3A_353 = arith.mulf %get3A_352, %gather3A_348 : vector<16xf32>
        %swap3A_354 = arith.index_cast %add3A_344 : i32 to index
        %swap3A_355 = arith.constant 0 : index
        %swap3A_356 = tpu.vector_load %arg13[%swap3A_354, %swap3A_355] {strides = array<i32>} : memref<128x32xf32, #tpu.memory_space<vmem>>, vector<1x16xf32>,
        %swap3A_357 = vector.shape_cast %swap3A_356 : vector<1x16xf32> to vector<16xf32>
        %swap3A_358 = vector.shape_cast %mul3A_353 : vector<16xf32> to vector<1x16xf32>
        tpu.vector_store %arg13[%swap3A_354, %swap3A_355], %swap3A_358 {strides = array<i32>} : memref<128x32xf32, #tpu.memory_space<vmem>>, vector<1x16xf32>,
        %get3A_359 = arith.index_cast %add3A_344 : i32 to index
        %get3A_360 = arith.constant 16 : index
        %get3A_361 = tpu.vector_load %arg13[%get3A_359, %get3A_360] {strides = array<i32>} : memref<128x32xf32, #tpu.memory_space<vmem>>, vector<1x16xf32>,
        %get3A_362 = vector.shape_cast %get3A_361 : vector<1x16xf32> to vector<16xf32>
        %mul3A_363 = arith.mulf %get3A_362, %gather3A_348 : vector<16xf32>
        %swap3A_364 = arith.index_cast %add3A_344 : i32 to index
        %swap3A_365 = arith.constant 16 : index
        %swap3A_366 = tpu.vector_load %arg13[%swap3A_364, %swap3A_365] {strides = array<i32>} : memref<128x32xf32, #tpu.memory_space<vmem>>, vector<1x16xf32>,
        %swap3A_367 = vector.shape_cast %swap3A_366 : vector<1x16xf32> to vector<16xf32>
        %swap3A_368 = vector.shape_cast %mul3A_363 : vector<16xf32> to vector<1x16xf32>
        tpu.vector_store %arg13[%swap3A_364, %swap3A_365], %swap3A_368 {strides = array<i32>} : memref<128x32xf32, #tpu.memory_space<vmem>>, vector<1x16xf32>,
        %mul3A_369 = arith.constant 16 : i32
        %mul3A_370 = arith.muli %scan3A_140, %mul3A_369 : i32
        %add3A_371 = arith.constant 8 : i32
        %add3A_372 = arith.addi %mul3A_370, %add3A_371 : i32
        %broadcast_in_dim3A_373 = arith.constant 8 : i32
        %broadcast_in_dim3A_374 = vector.broadcast %broadcast_in_dim3A_373 : i32 to vector<16x1xi32>
        %gather3A_375 = vector.shape_cast %broadcast_in_dim3A_374 : vector<16x1xi32> to vector<16xi32>
        %gather3A_376 = tpu.dynamic_gather %get3A_145[%gather3A_375] in [0] : vector<16xf32>, vector<16xi32> -> vector<16xf32>
        %get3A_377 = arith.index_cast %add3A_372 : i32 to index
        %get3A_378 = arith.constant 0 : index
        %get3A_379 = tpu.vector_load %arg13[%get3A_377, %get3A_378] {strides = array<i32>} : memref<128x32xf32, #tpu.memory_space<vmem>>, vector<1x16xf32>,
        %get3A_380 = vector.shape_cast %get3A_379 : vector<1x16xf32> to vector<16xf32>
        %mul3A_381 = arith.mulf %get3A_380, %gather3A_376 : vector<16xf32>
        %swap3A_382 = arith.index_cast %add3A_372 : i32 to index
        %swap3A_383 = arith.constant 0 : index
        %swap3A_384 = tpu.vector_load %arg13[%swap3A_382, %swap3A_383] {strides = array<i32>} : memref<128x32xf32, #tpu.memory_space<vmem>>, vector<1x16xf32>,
        %swap3A_385 = vector.shape_cast %swap3A_384 : vector<1x16xf32> to vector<16xf32>
        %swap3A_386 = vector.shape_cast %mul3A_381 : vector<16xf32> to vector<1x16xf32>
        tpu.vector_store %arg13[%swap3A_382, %swap3A_383], %swap3A_386 {strides = array<i32>} : memref<128x32xf32, #tpu.memory_space<vmem>>, vector<1x16xf32>,
        %get3A_387 = arith.index_cast %add3A_372 : i32 to index
        %get3A_388 = arith.constant 16 : index
        %get3A_389 = tpu.vector_load %arg13[%get3A_387, %get3A_388] {strides = array<i32>} : memref<128x32xf32, #tpu.memory_space<vmem>>, vector<1x16xf32>,
        %get3A_390 = vector.shape_cast %get3A_389 : vector<1x16xf32> to vector<16xf32>
        %mul3A_391 = arith.mulf %get3A_390, %gather3A_376 : vector<16xf32>
        %swap3A_392 = arith.index_cast %add3A_372 : i32 to index
        %swap3A_393 = arith.constant 16 : index
        %swap3A_394 = tpu.vector_load %arg13[%swap3A_392, %swap3A_393] {strides = array<i32>} : memref<128x32xf32, #tpu.memory_space<vmem>>, vector<1x16xf32>,
        %swap3A_395 = vector.shape_cast %swap3A_394 : vector<1x16xf32> to vector<16xf32>
        %swap3A_396 = vector.shape_cast %mul3A_391 : vector<16xf32> to vector<1x16xf32>
        tpu.vector_store %arg13[%swap3A_392, %swap3A_393], %swap3A_396 {strides = array<i32>} : memref<128x32xf32, #tpu.memory_space<vmem>>, vector<1x16xf32>,
        %mul3A_397 = arith.constant 16 : i32
        %mul3A_398 = arith.muli %scan3A_140, %mul3A_397 : i32
        %add3A_399 = arith.constant 9 : i32
        %add3A_400 = arith.addi %mul3A_398, %add3A_399 : i32
        %broadcast_in_dim3A_401 = arith.constant 9 : i32
        %broadcast_in_dim3A_402 = vector.broadcast %broadcast_in_dim3A_401 : i32 to vector<16x1xi32>
        %gather3A_403 = vector.shape_cast %broadcast_in_dim3A_402 : vector<16x1xi32> to vector<16xi32>
        %gather3A_404 = tpu.dynamic_gather %get3A_145[%gather3A_403] in [0] : vector<16xf32>, vector<16xi32> -> vector<16xf32>
        %get3A_405 = arith.index_cast %add3A_400 : i32 to index
        %get3A_406 = arith.constant 0 : index
        %get3A_407 = tpu.vector_load %arg13[%get3A_405, %get3A_406] {strides = array<i32>} : memref<128x32xf32, #tpu.memory_space<vmem>>, vector<1x16xf32>,
        %get3A_408 = vector.shape_cast %get3A_407 : vector<1x16xf32> to vector<16xf32>
        %mul3A_409 = arith.mulf %get3A_408, %gather3A_404 : vector<16xf32>
        %swap3A_410 = arith.index_cast %add3A_400 : i32 to index
        %swap3A_411 = arith.constant 0 : index
        %swap3A_412 = tpu.vector_load %arg13[%swap3A_410, %swap3A_411] {strides = array<i32>} : memref<128x32xf32, #tpu.memory_space<vmem>>, vector<1x16xf32>,
        %swap3A_413 = vector.shape_cast %swap3A_412 : vector<1x16xf32> to vector<16xf32>
        %swap3A_414 = vector.shape_cast %mul3A_409 : vector<16xf32> to vector<1x16xf32>
        tpu.vector_store %arg13[%swap3A_410, %swap3A_411], %swap3A_414 {strides = array<i32>} : memref<128x32xf32, #tpu.memory_space<vmem>>, vector<1x16xf32>,
        %get3A_415 = arith.index_cast %add3A_400 : i32 to index
        %get3A_416 = arith.constant 16 : index
        %get3A_417 = tpu.vector_load %arg13[%get3A_415, %get3A_416] {strides = array<i32>} : memref<128x32xf32, #tpu.memory_space<vmem>>, vector<1x16xf32>,
        %get3A_418 = vector.shape_cast %get3A_417 : vector<1x16xf32> to vector<16xf32>
        %mul3A_419 = arith.mulf %get3A_418, %gather3A_404 : vector<16xf32>
        %swap3A_420 = arith.index_cast %add3A_400 : i32 to index
        %swap3A_421 = arith.constant 16 : index
        %swap3A_422 = tpu.vector_load %arg13[%swap3A_420, %swap3A_421] {strides = array<i32>} : memref<128x32xf32, #tpu.memory_space<vmem>>, vector<1x16xf32>,
        %swap3A_423 = vector.shape_cast %swap3A_422 : vector<1x16xf32> to vector<16xf32>
        %swap3A_424 = vector.shape_cast %mul3A_419 : vector<16xf32> to vector<1x16xf32>
        tpu.vector_store %arg13[%swap3A_420, %swap3A_421], %swap3A_424 {strides = array<i32>} : memref<128x32xf32, #tpu.memory_space<vmem>>, vector<1x16xf32>,
        %mul3A_425 = arith.constant 16 : i32
        %mul3A_426 = arith.muli %scan3A_140, %mul3A_425 : i32
        %add3A_427 = arith.constant 10 : i32
        %add3A_428 = arith.addi %mul3A_426, %add3A_427 : i32
        %broadcast_in_dim3A_429 = arith.constant 10 : i32
        %broadcast_in_dim3A_430 = vector.broadcast %broadcast_in_dim3A_429 : i32 to vector<16x1xi32>
        %gather3A_431 = vector.shape_cast %broadcast_in_dim3A_430 : vector<16x1xi32> to vector<16xi32>
        %gather3A_432 = tpu.dynamic_gather %get3A_145[%gather3A_431] in [0] : vector<16xf32>, vector<16xi32> -> vector<16xf32>
        %get3A_433 = arith.index_cast %add3A_428 : i32 to index
        %get3A_434 = arith.constant 0 : index
        %get3A_435 = tpu.vector_load %arg13[%get3A_433, %get3A_434] {strides = array<i32>} : memref<128x32xf32, #tpu.memory_space<vmem>>, vector<1x16xf32>,
        %get3A_436 = vector.shape_cast %get3A_435 : vector<1x16xf32> to vector<16xf32>
        %mul3A_437 = arith.mulf %get3A_436, %gather3A_432 : vector<16xf32>
        %swap3A_438 = arith.index_cast %add3A_428 : i32 to index
        %swap3A_439 = arith.constant 0 : index
        %swap3A_440 = tpu.vector_load %arg13[%swap3A_438, %swap3A_439] {strides = array<i32>} : memref<128x32xf32, #tpu.memory_space<vmem>>, vector<1x16xf32>,
        %swap3A_441 = vector.shape_cast %swap3A_440 : vector<1x16xf32> to vector<16xf32>
        %swap3A_442 = vector.shape_cast %mul3A_437 : vector<16xf32> to vector<1x16xf32>
        tpu.vector_store %arg13[%swap3A_438, %swap3A_439], %swap3A_442 {strides = array<i32>} : memref<128x32xf32, #tpu.memory_space<vmem>>, vector<1x16xf32>,
        %get3A_443 = arith.index_cast %add3A_428 : i32 to index
        %get3A_444 = arith.constant 16 : index
        %get3A_445 = tpu.vector_load %arg13[%get3A_443, %get3A_444] {strides = array<i32>} : memref<128x32xf32, #tpu.memory_space<vmem>>, vector<1x16xf32>,
        %get3A_446 = vector.shape_cast %get3A_445 : vector<1x16xf32> to vector<16xf32>
        %mul3A_447 = arith.mulf %get3A_446, %gather3A_432 : vector<16xf32>
        %swap3A_448 = arith.index_cast %add3A_428 : i32 to index
        %swap3A_449 = arith.constant 16 : index
        %swap3A_450 = tpu.vector_load %arg13[%swap3A_448, %swap3A_449] {strides = array<i32>} : memref<128x32xf32, #tpu.memory_space<vmem>>, vector<1x16xf32>,
        %swap3A_451 = vector.shape_cast %swap3A_450 : vector<1x16xf32> to vector<16xf32>
        %swap3A_452 = vector.shape_cast %mul3A_447 : vector<16xf32> to vector<1x16xf32>
        tpu.vector_store %arg13[%swap3A_448, %swap3A_449], %swap3A_452 {strides = array<i32>} : memref<128x32xf32, #tpu.memory_space<vmem>>, vector<1x16xf32>,
        %mul3A_453 = arith.constant 16 : i32
        %mul3A_454 = arith.muli %scan3A_140, %mul3A_453 : i32
        %add3A_455 = arith.constant 11 : i32
        %add3A_456 = arith.addi %mul3A_454, %add3A_455 : i32
        %broadcast_in_dim3A_457 = arith.constant 11 : i32
        %broadcast_in_dim3A_458 = vector.broadcast %broadcast_in_dim3A_457 : i32 to vector<16x1xi32>
        %gather3A_459 = vector.shape_cast %broadcast_in_dim3A_458 : vector<16x1xi32> to vector<16xi32>
        %gather3A_460 = tpu.dynamic_gather %get3A_145[%gather3A_459] in [0] : vector<16xf32>, vector<16xi32> -> vector<16xf32>
        %get3A_461 = arith.index_cast %add3A_456 : i32 to index
        %get3A_462 = arith.constant 0 : index
        %get3A_463 = tpu.vector_load %arg13[%get3A_461, %get3A_462] {strides = array<i32>} : memref<128x32xf32, #tpu.memory_space<vmem>>, vector<1x16xf32>,
        %get3A_464 = vector.shape_cast %get3A_463 : vector<1x16xf32> to vector<16xf32>
        %mul3A_465 = arith.mulf %get3A_464, %gather3A_460 : vector<16xf32>
        %swap3A_466 = arith.index_cast %add3A_456 : i32 to index
        %swap3A_467 = arith.constant 0 : index
        %swap3A_468 = tpu.vector_load %arg13[%swap3A_466, %swap3A_467] {strides = array<i32>} : memref<128x32xf32, #tpu.memory_space<vmem>>, vector<1x16xf32>,
        %swap3A_469 = vector.shape_cast %swap3A_468 : vector<1x16xf32> to vector<16xf32>
        %swap3A_470 = vector.shape_cast %mul3A_465 : vector<16xf32> to vector<1x16xf32>
        tpu.vector_store %arg13[%swap3A_466, %swap3A_467], %swap3A_470 {strides = array<i32>} : memref<128x32xf32, #tpu.memory_space<vmem>>, vector<1x16xf32>,
        %get3A_471 = arith.index_cast %add3A_456 : i32 to index
        %get3A_472 = arith.constant 16 : index
        %get3A_473 = tpu.vector_load %arg13[%get3A_471, %get3A_472] {strides = array<i32>} : memref<128x32xf32, #tpu.memory_space<vmem>>, vector<1x16xf32>,
        %get3A_474 = vector.shape_cast %get3A_473 : vector<1x16xf32> to vector<16xf32>
        %mul3A_475 = arith.mulf %get3A_474, %gather3A_460 : vector<16xf32>
        %swap3A_476 = arith.index_cast %add3A_456 : i32 to index
        %swap3A_477 = arith.constant 16 : index
        %swap3A_478 = tpu.vector_load %arg13[%swap3A_476, %swap3A_477] {strides = array<i32>} : memref<128x32xf32, #tpu.memory_space<vmem>>, vector<1x16xf32>,
        %swap3A_479 = vector.shape_cast %swap3A_478 : vector<1x16xf32> to vector<16xf32>
        %swap3A_480 = vector.shape_cast %mul3A_475 : vector<16xf32> to vector<1x16xf32>
        tpu.vector_store %arg13[%swap3A_476, %swap3A_477], %swap3A_480 {strides = array<i32>} : memref<128x32xf32, #tpu.memory_space<vmem>>, vector<1x16xf32>,
        %mul3A_481 = arith.constant 16 : i32
        %mul3A_482 = arith.muli %scan3A_140, %mul3A_481 : i32
        %add3A_483 = arith.constant 12 : i32
        %add3A_484 = arith.addi %mul3A_482, %add3A_483 : i32
        %broadcast_in_dim3A_485 = arith.constant 12 : i32
        %broadcast_in_dim3A_486 = vector.broadcast %broadcast_in_dim3A_485 : i32 to vector<16x1xi32>
        %gather3A_487 = vector.shape_cast %broadcast_in_dim3A_486 : vector<16x1xi32> to vector<16xi32>
        %gather3A_488 = tpu.dynamic_gather %get3A_145[%gather3A_487] in [0] : vector<16xf32>, vector<16xi32> -> vector<16xf32>
        %get3A_489 = arith.index_cast %add3A_484 : i32 to index
        %get3A_490 = arith.constant 0 : index
        %get3A_491 = tpu.vector_load %arg13[%get3A_489, %get3A_490] {strides = array<i32>} : memref<128x32xf32, #tpu.memory_space<vmem>>, vector<1x16xf32>,
        %get3A_492 = vector.shape_cast %get3A_491 : vector<1x16xf32> to vector<16xf32>
        %mul3A_493 = arith.mulf %get3A_492, %gather3A_488 : vector<16xf32>
        %swap3A_494 = arith.index_cast %add3A_484 : i32 to index
        %swap3A_495 = arith.constant 0 : index
        %swap3A_496 = tpu.vector_load %arg13[%swap3A_494, %swap3A_495] {strides = array<i32>} : memref<128x32xf32, #tpu.memory_space<vmem>>, vector<1x16xf32>,
        %swap3A_497 = vector.shape_cast %swap3A_496 : vector<1x16xf32> to vector<16xf32>
        %swap3A_498 = vector.shape_cast %mul3A_493 : vector<16xf32> to vector<1x16xf32>
        tpu.vector_store %arg13[%swap3A_494, %swap3A_495], %swap3A_498 {strides = array<i32>} : memref<128x32xf32, #tpu.memory_space<vmem>>, vector<1x16xf32>,
        %get3A_499 = arith.index_cast %add3A_484 : i32 to index
        %get3A_500 = arith.constant 16 : index
        %get3A_501 = tpu.vector_load %arg13[%get3A_499, %get3A_500] {strides = array<i32>} : memref<128x32xf32, #tpu.memory_space<vmem>>, vector<1x16xf32>,
        %get3A_502 = vector.shape_cast %get3A_501 : vector<1x16xf32> to vector<16xf32>
        %mul3A_503 = arith.mulf %get3A_502, %gather3A_488 : vector<16xf32>
        %swap3A_504 = arith.index_cast %add3A_484 : i32 to index
        %swap3A_505 = arith.constant 16 : index
        %swap3A_506 = tpu.vector_load %arg13[%swap3A_504, %swap3A_505] {strides = array<i32>} : memref<128x32xf32, #tpu.memory_space<vmem>>, vector<1x16xf32>,
        %swap3A_507 = vector.shape_cast %swap3A_506 : vector<1x16xf32> to vector<16xf32>
        %swap3A_508 = vector.shape_cast %mul3A_503 : vector<16xf32> to vector<1x16xf32>
        tpu.vector_store %arg13[%swap3A_504, %swap3A_505], %swap3A_508 {strides = array<i32>} : memref<128x32xf32, #tpu.memory_space<vmem>>, vector<1x16xf32>,
        %mul3A_509 = arith.constant 16 : i32
        %mul3A_510 = arith.muli %scan3A_140, %mul3A_509 : i32
        %add3A_511 = arith.constant 13 : i32
        %add3A_512 = arith.addi %mul3A_510, %add3A_511 : i32
        %broadcast_in_dim3A_513 = arith.constant 13 : i32
        %broadcast_in_dim3A_514 = vector.broadcast %broadcast_in_dim3A_513 : i32 to vector<16x1xi32>
        %gather3A_515 = vector.shape_cast %broadcast_in_dim3A_514 : vector<16x1xi32> to vector<16xi32>
        %gather3A_516 = tpu.dynamic_gather %get3A_145[%gather3A_515] in [0] : vector<16xf32>, vector<16xi32> -> vector<16xf32>
        %get3A_517 = arith.index_cast %add3A_512 : i32 to index
        %get3A_518 = arith.constant 0 : index
        %get3A_519 = tpu.vector_load %arg13[%get3A_517, %get3A_518] {strides = array<i32>} : memref<128x32xf32, #tpu.memory_space<vmem>>, vector<1x16xf32>,
        %get3A_520 = vector.shape_cast %get3A_519 : vector<1x16xf32> to vector<16xf32>
        %mul3A_521 = arith.mulf %get3A_520, %gather3A_516 : vector<16xf32>
        %swap3A_522 = arith.index_cast %add3A_512 : i32 to index
        %swap3A_523 = arith.constant 0 : index
        %swap3A_524 = tpu.vector_load %arg13[%swap3A_522, %swap3A_523] {strides = array<i32>} : memref<128x32xf32, #tpu.memory_space<vmem>>, vector<1x16xf32>,
        %swap3A_525 = vector.shape_cast %swap3A_524 : vector<1x16xf32> to vector<16xf32>
        %swap3A_526 = vector.shape_cast %mul3A_521 : vector<16xf32> to vector<1x16xf32>
        tpu.vector_store %arg13[%swap3A_522, %swap3A_523], %swap3A_526 {strides = array<i32>} : memref<128x32xf32, #tpu.memory_space<vmem>>, vector<1x16xf32>,
        %get3A_527 = arith.index_cast %add3A_512 : i32 to index
        %get3A_528 = arith.constant 16 : index
        %get3A_529 = tpu.vector_load %arg13[%get3A_527, %get3A_528] {strides = array<i32>} : memref<128x32xf32, #tpu.memory_space<vmem>>, vector<1x16xf32>,
        %get3A_530 = vector.shape_cast %get3A_529 : vector<1x16xf32> to vector<16xf32>
        %mul3A_531 = arith.mulf %get3A_530, %gather3A_516 : vector<16xf32>
        %swap3A_532 = arith.index_cast %add3A_512 : i32 to index
        %swap3A_533 = arith.constant 16 : index
        %swap3A_534 = tpu.vector_load %arg13[%swap3A_532, %swap3A_533] {strides = array<i32>} : memref<128x32xf32, #tpu.memory_space<vmem>>, vector<1x16xf32>,
        %swap3A_535 = vector.shape_cast %swap3A_534 : vector<1x16xf32> to vector<16xf32>
        %swap3A_536 = vector.shape_cast %mul3A_531 : vector<16xf32> to vector<1x16xf32>
        tpu.vector_store %arg13[%swap3A_532, %swap3A_533], %swap3A_536 {strides = array<i32>} : memref<128x32xf32, #tpu.memory_space<vmem>>, vector<1x16xf32>,
        %mul3A_537 = arith.constant 16 : i32
        %mul3A_538 = arith.muli %scan3A_140, %mul3A_537 : i32
        %add3A_539 = arith.constant 14 : i32
        %add3A_540 = arith.addi %mul3A_538, %add3A_539 : i32
        %broadcast_in_dim3A_541 = arith.constant 14 : i32
        %broadcast_in_dim3A_542 = vector.broadcast %broadcast_in_dim3A_541 : i32 to vector<16x1xi32>
        %gather3A_543 = vector.shape_cast %broadcast_in_dim3A_542 : vector<16x1xi32> to vector<16xi32>
        %gather3A_544 = tpu.dynamic_gather %get3A_145[%gather3A_543] in [0] : vector<16xf32>, vector<16xi32> -> vector<16xf32>
        %get3A_545 = arith.index_cast %add3A_540 : i32 to index
        %get3A_546 = arith.constant 0 : index
        %get3A_547 = tpu.vector_load %arg13[%get3A_545, %get3A_546] {strides = array<i32>} : memref<128x32xf32, #tpu.memory_space<vmem>>, vector<1x16xf32>,
        %get3A_548 = vector.shape_cast %get3A_547 : vector<1x16xf32> to vector<16xf32>
        %mul3A_549 = arith.mulf %get3A_548, %gather3A_544 : vector<16xf32>
        %swap3A_550 = arith.index_cast %add3A_540 : i32 to index
        %swap3A_551 = arith.constant 0 : index
        %swap3A_552 = tpu.vector_load %arg13[%swap3A_550, %swap3A_551] {strides = array<i32>} : memref<128x32xf32, #tpu.memory_space<vmem>>, vector<1x16xf32>,
        %swap3A_553 = vector.shape_cast %swap3A_552 : vector<1x16xf32> to vector<16xf32>
        %swap3A_554 = vector.shape_cast %mul3A_549 : vector<16xf32> to vector<1x16xf32>
        tpu.vector_store %arg13[%swap3A_550, %swap3A_551], %swap3A_554 {strides = array<i32>} : memref<128x32xf32, #tpu.memory_space<vmem>>, vector<1x16xf32>,
        %get3A_555 = arith.index_cast %add3A_540 : i32 to index
        %get3A_556 = arith.constant 16 : index
        %get3A_557 = tpu.vector_load %arg13[%get3A_555, %get3A_556] {strides = array<i32>} : memref<128x32xf32, #tpu.memory_space<vmem>>, vector<1x16xf32>,
        %get3A_558 = vector.shape_cast %get3A_557 : vector<1x16xf32> to vector<16xf32>
        %mul3A_559 = arith.mulf %get3A_558, %gather3A_544 : vector<16xf32>
        %swap3A_560 = arith.index_cast %add3A_540 : i32 to index
        %swap3A_561 = arith.constant 16 : index
        %swap3A_562 = tpu.vector_load %arg13[%swap3A_560, %swap3A_561] {strides = array<i32>} : memref<128x32xf32, #tpu.memory_space<vmem>>, vector<1x16xf32>,
        %swap3A_563 = vector.shape_cast %swap3A_562 : vector<1x16xf32> to vector<16xf32>
        %swap3A_564 = vector.shape_cast %mul3A_559 : vector<16xf32> to vector<1x16xf32>
        tpu.vector_store %arg13[%swap3A_560, %swap3A_561], %swap3A_564 {strides = array<i32>} : memref<128x32xf32, #tpu.memory_space<vmem>>, vector<1x16xf32>,
        %mul3A_565 = arith.constant 16 : i32
        %mul3A_566 = arith.muli %scan3A_140, %mul3A_565 : i32
        %add3A_567 = arith.constant 15 : i32
        %add3A_568 = arith.addi %mul3A_566, %add3A_567 : i32
        %broadcast_in_dim3A_569 = arith.constant 15 : i32
        %broadcast_in_dim3A_570 = vector.broadcast %broadcast_in_dim3A_569 : i32 to vector<16x1xi32>
        %gather3A_571 = vector.shape_cast %broadcast_in_dim3A_570 : vector<16x1xi32> to vector<16xi32>
        %gather3A_572 = tpu.dynamic_gather %get3A_145[%gather3A_571] in [0] : vector<16xf32>, vector<16xi32> -> vector<16xf32>
        %get3A_573 = arith.index_cast %add3A_568 : i32 to index
        %get3A_574 = arith.constant 0 : index
        %get3A_575 = tpu.vector_load %arg13[%get3A_573, %get3A_574] {strides = array<i32>} : memref<128x32xf32, #tpu.memory_space<vmem>>, vector<1x16xf32>,
        %get3A_576 = vector.shape_cast %get3A_575 : vector<1x16xf32> to vector<16xf32>
        %mul3A_577 = arith.mulf %get3A_576, %gather3A_572 : vector<16xf32>
        %swap3A_578 = arith.index_cast %add3A_568 : i32 to index
        %swap3A_579 = arith.constant 0 : index
        %swap3A_580 = tpu.vector_load %arg13[%swap3A_578, %swap3A_579] {strides = array<i32>} : memref<128x32xf32, #tpu.memory_space<vmem>>, vector<1x16xf32>,
        %swap3A_581 = vector.shape_cast %swap3A_580 : vector<1x16xf32> to vector<16xf32>
        %swap3A_582 = vector.shape_cast %mul3A_577 : vector<16xf32> to vector<1x16xf32>
        tpu.vector_store %arg13[%swap3A_578, %swap3A_579], %swap3A_582 {strides = array<i32>} : memref<128x32xf32, #tpu.memory_space<vmem>>, vector<1x16xf32>,
        %get3A_583 = arith.index_cast %add3A_568 : i32 to index
        %get3A_584 = arith.constant 16 : index
        %get3A_585 = tpu.vector_load %arg13[%get3A_583, %get3A_584] {strides = array<i32>} : memref<128x32xf32, #tpu.memory_space<vmem>>, vector<1x16xf32>,
        %get3A_586 = vector.shape_cast %get3A_585 : vector<1x16xf32> to vector<16xf32>
        %mul3A_587 = arith.mulf %get3A_586, %gather3A_572 : vector<16xf32>
        %swap3A_588 = arith.index_cast %add3A_568 : i32 to index
        %swap3A_589 = arith.constant 16 : index
        %swap3A_590 = tpu.vector_load %arg13[%swap3A_588, %swap3A_589] {strides = array<i32>} : memref<128x32xf32, #tpu.memory_space<vmem>>, vector<1x16xf32>,
        %swap3A_591 = vector.shape_cast %swap3A_590 : vector<1x16xf32> to vector<16xf32>
        %swap3A_592 = vector.shape_cast %mul3A_587 : vector<16xf32> to vector<1x16xf32>
        tpu.vector_store %arg13[%swap3A_588, %swap3A_589], %swap3A_592 {strides = array<i32>} : memref<128x32xf32, #tpu.memory_space<vmem>>, vector<1x16xf32>,
      }
      %scan3A_139 = arith.constant 8 : i32
      "tpu.region"() ({
        %run_scoped3A = tpu.sem_alloc : memref<!tpu.dma_semaphore, #tpu.memory_space<semaphore_mem>>
        %dma_start3A_140 = arith.constant 0 : i32
        %dma_start3A_141 = arith.constant 0 : i32
        %dma_start3A_142 = tpu.memref_slice %arg9[%dma_start3A_140, %dma_start3A_141] : memref<50048x32xf32, #tpu.memory_space<vmem_shared>> -> memref<50048x32xf32, #tpu.memory_space<vmem_shared>>
        tpu.enqueue_indirect_dma source(%arg13 : memref<128x32xf32, #tpu.memory_space<vmem>>) target(%dma_start3A_142 : memref<50048x32xf32, #tpu.memory_space<vmem_shared>>) offsets(%arg11 : memref<128xi32, #tpu.memory_space<vmem>>) semaphore(%run_scoped3A : memref<!tpu.dma_semaphore, #tpu.memory_space<semaphore_mem>>) {add = true}
        %dma_wait3A_143 = arith.constant 0 : i32
        %dma_wait3A_144 = arith.constant 0 : i32
        %dma_wait3A_145 = tpu.memref_slice %arg9[%dma_wait3A_143, %dma_wait3A_144] : memref<50048x32xf32, #tpu.memory_space<vmem_shared>> -> memref<50048x32xf32, #tpu.memory_space<vmem_shared>>
        tpu.wait_indirect_dma semaphore(%run_scoped3A : memref<!tpu.dma_semaphore, #tpu.memory_space<semaphore_mem>>) src(%arg13 : memref<128x32xf32, #tpu.memory_space<vmem>>) dst(%dma_wait3A_145 : memref<50048x32xf32, #tpu.memory_space<vmem_shared>>)
        tpu.yield
      }) : () -> ()
    }
    %scan3A_20 = arith.constant 400 : i32
    %barrier3A_21 = arith.constant 0 : index
    tpu.barrier barrier_id(%barrier3A_21)
    %scan3A_22 = arith.constant 0 : i32
    %scan3A_23 = arith.constant 0 : i32
    %scan3A_24 = arith.constant 17 : i32
    %scan3A_25 = arith.addi %scan3A_23, %scan3A_24 : i32
    %scan3A_26 = arith.constant 1 : i32
    scf.for %scan3A_57 = %scan3A_23 to %scan3A_25 step %scan3A_26  : i32 {
      %mul3A_58 = arith.constant 184 : i32
      %mul3A_59 = arith.muli %scan3A_57, %mul3A_58 : i32
      %add3A = arith.addi %mul3A_2, %mul3A_59 : i32
      %add3A_60 = arith.addi %mul3A_0, %add3A : i32
      "tpu.region"() ({
        %run_scoped3A = tpu.sem_alloc : memref<!tpu.dma_semaphore, #tpu.memory_space<semaphore_mem>>
        %dma_start3A = arith.constant 0 : i32
        %dma_start3A_61 = tpu.memref_slice %arg6[%add3A_60, %dma_start3A] : memref<100096x32xf32, #tpu.memory_space<hbm>> -> memref<184x32xf32, #tpu.memory_space<hbm>>
        %dma_start3A_62 = arith.constant 0 : i32
        %dma_start3A_63 = tpu.memref_slice %arg9[%add3A, %dma_start3A_62] : memref<50048x32xf32, #tpu.memory_space<vmem_shared>> -> memref<184x32xf32, #tpu.memory_space<vmem_shared>>
        tpu.enqueue_dma source(%dma_start3A_63 : memref<184x32xf32, #tpu.memory_space<vmem_shared>>) target(%dma_start3A_61 : memref<184x32xf32, #tpu.memory_space<hbm>>) target_semaphore(%run_scoped3A : memref<!tpu.dma_semaphore, #tpu.memory_space<semaphore_mem>>)
        %dma_wait3A = arith.constant 0 : i32
        %dma_wait3A_64 = tpu.memref_slice %arg6[%add3A_60, %dma_wait3A] : memref<100096x32xf32, #tpu.memory_space<hbm>> -> memref<184x32xf32, #tpu.memory_space<hbm>>
        %dma_wait3A_65 = arith.constant 0 : i32
        %dma_wait3A_66 = tpu.memref_slice %arg9[%add3A, %dma_wait3A_65] : memref<50048x32xf32, #tpu.memory_space<vmem_shared>> -> memref<184x32xf32, #tpu.memory_space<vmem_shared>>
        tpu.wait_dma2 semaphore(%run_scoped3A : memref<!tpu.dma_semaphore, #tpu.memory_space<semaphore_mem>>) src(%dma_wait3A_66 : memref<184x32xf32, #tpu.memory_space<vmem_shared>>) dst(%dma_wait3A_64 : memref<184x32xf32, #tpu.memory_space<hbm>>)
        tpu.yield
      }) : () -> ()
      "tpu.region"() ({
        %run_scoped3A = tpu.sem_alloc : memref<!tpu.dma_semaphore, #tpu.memory_space<semaphore_mem>>
        %dma_start3A = arith.constant 0 : i32
        %dma_start3A_61 = tpu.memref_slice %arg9[%add3A, %dma_start3A] : memref<50048x32xf32, #tpu.memory_space<vmem_shared>> -> memref<184x32xf32, #tpu.memory_space<vmem_shared>>
        %dma_start3A_62 = arith.constant 0 : i32
        %dma_start3A_63 = tpu.memref_slice %arg9[%add3A, %dma_start3A_62] : memref<50048x32xf32, #tpu.memory_space<vmem_shared>> -> memref<184x32xf32, #tpu.memory_space<vmem_shared>>
        tpu.enqueue_dma source(%arg14 : memref<184x32xf32, #tpu.memory_space<vmem>>) target(%dma_start3A_63 : memref<184x32xf32, #tpu.memory_space<vmem_shared>>) target_semaphore(%run_scoped3A : memref<!tpu.dma_semaphore, #tpu.memory_space<semaphore_mem>>)
        %dma_wait3A = arith.constant 0 : i32
        %dma_wait3A_64 = tpu.memref_slice %arg9[%add3A, %dma_wait3A] : memref<50048x32xf32, #tpu.memory_space<vmem_shared>> -> memref<184x32xf32, #tpu.memory_space<vmem_shared>>
        %dma_wait3A_65 = arith.constant 0 : i32
        %dma_wait3A_66 = tpu.memref_slice %arg9[%add3A, %dma_wait3A_65] : memref<50048x32xf32, #tpu.memory_space<vmem_shared>> -> memref<184x32xf32, #tpu.memory_space<vmem_shared>>
        tpu.wait_dma2 semaphore(%run_scoped3A : memref<!tpu.dma_semaphore, #tpu.memory_space<semaphore_mem>>) src(%arg14 : memref<184x32xf32, #tpu.memory_space<vmem>>) dst(%dma_wait3A_66 : memref<184x32xf32, #tpu.memory_space<vmem_shared>>)
        tpu.yield
      }) : () -> ()
    }
    %scan3A_27 = arith.constant 17 : i32
    %barrier3A_28 = arith.constant 0 : index
    tpu.barrier barrier_id(%barrier3A_28)
    %scan3A_29 = arith.constant 0 : i32
    %scan3A_30 = arith.constant 0 : i32
    %scan3A_31 = arith.constant 400 : i32
    %scan3A_32 = arith.addi %scan3A_30, %scan3A_31 : i32
    %scan3A_33 = arith.constant 1 : i32
    scf.for %scan3A_57 = %scan3A_30 to %scan3A_32 step %scan3A_33  : i32 {
      %mul3A_58 = arith.constant 400 : i32
      %mul3A_59 = arith.muli %arg1, %mul3A_58 : i32
      %add3A = arith.addi %mul3A_59, %scan3A_57 : i32
      "tpu.region"() ({
        %run_scoped3A = tpu.sem_alloc : memref<!tpu.dma_semaphore, #tpu.memory_space<semaphore_mem>>
        %dma_start3A_140 = arith.constant 0 : i32
        %dma_start3A_141 = tpu.memref_slice %arg3[%add3A, %dma_start3A_140] : memref<6400x128xi32, #tpu.memory_space<hbm>> -> memref<1x128xi32, #tpu.memory_space<hbm>>
        %dma_start3A_142 = tpu.memref_squeeze %dma_start3A_141 : memref<1x128xi32, #tpu.memory_space<hbm>> -> memref<128xi32, #tpu.memory_space<hbm>>
        %dma_start3A_143 = arith.constant 0 : i32
        %dma_start3A_144 = tpu.memref_slice %arg3[%add3A, %dma_start3A_143] : memref<6400x128xi32, #tpu.memory_space<hbm>> -> memref<1x128xi32, #tpu.memory_space<hbm>>
        %dma_start3A_145 = tpu.memref_squeeze %dma_start3A_144 : memref<1x128xi32, #tpu.memory_space<hbm>> -> memref<128xi32, #tpu.memory_space<hbm>>
        tpu.enqueue_dma source(%dma_start3A_145 : memref<128xi32, #tpu.memory_space<hbm>>) target(%arg10 : memref<128xi32, #tpu.memory_space<vmem>>) target_semaphore(%run_scoped3A : memref<!tpu.dma_semaphore, #tpu.memory_space<semaphore_mem>>)
        %dma_wait3A_146 = arith.constant 0 : i32
        %dma_wait3A_147 = tpu.memref_slice %arg3[%add3A, %dma_wait3A_146] : memref<6400x128xi32, #tpu.memory_space<hbm>> -> memref<1x128xi32, #tpu.memory_space<hbm>>
        %dma_wait3A_148 = tpu.memref_squeeze %dma_wait3A_147 : memref<1x128xi32, #tpu.memory_space<hbm>> -> memref<128xi32, #tpu.memory_space<hbm>>
        %dma_wait3A_149 = arith.constant 0 : i32
        %dma_wait3A_150 = tpu.memref_slice %arg3[%add3A, %dma_wait3A_149] : memref<6400x128xi32, #tpu.memory_space<hbm>> -> memref<1x128xi32, #tpu.memory_space<hbm>>
        %dma_wait3A_151 = tpu.memref_squeeze %dma_wait3A_150 : memref<1x128xi32, #tpu.memory_space<hbm>> -> memref<128xi32, #tpu.memory_space<hbm>>
        tpu.wait_dma2 semaphore(%run_scoped3A : memref<!tpu.dma_semaphore, #tpu.memory_space<semaphore_mem>>) src(%dma_wait3A_151 : memref<128xi32, #tpu.memory_space<hbm>>) dst(%arg10 : memref<128xi32, #tpu.memory_space<vmem>>)
        tpu.yield
      }) : () -> ()
      "tpu.region"() ({
        %run_scoped3A = tpu.sem_alloc : memref<!tpu.dma_semaphore, #tpu.memory_space<semaphore_mem>>
        %dma_start3A_140 = arith.constant 0 : i32
        %dma_start3A_141 = tpu.memref_slice %arg4[%add3A, %dma_start3A_140] : memref<6400x128xi32, #tpu.memory_space<hbm>> -> memref<1x128xi32, #tpu.memory_space<hbm>>
        %dma_start3A_142 = tpu.memref_squeeze %dma_start3A_141 : memref<1x128xi32, #tpu.memory_space<hbm>> -> memref<128xi32, #tpu.memory_space<hbm>>
        %dma_start3A_143 = arith.constant 0 : i32
        %dma_start3A_144 = tpu.memref_slice %arg4[%add3A, %dma_start3A_143] : memref<6400x128xi32, #tpu.memory_space<hbm>> -> memref<1x128xi32, #tpu.memory_space<hbm>>
        %dma_start3A_145 = tpu.memref_squeeze %dma_start3A_144 : memref<1x128xi32, #tpu.memory_space<hbm>> -> memref<128xi32, #tpu.memory_space<hbm>>
        tpu.enqueue_dma source(%dma_start3A_145 : memref<128xi32, #tpu.memory_space<hbm>>) target(%arg11 : memref<128xi32, #tpu.memory_space<vmem>>) target_semaphore(%run_scoped3A : memref<!tpu.dma_semaphore, #tpu.memory_space<semaphore_mem>>)
        %dma_wait3A_146 = arith.constant 0 : i32
        %dma_wait3A_147 = tpu.memref_slice %arg4[%add3A, %dma_wait3A_146] : memref<6400x128xi32, #tpu.memory_space<hbm>> -> memref<1x128xi32, #tpu.memory_space<hbm>>
        %dma_wait3A_148 = tpu.memref_squeeze %dma_wait3A_147 : memref<1x128xi32, #tpu.memory_space<hbm>> -> memref<128xi32, #tpu.memory_space<hbm>>
        %dma_wait3A_149 = arith.constant 0 : i32
        %dma_wait3A_150 = tpu.memref_slice %arg4[%add3A, %dma_wait3A_149] : memref<6400x128xi32, #tpu.memory_space<hbm>> -> memref<1x128xi32, #tpu.memory_space<hbm>>
        %dma_wait3A_151 = tpu.memref_squeeze %dma_wait3A_150 : memref<1x128xi32, #tpu.memory_space<hbm>> -> memref<128xi32, #tpu.memory_space<hbm>>
        tpu.wait_dma2 semaphore(%run_scoped3A : memref<!tpu.dma_semaphore, #tpu.memory_space<semaphore_mem>>) src(%dma_wait3A_151 : memref<128xi32, #tpu.memory_space<hbm>>) dst(%arg11 : memref<128xi32, #tpu.memory_space<vmem>>)
        tpu.yield
      }) : () -> ()
      "tpu.region"() ({
        %run_scoped3A = tpu.sem_alloc : memref<!tpu.dma_semaphore, #tpu.memory_space<semaphore_mem>>
        %dma_start3A_140 = arith.constant 0 : i32
        %dma_start3A_141 = tpu.memref_slice %arg5[%add3A, %dma_start3A_140] : memref<6400x128xf32, #tpu.memory_space<hbm>> -> memref<1x128xf32, #tpu.memory_space<hbm>>
        %dma_start3A_142 = tpu.memref_squeeze %dma_start3A_141 : memref<1x128xf32, #tpu.memory_space<hbm>> -> memref<128xf32, #tpu.memory_space<hbm>>
        %dma_start3A_143 = arith.constant 0 : i32
        %dma_start3A_144 = tpu.memref_slice %arg5[%add3A, %dma_start3A_143] : memref<6400x128xf32, #tpu.memory_space<hbm>> -> memref<1x128xf32, #tpu.memory_space<hbm>>
        %dma_start3A_145 = tpu.memref_squeeze %dma_start3A_144 : memref<1x128xf32, #tpu.memory_space<hbm>> -> memref<128xf32, #tpu.memory_space<hbm>>
        tpu.enqueue_dma source(%dma_start3A_145 : memref<128xf32, #tpu.memory_space<hbm>>) target(%arg12 : memref<128xf32, #tpu.memory_space<vmem>>) target_semaphore(%run_scoped3A : memref<!tpu.dma_semaphore, #tpu.memory_space<semaphore_mem>>)
        %dma_wait3A_146 = arith.constant 0 : i32
        %dma_wait3A_147 = tpu.memref_slice %arg5[%add3A, %dma_wait3A_146] : memref<6400x128xf32, #tpu.memory_space<hbm>> -> memref<1x128xf32, #tpu.memory_space<hbm>>
        %dma_wait3A_148 = tpu.memref_squeeze %dma_wait3A_147 : memref<1x128xf32, #tpu.memory_space<hbm>> -> memref<128xf32, #tpu.memory_space<hbm>>
        %dma_wait3A_149 = arith.constant 0 : i32
        %dma_wait3A_150 = tpu.memref_slice %arg5[%add3A, %dma_wait3A_149] : memref<6400x128xf32, #tpu.memory_space<hbm>> -> memref<1x128xf32, #tpu.memory_space<hbm>>
        %dma_wait3A_151 = tpu.memref_squeeze %dma_wait3A_150 : memref<1x128xf32, #tpu.memory_space<hbm>> -> memref<128xf32, #tpu.memory_space<hbm>>
        tpu.wait_dma2 semaphore(%run_scoped3A : memref<!tpu.dma_semaphore, #tpu.memory_space<semaphore_mem>>) src(%dma_wait3A_151 : memref<128xf32, #tpu.memory_space<hbm>>) dst(%arg12 : memref<128xf32, #tpu.memory_space<vmem>>)
        tpu.yield
      }) : () -> ()
      %get3A = arith.constant 0 : index
      %get3A_60 = tpu.vector_load %arg10[%get3A] {strides = array<i32>} : memref<128xi32, #tpu.memory_space<vmem>>, vector<16xi32>,
      %get3A_61 = vector.shape_cast %get3A_60 : vector<16xi32> to vector<16xi32>
      %add3A_62 = vector.broadcast %mul3A_0 : i32 to vector<16xi32>
      %add3A_63 = arith.addi %get3A_61, %add3A_62 : vector<16xi32>
      %swap3A = arith.constant 0 : index
      %swap3A_64 = tpu.vector_load %arg10[%swap3A] {strides = array<i32>} : memref<128xi32, #tpu.memory_space<vmem>>, vector<16xi32>,
      %swap3A_65 = vector.shape_cast %swap3A_64 : vector<16xi32> to vector<16xi32>
      %swap3A_66 = vector.shape_cast %add3A_63 : vector<16xi32> to vector<16xi32>
      tpu.vector_store %arg10[%swap3A], %swap3A_66 {strides = array<i32>} : memref<128xi32, #tpu.memory_space<vmem>>, vector<16xi32>,
      %get3A_67 = arith.constant 16 : index
      %get3A_68 = tpu.vector_load %arg10[%get3A_67] {strides = array<i32>} : memref<128xi32, #tpu.memory_space<vmem>>, vector<16xi32>,
      %get3A_69 = vector.shape_cast %get3A_68 : vector<16xi32> to vector<16xi32>
      %add3A_70 = vector.broadcast %mul3A_0 : i32 to vector<16xi32>
      %add3A_71 = arith.addi %get3A_69, %add3A_70 : vector<16xi32>
      %swap3A_72 = arith.constant 16 : index
      %swap3A_73 = tpu.vector_load %arg10[%swap3A_72] {strides = array<i32>} : memref<128xi32, #tpu.memory_space<vmem>>, vector<16xi32>,
      %swap3A_74 = vector.shape_cast %swap3A_73 : vector<16xi32> to vector<16xi32>
      %swap3A_75 = vector.shape_cast %add3A_71 : vector<16xi32> to vector<16xi32>
      tpu.vector_store %arg10[%swap3A_72], %swap3A_75 {strides = array<i32>} : memref<128xi32, #tpu.memory_space<vmem>>, vector<16xi32>,
      %get3A_76 = arith.constant 32 : index
      %get3A_77 = tpu.vector_load %arg10[%get3A_76] {strides = array<i32>} : memref<128xi32, #tpu.memory_space<vmem>>, vector<16xi32>,
      %get3A_78 = vector.shape_cast %get3A_77 : vector<16xi32> to vector<16xi32>
      %add3A_79 = vector.broadcast %mul3A_0 : i32 to vector<16xi32>
      %add3A_80 = arith.addi %get3A_78, %add3A_79 : vector<16xi32>
      %swap3A_81 = arith.constant 32 : index
      %swap3A_82 = tpu.vector_load %arg10[%swap3A_81] {strides = array<i32>} : memref<128xi32, #tpu.memory_space<vmem>>, vector<16xi32>,
      %swap3A_83 = vector.shape_cast %swap3A_82 : vector<16xi32> to vector<16xi32>
      %swap3A_84 = vector.shape_cast %add3A_80 : vector<16xi32> to vector<16xi32>
      tpu.vector_store %arg10[%swap3A_81], %swap3A_84 {strides = array<i32>} : memref<128xi32, #tpu.memory_space<vmem>>, vector<16xi32>,
      %get3A_85 = arith.constant 48 : index
      %get3A_86 = tpu.vector_load %arg10[%get3A_85] {strides = array<i32>} : memref<128xi32, #tpu.memory_space<vmem>>, vector<16xi32>,
      %get3A_87 = vector.shape_cast %get3A_86 : vector<16xi32> to vector<16xi32>
      %add3A_88 = vector.broadcast %mul3A_0 : i32 to vector<16xi32>
      %add3A_89 = arith.addi %get3A_87, %add3A_88 : vector<16xi32>
      %swap3A_90 = arith.constant 48 : index
      %swap3A_91 = tpu.vector_load %arg10[%swap3A_90] {strides = array<i32>} : memref<128xi32, #tpu.memory_space<vmem>>, vector<16xi32>,
      %swap3A_92 = vector.shape_cast %swap3A_91 : vector<16xi32> to vector<16xi32>
      %swap3A_93 = vector.shape_cast %add3A_89 : vector<16xi32> to vector<16xi32>
      tpu.vector_store %arg10[%swap3A_90], %swap3A_93 {strides = array<i32>} : memref<128xi32, #tpu.memory_space<vmem>>, vector<16xi32>,
      %get3A_94 = arith.constant 64 : index
      %get3A_95 = tpu.vector_load %arg10[%get3A_94] {strides = array<i32>} : memref<128xi32, #tpu.memory_space<vmem>>, vector<16xi32>,
      %get3A_96 = vector.shape_cast %get3A_95 : vector<16xi32> to vector<16xi32>
      %add3A_97 = vector.broadcast %mul3A_0 : i32 to vector<16xi32>
      %add3A_98 = arith.addi %get3A_96, %add3A_97 : vector<16xi32>
      %swap3A_99 = arith.constant 64 : index
      %swap3A_100 = tpu.vector_load %arg10[%swap3A_99] {strides = array<i32>} : memref<128xi32, #tpu.memory_space<vmem>>, vector<16xi32>,
      %swap3A_101 = vector.shape_cast %swap3A_100 : vector<16xi32> to vector<16xi32>
      %swap3A_102 = vector.shape_cast %add3A_98 : vector<16xi32> to vector<16xi32>
      tpu.vector_store %arg10[%swap3A_99], %swap3A_102 {strides = array<i32>} : memref<128xi32, #tpu.memory_space<vmem>>, vector<16xi32>,
      %get3A_103 = arith.constant 80 : index
      %get3A_104 = tpu.vector_load %arg10[%get3A_103] {strides = array<i32>} : memref<128xi32, #tpu.memory_space<vmem>>, vector<16xi32>,
      %get3A_105 = vector.shape_cast %get3A_104 : vector<16xi32> to vector<16xi32>
      %add3A_106 = vector.broadcast %mul3A_0 : i32 to vector<16xi32>
      %add3A_107 = arith.addi %get3A_105, %add3A_106 : vector<16xi32>
      %swap3A_108 = arith.constant 80 : index
      %swap3A_109 = tpu.vector_load %arg10[%swap3A_108] {strides = array<i32>} : memref<128xi32, #tpu.memory_space<vmem>>, vector<16xi32>,
      %swap3A_110 = vector.shape_cast %swap3A_109 : vector<16xi32> to vector<16xi32>
      %swap3A_111 = vector.shape_cast %add3A_107 : vector<16xi32> to vector<16xi32>
      tpu.vector_store %arg10[%swap3A_108], %swap3A_111 {strides = array<i32>} : memref<128xi32, #tpu.memory_space<vmem>>, vector<16xi32>,
      %get3A_112 = arith.constant 96 : index
      %get3A_113 = tpu.vector_load %arg10[%get3A_112] {strides = array<i32>} : memref<128xi32, #tpu.memory_space<vmem>>, vector<16xi32>,
      %get3A_114 = vector.shape_cast %get3A_113 : vector<16xi32> to vector<16xi32>
      %add3A_115 = vector.broadcast %mul3A_0 : i32 to vector<16xi32>
      %add3A_116 = arith.addi %get3A_114, %add3A_115 : vector<16xi32>
      %swap3A_117 = arith.constant 96 : index
      %swap3A_118 = tpu.vector_load %arg10[%swap3A_117] {strides = array<i32>} : memref<128xi32, #tpu.memory_space<vmem>>, vector<16xi32>,
      %swap3A_119 = vector.shape_cast %swap3A_118 : vector<16xi32> to vector<16xi32>
      %swap3A_120 = vector.shape_cast %add3A_116 : vector<16xi32> to vector<16xi32>
      tpu.vector_store %arg10[%swap3A_117], %swap3A_120 {strides = array<i32>} : memref<128xi32, #tpu.memory_space<vmem>>, vector<16xi32>,
      %get3A_121 = arith.constant 112 : index
      %get3A_122 = tpu.vector_load %arg10[%get3A_121] {strides = array<i32>} : memref<128xi32, #tpu.memory_space<vmem>>, vector<16xi32>,
      %get3A_123 = vector.shape_cast %get3A_122 : vector<16xi32> to vector<16xi32>
      %add3A_124 = vector.broadcast %mul3A_0 : i32 to vector<16xi32>
      %add3A_125 = arith.addi %get3A_123, %add3A_124 : vector<16xi32>
      %swap3A_126 = arith.constant 112 : index
      %swap3A_127 = tpu.vector_load %arg10[%swap3A_126] {strides = array<i32>} : memref<128xi32, #tpu.memory_space<vmem>>, vector<16xi32>,
      %swap3A_128 = vector.shape_cast %swap3A_127 : vector<16xi32> to vector<16xi32>
      %swap3A_129 = vector.shape_cast %add3A_125 : vector<16xi32> to vector<16xi32>
      tpu.vector_store %arg10[%swap3A_126], %swap3A_129 {strides = array<i32>} : memref<128xi32, #tpu.memory_space<vmem>>, vector<16xi32>,
      %dma_start3A = arith.constant 0 : i32
      %dma_start3A_130 = arith.constant 0 : i32
      %dma_start3A_131 = tpu.memref_slice %arg6[%dma_start3A, %dma_start3A_130] : memref<100096x32xf32, #tpu.memory_space<hbm>> -> memref<100096x32xf32, #tpu.memory_space<hbm>>
      tpu.enqueue_indirect_dma source(%dma_start3A_131 : memref<100096x32xf32, #tpu.memory_space<hbm>>) target(%arg13 : memref<128x32xf32, #tpu.memory_space<vmem>>) offsets(%arg10 : memref<128xi32, #tpu.memory_space<vmem>>) semaphore(%arg15 : memref<!tpu.dma_semaphore, #tpu.memory_space<semaphore_mem>>)
      %dma_wait3A = arith.constant 0 : i32
      %dma_wait3A_132 = arith.constant 0 : i32
      %dma_wait3A_133 = tpu.memref_slice %arg6[%dma_wait3A, %dma_wait3A_132] : memref<100096x32xf32, #tpu.memory_space<hbm>> -> memref<100096x32xf32, #tpu.memory_space<hbm>>
      tpu.wait_indirect_dma semaphore(%arg15 : memref<!tpu.dma_semaphore, #tpu.memory_space<semaphore_mem>>) src(%dma_wait3A_133 : memref<100096x32xf32, #tpu.memory_space<hbm>>) dst(%arg13 : memref<128x32xf32, #tpu.memory_space<vmem>>)
      %scan3A_134 = arith.constant 0 : i32
      %scan3A_135 = arith.constant 0 : i32
      %scan3A_136 = arith.constant 8 : i32
      %scan3A_137 = arith.addi %scan3A_135, %scan3A_136 : i32
      %scan3A_138 = arith.constant 1 : i32
      scf.for %scan3A_140 = %scan3A_135 to %scan3A_137 step %scan3A_138  : i32 {
        %mul3A_141 = arith.constant 16 : i32
        %mul3A_142 = arith.muli %scan3A_140, %mul3A_141 : i32
        %get3A_143 = arith.index_cast %mul3A_142 : i32 to index
        %get3A_144 = tpu.vector_load %arg12[%get3A_143] {strides = array<i32>} : memref<128xf32, #tpu.memory_space<vmem>>, vector<16xf32>,
        %get3A_145 = vector.shape_cast %get3A_144 : vector<16xf32> to vector<16xf32>
        %mul3A_146 = arith.constant 16 : i32
        %mul3A_147 = arith.muli %scan3A_140, %mul3A_146 : i32
        %add3A_148 = arith.constant 0 : i32
        %add3A_149 = arith.addi %mul3A_147, %add3A_148 : i32
        %broadcast_in_dim3A_150 = arith.constant 0 : i32
        %broadcast_in_dim3A_151 = vector.broadcast %broadcast_in_dim3A_150 : i32 to vector<16x1xi32>
        %gather3A = vector.shape_cast %broadcast_in_dim3A_151 : vector<16x1xi32> to vector<16xi32>
        %gather3A_152 = tpu.dynamic_gather %get3A_145[%gather3A] in [0] : vector<16xf32>, vector<16xi32> -> vector<16xf32>
        %get3A_153 = arith.index_cast %add3A_149 : i32 to index
        %get3A_154 = arith.constant 0 : index
        %get3A_155 = tpu.vector_load %arg13[%get3A_153, %get3A_154] {strides = array<i32>} : memref<128x32xf32, #tpu.memory_space<vmem>>, vector<1x16xf32>,
        %get3A_156 = vector.shape_cast %get3A_155 : vector<1x16xf32> to vector<16xf32>
        %mul3A_157 = arith.mulf %get3A_156, %gather3A_152 : vector<16xf32>
        %swap3A_158 = arith.index_cast %add3A_149 : i32 to index
        %swap3A_159 = arith.constant 0 : index
        %swap3A_160 = tpu.vector_load %arg13[%swap3A_158, %swap3A_159] {strides = array<i32>} : memref<128x32xf32, #tpu.memory_space<vmem>>, vector<1x16xf32>,
        %swap3A_161 = vector.shape_cast %swap3A_160 : vector<1x16xf32> to vector<16xf32>
        %swap3A_162 = vector.shape_cast %mul3A_157 : vector<16xf32> to vector<1x16xf32>
        tpu.vector_store %arg13[%swap3A_158, %swap3A_159], %swap3A_162 {strides = array<i32>} : memref<128x32xf32, #tpu.memory_space<vmem>>, vector<1x16xf32>,
        %get3A_163 = arith.index_cast %add3A_149 : i32 to index
        %get3A_164 = arith.constant 16 : index
        %get3A_165 = tpu.vector_load %arg13[%get3A_163, %get3A_164] {strides = array<i32>} : memref<128x32xf32, #tpu.memory_space<vmem>>, vector<1x16xf32>,
        %get3A_166 = vector.shape_cast %get3A_165 : vector<1x16xf32> to vector<16xf32>
        %mul3A_167 = arith.mulf %get3A_166, %gather3A_152 : vector<16xf32>
        %swap3A_168 = arith.index_cast %add3A_149 : i32 to index
        %swap3A_169 = arith.constant 16 : index
        %swap3A_170 = tpu.vector_load %arg13[%swap3A_168, %swap3A_169] {strides = array<i32>} : memref<128x32xf32, #tpu.memory_space<vmem>>, vector<1x16xf32>,
        %swap3A_171 = vector.shape_cast %swap3A_170 : vector<1x16xf32> to vector<16xf32>
        %swap3A_172 = vector.shape_cast %mul3A_167 : vector<16xf32> to vector<1x16xf32>
        tpu.vector_store %arg13[%swap3A_168, %swap3A_169], %swap3A_172 {strides = array<i32>} : memref<128x32xf32, #tpu.memory_space<vmem>>, vector<1x16xf32>,
        %mul3A_173 = arith.constant 16 : i32
        %mul3A_174 = arith.muli %scan3A_140, %mul3A_173 : i32
        %add3A_175 = arith.constant 1 : i32
        %add3A_176 = arith.addi %mul3A_174, %add3A_175 : i32
        %broadcast_in_dim3A_177 = arith.constant 1 : i32
        %broadcast_in_dim3A_178 = vector.broadcast %broadcast_in_dim3A_177 : i32 to vector<16x1xi32>
        %gather3A_179 = vector.shape_cast %broadcast_in_dim3A_178 : vector<16x1xi32> to vector<16xi32>
        %gather3A_180 = tpu.dynamic_gather %get3A_145[%gather3A_179] in [0] : vector<16xf32>, vector<16xi32> -> vector<16xf32>
        %get3A_181 = arith.index_cast %add3A_176 : i32 to index
        %get3A_182 = arith.constant 0 : index
        %get3A_183 = tpu.vector_load %arg13[%get3A_181, %get3A_182] {strides = array<i32>} : memref<128x32xf32, #tpu.memory_space<vmem>>, vector<1x16xf32>,
        %get3A_184 = vector.shape_cast %get3A_183 : vector<1x16xf32> to vector<16xf32>
        %mul3A_185 = arith.mulf %get3A_184, %gather3A_180 : vector<16xf32>
        %swap3A_186 = arith.index_cast %add3A_176 : i32 to index
        %swap3A_187 = arith.constant 0 : index
        %swap3A_188 = tpu.vector_load %arg13[%swap3A_186, %swap3A_187] {strides = array<i32>} : memref<128x32xf32, #tpu.memory_space<vmem>>, vector<1x16xf32>,
        %swap3A_189 = vector.shape_cast %swap3A_188 : vector<1x16xf32> to vector<16xf32>
        %swap3A_190 = vector.shape_cast %mul3A_185 : vector<16xf32> to vector<1x16xf32>
        tpu.vector_store %arg13[%swap3A_186, %swap3A_187], %swap3A_190 {strides = array<i32>} : memref<128x32xf32, #tpu.memory_space<vmem>>, vector<1x16xf32>,
        %get3A_191 = arith.index_cast %add3A_176 : i32 to index
        %get3A_192 = arith.constant 16 : index
        %get3A_193 = tpu.vector_load %arg13[%get3A_191, %get3A_192] {strides = array<i32>} : memref<128x32xf32, #tpu.memory_space<vmem>>, vector<1x16xf32>,
        %get3A_194 = vector.shape_cast %get3A_193 : vector<1x16xf32> to vector<16xf32>
        %mul3A_195 = arith.mulf %get3A_194, %gather3A_180 : vector<16xf32>
        %swap3A_196 = arith.index_cast %add3A_176 : i32 to index
        %swap3A_197 = arith.constant 16 : index
        %swap3A_198 = tpu.vector_load %arg13[%swap3A_196, %swap3A_197] {strides = array<i32>} : memref<128x32xf32, #tpu.memory_space<vmem>>, vector<1x16xf32>,
        %swap3A_199 = vector.shape_cast %swap3A_198 : vector<1x16xf32> to vector<16xf32>
        %swap3A_200 = vector.shape_cast %mul3A_195 : vector<16xf32> to vector<1x16xf32>
        tpu.vector_store %arg13[%swap3A_196, %swap3A_197], %swap3A_200 {strides = array<i32>} : memref<128x32xf32, #tpu.memory_space<vmem>>, vector<1x16xf32>,
        %mul3A_201 = arith.constant 16 : i32
        %mul3A_202 = arith.muli %scan3A_140, %mul3A_201 : i32
        %add3A_203 = arith.constant 2 : i32
        %add3A_204 = arith.addi %mul3A_202, %add3A_203 : i32
        %broadcast_in_dim3A_205 = arith.constant 2 : i32
        %broadcast_in_dim3A_206 = vector.broadcast %broadcast_in_dim3A_205 : i32 to vector<16x1xi32>
        %gather3A_207 = vector.shape_cast %broadcast_in_dim3A_206 : vector<16x1xi32> to vector<16xi32>
        %gather3A_208 = tpu.dynamic_gather %get3A_145[%gather3A_207] in [0] : vector<16xf32>, vector<16xi32> -> vector<16xf32>
        %get3A_209 = arith.index_cast %add3A_204 : i32 to index
        %get3A_210 = arith.constant 0 : index
        %get3A_211 = tpu.vector_load %arg13[%get3A_209, %get3A_210] {strides = array<i32>} : memref<128x32xf32, #tpu.memory_space<vmem>>, vector<1x16xf32>,
        %get3A_212 = vector.shape_cast %get3A_211 : vector<1x16xf32> to vector<16xf32>
        %mul3A_213 = arith.mulf %get3A_212, %gather3A_208 : vector<16xf32>
        %swap3A_214 = arith.index_cast %add3A_204 : i32 to index
        %swap3A_215 = arith.constant 0 : index
        %swap3A_216 = tpu.vector_load %arg13[%swap3A_214, %swap3A_215] {strides = array<i32>} : memref<128x32xf32, #tpu.memory_space<vmem>>, vector<1x16xf32>,
        %swap3A_217 = vector.shape_cast %swap3A_216 : vector<1x16xf32> to vector<16xf32>
        %swap3A_218 = vector.shape_cast %mul3A_213 : vector<16xf32> to vector<1x16xf32>
        tpu.vector_store %arg13[%swap3A_214, %swap3A_215], %swap3A_218 {strides = array<i32>} : memref<128x32xf32, #tpu.memory_space<vmem>>, vector<1x16xf32>,
        %get3A_219 = arith.index_cast %add3A_204 : i32 to index
        %get3A_220 = arith.constant 16 : index
        %get3A_221 = tpu.vector_load %arg13[%get3A_219, %get3A_220] {strides = array<i32>} : memref<128x32xf32, #tpu.memory_space<vmem>>, vector<1x16xf32>,
        %get3A_222 = vector.shape_cast %get3A_221 : vector<1x16xf32> to vector<16xf32>
        %mul3A_223 = arith.mulf %get3A_222, %gather3A_208 : vector<16xf32>
        %swap3A_224 = arith.index_cast %add3A_204 : i32 to index
        %swap3A_225 = arith.constant 16 : index
        %swap3A_226 = tpu.vector_load %arg13[%swap3A_224, %swap3A_225] {strides = array<i32>} : memref<128x32xf32, #tpu.memory_space<vmem>>, vector<1x16xf32>,
        %swap3A_227 = vector.shape_cast %swap3A_226 : vector<1x16xf32> to vector<16xf32>
        %swap3A_228 = vector.shape_cast %mul3A_223 : vector<16xf32> to vector<1x16xf32>
        tpu.vector_store %arg13[%swap3A_224, %swap3A_225], %swap3A_228 {strides = array<i32>} : memref<128x32xf32, #tpu.memory_space<vmem>>, vector<1x16xf32>,
        %mul3A_229 = arith.constant 16 : i32
        %mul3A_230 = arith.muli %scan3A_140, %mul3A_229 : i32
        %add3A_231 = arith.constant 3 : i32
        %add3A_232 = arith.addi %mul3A_230, %add3A_231 : i32
        %broadcast_in_dim3A_233 = arith.constant 3 : i32
        %broadcast_in_dim3A_234 = vector.broadcast %broadcast_in_dim3A_233 : i32 to vector<16x1xi32>
        %gather3A_235 = vector.shape_cast %broadcast_in_dim3A_234 : vector<16x1xi32> to vector<16xi32>
        %gather3A_236 = tpu.dynamic_gather %get3A_145[%gather3A_235] in [0] : vector<16xf32>, vector<16xi32> -> vector<16xf32>
        %get3A_237 = arith.index_cast %add3A_232 : i32 to index
        %get3A_238 = arith.constant 0 : index
        %get3A_239 = tpu.vector_load %arg13[%get3A_237, %get3A_238] {strides = array<i32>} : memref<128x32xf32, #tpu.memory_space<vmem>>, vector<1x16xf32>,
        %get3A_240 = vector.shape_cast %get3A_239 : vector<1x16xf32> to vector<16xf32>
        %mul3A_241 = arith.mulf %get3A_240, %gather3A_236 : vector<16xf32>
        %swap3A_242 = arith.index_cast %add3A_232 : i32 to index
        %swap3A_243 = arith.constant 0 : index
        %swap3A_244 = tpu.vector_load %arg13[%swap3A_242, %swap3A_243] {strides = array<i32>} : memref<128x32xf32, #tpu.memory_space<vmem>>, vector<1x16xf32>,
        %swap3A_245 = vector.shape_cast %swap3A_244 : vector<1x16xf32> to vector<16xf32>
        %swap3A_246 = vector.shape_cast %mul3A_241 : vector<16xf32> to vector<1x16xf32>
        tpu.vector_store %arg13[%swap3A_242, %swap3A_243], %swap3A_246 {strides = array<i32>} : memref<128x32xf32, #tpu.memory_space<vmem>>, vector<1x16xf32>,
        %get3A_247 = arith.index_cast %add3A_232 : i32 to index
        %get3A_248 = arith.constant 16 : index
        %get3A_249 = tpu.vector_load %arg13[%get3A_247, %get3A_248] {strides = array<i32>} : memref<128x32xf32, #tpu.memory_space<vmem>>, vector<1x16xf32>,
        %get3A_250 = vector.shape_cast %get3A_249 : vector<1x16xf32> to vector<16xf32>
        %mul3A_251 = arith.mulf %get3A_250, %gather3A_236 : vector<16xf32>
        %swap3A_252 = arith.index_cast %add3A_232 : i32 to index
        %swap3A_253 = arith.constant 16 : index
        %swap3A_254 = tpu.vector_load %arg13[%swap3A_252, %swap3A_253] {strides = array<i32>} : memref<128x32xf32, #tpu.memory_space<vmem>>, vector<1x16xf32>,
        %swap3A_255 = vector.shape_cast %swap3A_254 : vector<1x16xf32> to vector<16xf32>
        %swap3A_256 = vector.shape_cast %mul3A_251 : vector<16xf32> to vector<1x16xf32>
        tpu.vector_store %arg13[%swap3A_252, %swap3A_253], %swap3A_256 {strides = array<i32>} : memref<128x32xf32, #tpu.memory_space<vmem>>, vector<1x16xf32>,
        %mul3A_257 = arith.constant 16 : i32
        %mul3A_258 = arith.muli %scan3A_140, %mul3A_257 : i32
        %add3A_259 = arith.constant 4 : i32
        %add3A_260 = arith.addi %mul3A_258, %add3A_259 : i32
        %broadcast_in_dim3A_261 = arith.constant 4 : i32
        %broadcast_in_dim3A_262 = vector.broadcast %broadcast_in_dim3A_261 : i32 to vector<16x1xi32>
        %gather3A_263 = vector.shape_cast %broadcast_in_dim3A_262 : vector<16x1xi32> to vector<16xi32>
        %gather3A_264 = tpu.dynamic_gather %get3A_145[%gather3A_263] in [0] : vector<16xf32>, vector<16xi32> -> vector<16xf32>
        %get3A_265 = arith.index_cast %add3A_260 : i32 to index
        %get3A_266 = arith.constant 0 : index
        %get3A_267 = tpu.vector_load %arg13[%get3A_265, %get3A_266] {strides = array<i32>} : memref<128x32xf32, #tpu.memory_space<vmem>>, vector<1x16xf32>,
        %get3A_268 = vector.shape_cast %get3A_267 : vector<1x16xf32> to vector<16xf32>
        %mul3A_269 = arith.mulf %get3A_268, %gather3A_264 : vector<16xf32>
        %swap3A_270 = arith.index_cast %add3A_260 : i32 to index
        %swap3A_271 = arith.constant 0 : index
        %swap3A_272 = tpu.vector_load %arg13[%swap3A_270, %swap3A_271] {strides = array<i32>} : memref<128x32xf32, #tpu.memory_space<vmem>>, vector<1x16xf32>,
        %swap3A_273 = vector.shape_cast %swap3A_272 : vector<1x16xf32> to vector<16xf32>
        %swap3A_274 = vector.shape_cast %mul3A_269 : vector<16xf32> to vector<1x16xf32>
        tpu.vector_store %arg13[%swap3A_270, %swap3A_271], %swap3A_274 {strides = array<i32>} : memref<128x32xf32, #tpu.memory_space<vmem>>, vector<1x16xf32>,
        %get3A_275 = arith.index_cast %add3A_260 : i32 to index
        %get3A_276 = arith.constant 16 : index
        %get3A_277 = tpu.vector_load %arg13[%get3A_275, %get3A_276] {strides = array<i32>} : memref<128x32xf32, #tpu.memory_space<vmem>>, vector<1x16xf32>,
        %get3A_278 = vector.shape_cast %get3A_277 : vector<1x16xf32> to vector<16xf32>
        %mul3A_279 = arith.mulf %get3A_278, %gather3A_264 : vector<16xf32>
        %swap3A_280 = arith.index_cast %add3A_260 : i32 to index
        %swap3A_281 = arith.constant 16 : index
        %swap3A_282 = tpu.vector_load %arg13[%swap3A_280, %swap3A_281] {strides = array<i32>} : memref<128x32xf32, #tpu.memory_space<vmem>>, vector<1x16xf32>,
        %swap3A_283 = vector.shape_cast %swap3A_282 : vector<1x16xf32> to vector<16xf32>
        %swap3A_284 = vector.shape_cast %mul3A_279 : vector<16xf32> to vector<1x16xf32>
        tpu.vector_store %arg13[%swap3A_280, %swap3A_281], %swap3A_284 {strides = array<i32>} : memref<128x32xf32, #tpu.memory_space<vmem>>, vector<1x16xf32>,
        %mul3A_285 = arith.constant 16 : i32
        %mul3A_286 = arith.muli %scan3A_140, %mul3A_285 : i32
        %add3A_287 = arith.constant 5 : i32
        %add3A_288 = arith.addi %mul3A_286, %add3A_287 : i32
        %broadcast_in_dim3A_289 = arith.constant 5 : i32
        %broadcast_in_dim3A_290 = vector.broadcast %broadcast_in_dim3A_289 : i32 to vector<16x1xi32>
        %gather3A_291 = vector.shape_cast %broadcast_in_dim3A_290 : vector<16x1xi32> to vector<16xi32>
        %gather3A_292 = tpu.dynamic_gather %get3A_145[%gather3A_291] in [0] : vector<16xf32>, vector<16xi32> -> vector<16xf32>
        %get3A_293 = arith.index_cast %add3A_288 : i32 to index
        %get3A_294 = arith.constant 0 : index
        %get3A_295 = tpu.vector_load %arg13[%get3A_293, %get3A_294] {strides = array<i32>} : memref<128x32xf32, #tpu.memory_space<vmem>>, vector<1x16xf32>,
        %get3A_296 = vector.shape_cast %get3A_295 : vector<1x16xf32> to vector<16xf32>
        %mul3A_297 = arith.mulf %get3A_296, %gather3A_292 : vector<16xf32>
        %swap3A_298 = arith.index_cast %add3A_288 : i32 to index
        %swap3A_299 = arith.constant 0 : index
        %swap3A_300 = tpu.vector_load %arg13[%swap3A_298, %swap3A_299] {strides = array<i32>} : memref<128x32xf32, #tpu.memory_space<vmem>>, vector<1x16xf32>,
        %swap3A_301 = vector.shape_cast %swap3A_300 : vector<1x16xf32> to vector<16xf32>
        %swap3A_302 = vector.shape_cast %mul3A_297 : vector<16xf32> to vector<1x16xf32>
        tpu.vector_store %arg13[%swap3A_298, %swap3A_299], %swap3A_302 {strides = array<i32>} : memref<128x32xf32, #tpu.memory_space<vmem>>, vector<1x16xf32>,
        %get3A_303 = arith.index_cast %add3A_288 : i32 to index
        %get3A_304 = arith.constant 16 : index
        %get3A_305 = tpu.vector_load %arg13[%get3A_303, %get3A_304] {strides = array<i32>} : memref<128x32xf32, #tpu.memory_space<vmem>>, vector<1x16xf32>,
        %get3A_306 = vector.shape_cast %get3A_305 : vector<1x16xf32> to vector<16xf32>
        %mul3A_307 = arith.mulf %get3A_306, %gather3A_292 : vector<16xf32>
        %swap3A_308 = arith.index_cast %add3A_288 : i32 to index
        %swap3A_309 = arith.constant 16 : index
        %swap3A_310 = tpu.vector_load %arg13[%swap3A_308, %swap3A_309] {strides = array<i32>} : memref<128x32xf32, #tpu.memory_space<vmem>>, vector<1x16xf32>,
        %swap3A_311 = vector.shape_cast %swap3A_310 : vector<1x16xf32> to vector<16xf32>
        %swap3A_312 = vector.shape_cast %mul3A_307 : vector<16xf32> to vector<1x16xf32>
        tpu.vector_store %arg13[%swap3A_308, %swap3A_309], %swap3A_312 {strides = array<i32>} : memref<128x32xf32, #tpu.memory_space<vmem>>, vector<1x16xf32>,
        %mul3A_313 = arith.constant 16 : i32
        %mul3A_314 = arith.muli %scan3A_140, %mul3A_313 : i32
        %add3A_315 = arith.constant 6 : i32
        %add3A_316 = arith.addi %mul3A_314, %add3A_315 : i32
        %broadcast_in_dim3A_317 = arith.constant 6 : i32
        %broadcast_in_dim3A_318 = vector.broadcast %broadcast_in_dim3A_317 : i32 to vector<16x1xi32>
        %gather3A_319 = vector.shape_cast %broadcast_in_dim3A_318 : vector<16x1xi32> to vector<16xi32>
        %gather3A_320 = tpu.dynamic_gather %get3A_145[%gather3A_319] in [0] : vector<16xf32>, vector<16xi32> -> vector<16xf32>
        %get3A_321 = arith.index_cast %add3A_316 : i32 to index
        %get3A_322 = arith.constant 0 : index
        %get3A_323 = tpu.vector_load %arg13[%get3A_321, %get3A_322] {strides = array<i32>} : memref<128x32xf32, #tpu.memory_space<vmem>>, vector<1x16xf32>,
        %get3A_324 = vector.shape_cast %get3A_323 : vector<1x16xf32> to vector<16xf32>
        %mul3A_325 = arith.mulf %get3A_324, %gather3A_320 : vector<16xf32>
        %swap3A_326 = arith.index_cast %add3A_316 : i32 to index
        %swap3A_327 = arith.constant 0 : index
        %swap3A_328 = tpu.vector_load %arg13[%swap3A_326, %swap3A_327] {strides = array<i32>} : memref<128x32xf32, #tpu.memory_space<vmem>>, vector<1x16xf32>,
        %swap3A_329 = vector.shape_cast %swap3A_328 : vector<1x16xf32> to vector<16xf32>
        %swap3A_330 = vector.shape_cast %mul3A_325 : vector<16xf32> to vector<1x16xf32>
        tpu.vector_store %arg13[%swap3A_326, %swap3A_327], %swap3A_330 {strides = array<i32>} : memref<128x32xf32, #tpu.memory_space<vmem>>, vector<1x16xf32>,
        %get3A_331 = arith.index_cast %add3A_316 : i32 to index
        %get3A_332 = arith.constant 16 : index
        %get3A_333 = tpu.vector_load %arg13[%get3A_331, %get3A_332] {strides = array<i32>} : memref<128x32xf32, #tpu.memory_space<vmem>>, vector<1x16xf32>,
        %get3A_334 = vector.shape_cast %get3A_333 : vector<1x16xf32> to vector<16xf32>
        %mul3A_335 = arith.mulf %get3A_334, %gather3A_320 : vector<16xf32>
        %swap3A_336 = arith.index_cast %add3A_316 : i32 to index
        %swap3A_337 = arith.constant 16 : index
        %swap3A_338 = tpu.vector_load %arg13[%swap3A_336, %swap3A_337] {strides = array<i32>} : memref<128x32xf32, #tpu.memory_space<vmem>>, vector<1x16xf32>,
        %swap3A_339 = vector.shape_cast %swap3A_338 : vector<1x16xf32> to vector<16xf32>
        %swap3A_340 = vector.shape_cast %mul3A_335 : vector<16xf32> to vector<1x16xf32>
        tpu.vector_store %arg13[%swap3A_336, %swap3A_337], %swap3A_340 {strides = array<i32>} : memref<128x32xf32, #tpu.memory_space<vmem>>, vector<1x16xf32>,
        %mul3A_341 = arith.constant 16 : i32
        %mul3A_342 = arith.muli %scan3A_140, %mul3A_341 : i32
        %add3A_343 = arith.constant 7 : i32
        %add3A_344 = arith.addi %mul3A_342, %add3A_343 : i32
        %broadcast_in_dim3A_345 = arith.constant 7 : i32
        %broadcast_in_dim3A_346 = vector.broadcast %broadcast_in_dim3A_345 : i32 to vector<16x1xi32>
        %gather3A_347 = vector.shape_cast %broadcast_in_dim3A_346 : vector<16x1xi32> to vector<16xi32>
        %gather3A_348 = tpu.dynamic_gather %get3A_145[%gather3A_347] in [0] : vector<16xf32>, vector<16xi32> -> vector<16xf32>
        %get3A_349 = arith.index_cast %add3A_344 : i32 to index
        %get3A_350 = arith.constant 0 : index
        %get3A_351 = tpu.vector_load %arg13[%get3A_349, %get3A_350] {strides = array<i32>} : memref<128x32xf32, #tpu.memory_space<vmem>>, vector<1x16xf32>,
        %get3A_352 = vector.shape_cast %get3A_351 : vector<1x16xf32> to vector<16xf32>
        %mul3A_353 = arith.mulf %get3A_352, %gather3A_348 : vector<16xf32>
        %swap3A_354 = arith.index_cast %add3A_344 : i32 to index
        %swap3A_355 = arith.constant 0 : index
        %swap3A_356 = tpu.vector_load %arg13[%swap3A_354, %swap3A_355] {strides = array<i32>} : memref<128x32xf32, #tpu.memory_space<vmem>>, vector<1x16xf32>,
        %swap3A_357 = vector.shape_cast %swap3A_356 : vector<1x16xf32> to vector<16xf32>
        %swap3A_358 = vector.shape_cast %mul3A_353 : vector<16xf32> to vector<1x16xf32>
        tpu.vector_store %arg13[%swap3A_354, %swap3A_355], %swap3A_358 {strides = array<i32>} : memref<128x32xf32, #tpu.memory_space<vmem>>, vector<1x16xf32>,
        %get3A_359 = arith.index_cast %add3A_344 : i32 to index
        %get3A_360 = arith.constant 16 : index
        %get3A_361 = tpu.vector_load %arg13[%get3A_359, %get3A_360] {strides = array<i32>} : memref<128x32xf32, #tpu.memory_space<vmem>>, vector<1x16xf32>,
        %get3A_362 = vector.shape_cast %get3A_361 : vector<1x16xf32> to vector<16xf32>
        %mul3A_363 = arith.mulf %get3A_362, %gather3A_348 : vector<16xf32>
        %swap3A_364 = arith.index_cast %add3A_344 : i32 to index
        %swap3A_365 = arith.constant 16 : index
        %swap3A_366 = tpu.vector_load %arg13[%swap3A_364, %swap3A_365] {strides = array<i32>} : memref<128x32xf32, #tpu.memory_space<vmem>>, vector<1x16xf32>,
        %swap3A_367 = vector.shape_cast %swap3A_366 : vector<1x16xf32> to vector<16xf32>
        %swap3A_368 = vector.shape_cast %mul3A_363 : vector<16xf32> to vector<1x16xf32>
        tpu.vector_store %arg13[%swap3A_364, %swap3A_365], %swap3A_368 {strides = array<i32>} : memref<128x32xf32, #tpu.memory_space<vmem>>, vector<1x16xf32>,
        %mul3A_369 = arith.constant 16 : i32
        %mul3A_370 = arith.muli %scan3A_140, %mul3A_369 : i32
        %add3A_371 = arith.constant 8 : i32
        %add3A_372 = arith.addi %mul3A_370, %add3A_371 : i32
        %broadcast_in_dim3A_373 = arith.constant 8 : i32
        %broadcast_in_dim3A_374 = vector.broadcast %broadcast_in_dim3A_373 : i32 to vector<16x1xi32>
        %gather3A_375 = vector.shape_cast %broadcast_in_dim3A_374 : vector<16x1xi32> to vector<16xi32>
        %gather3A_376 = tpu.dynamic_gather %get3A_145[%gather3A_375] in [0] : vector<16xf32>, vector<16xi32> -> vector<16xf32>
        %get3A_377 = arith.index_cast %add3A_372 : i32 to index
        %get3A_378 = arith.constant 0 : index
        %get3A_379 = tpu.vector_load %arg13[%get3A_377, %get3A_378] {strides = array<i32>} : memref<128x32xf32, #tpu.memory_space<vmem>>, vector<1x16xf32>,
        %get3A_380 = vector.shape_cast %get3A_379 : vector<1x16xf32> to vector<16xf32>
        %mul3A_381 = arith.mulf %get3A_380, %gather3A_376 : vector<16xf32>
        %swap3A_382 = arith.index_cast %add3A_372 : i32 to index
        %swap3A_383 = arith.constant 0 : index
        %swap3A_384 = tpu.vector_load %arg13[%swap3A_382, %swap3A_383] {strides = array<i32>} : memref<128x32xf32, #tpu.memory_space<vmem>>, vector<1x16xf32>,
        %swap3A_385 = vector.shape_cast %swap3A_384 : vector<1x16xf32> to vector<16xf32>
        %swap3A_386 = vector.shape_cast %mul3A_381 : vector<16xf32> to vector<1x16xf32>
        tpu.vector_store %arg13[%swap3A_382, %swap3A_383], %swap3A_386 {strides = array<i32>} : memref<128x32xf32, #tpu.memory_space<vmem>>, vector<1x16xf32>,
        %get3A_387 = arith.index_cast %add3A_372 : i32 to index
        %get3A_388 = arith.constant 16 : index
        %get3A_389 = tpu.vector_load %arg13[%get3A_387, %get3A_388] {strides = array<i32>} : memref<128x32xf32, #tpu.memory_space<vmem>>, vector<1x16xf32>,
        %get3A_390 = vector.shape_cast %get3A_389 : vector<1x16xf32> to vector<16xf32>
        %mul3A_391 = arith.mulf %get3A_390, %gather3A_376 : vector<16xf32>
        %swap3A_392 = arith.index_cast %add3A_372 : i32 to index
        %swap3A_393 = arith.constant 16 : index
        %swap3A_394 = tpu.vector_load %arg13[%swap3A_392, %swap3A_393] {strides = array<i32>} : memref<128x32xf32, #tpu.memory_space<vmem>>, vector<1x16xf32>,
        %swap3A_395 = vector.shape_cast %swap3A_394 : vector<1x16xf32> to vector<16xf32>
        %swap3A_396 = vector.shape_cast %mul3A_391 : vector<16xf32> to vector<1x16xf32>
        tpu.vector_store %arg13[%swap3A_392, %swap3A_393], %swap3A_396 {strides = array<i32>} : memref<128x32xf32, #tpu.memory_space<vmem>>, vector<1x16xf32>,
        %mul3A_397 = arith.constant 16 : i32
        %mul3A_398 = arith.muli %scan3A_140, %mul3A_397 : i32
        %add3A_399 = arith.constant 9 : i32
        %add3A_400 = arith.addi %mul3A_398, %add3A_399 : i32
        %broadcast_in_dim3A_401 = arith.constant 9 : i32
        %broadcast_in_dim3A_402 = vector.broadcast %broadcast_in_dim3A_401 : i32 to vector<16x1xi32>
        %gather3A_403 = vector.shape_cast %broadcast_in_dim3A_402 : vector<16x1xi32> to vector<16xi32>
        %gather3A_404 = tpu.dynamic_gather %get3A_145[%gather3A_403] in [0] : vector<16xf32>, vector<16xi32> -> vector<16xf32>
        %get3A_405 = arith.index_cast %add3A_400 : i32 to index
        %get3A_406 = arith.constant 0 : index
        %get3A_407 = tpu.vector_load %arg13[%get3A_405, %get3A_406] {strides = array<i32>} : memref<128x32xf32, #tpu.memory_space<vmem>>, vector<1x16xf32>,
        %get3A_408 = vector.shape_cast %get3A_407 : vector<1x16xf32> to vector<16xf32>
        %mul3A_409 = arith.mulf %get3A_408, %gather3A_404 : vector<16xf32>
        %swap3A_410 = arith.index_cast %add3A_400 : i32 to index
        %swap3A_411 = arith.constant 0 : index
        %swap3A_412 = tpu.vector_load %arg13[%swap3A_410, %swap3A_411] {strides = array<i32>} : memref<128x32xf32, #tpu.memory_space<vmem>>, vector<1x16xf32>,
        %swap3A_413 = vector.shape_cast %swap3A_412 : vector<1x16xf32> to vector<16xf32>
        %swap3A_414 = vector.shape_cast %mul3A_409 : vector<16xf32> to vector<1x16xf32>
        tpu.vector_store %arg13[%swap3A_410, %swap3A_411], %swap3A_414 {strides = array<i32>} : memref<128x32xf32, #tpu.memory_space<vmem>>, vector<1x16xf32>,
        %get3A_415 = arith.index_cast %add3A_400 : i32 to index
        %get3A_416 = arith.constant 16 : index
        %get3A_417 = tpu.vector_load %arg13[%get3A_415, %get3A_416] {strides = array<i32>} : memref<128x32xf32, #tpu.memory_space<vmem>>, vector<1x16xf32>,
        %get3A_418 = vector.shape_cast %get3A_417 : vector<1x16xf32> to vector<16xf32>
        %mul3A_419 = arith.mulf %get3A_418, %gather3A_404 : vector<16xf32>
        %swap3A_420 = arith.index_cast %add3A_400 : i32 to index
        %swap3A_421 = arith.constant 16 : index
        %swap3A_422 = tpu.vector_load %arg13[%swap3A_420, %swap3A_421] {strides = array<i32>} : memref<128x32xf32, #tpu.memory_space<vmem>>, vector<1x16xf32>,
        %swap3A_423 = vector.shape_cast %swap3A_422 : vector<1x16xf32> to vector<16xf32>
        %swap3A_424 = vector.shape_cast %mul3A_419 : vector<16xf32> to vector<1x16xf32>
        tpu.vector_store %arg13[%swap3A_420, %swap3A_421], %swap3A_424 {strides = array<i32>} : memref<128x32xf32, #tpu.memory_space<vmem>>, vector<1x16xf32>,
        %mul3A_425 = arith.constant 16 : i32
        %mul3A_426 = arith.muli %scan3A_140, %mul3A_425 : i32
        %add3A_427 = arith.constant 10 : i32
        %add3A_428 = arith.addi %mul3A_426, %add3A_427 : i32
        %broadcast_in_dim3A_429 = arith.constant 10 : i32
        %broadcast_in_dim3A_430 = vector.broadcast %broadcast_in_dim3A_429 : i32 to vector<16x1xi32>
        %gather3A_431 = vector.shape_cast %broadcast_in_dim3A_430 : vector<16x1xi32> to vector<16xi32>
        %gather3A_432 = tpu.dynamic_gather %get3A_145[%gather3A_431] in [0] : vector<16xf32>, vector<16xi32> -> vector<16xf32>
        %get3A_433 = arith.index_cast %add3A_428 : i32 to index
        %get3A_434 = arith.constant 0 : index
        %get3A_435 = tpu.vector_load %arg13[%get3A_433, %get3A_434] {strides = array<i32>} : memref<128x32xf32, #tpu.memory_space<vmem>>, vector<1x16xf32>,
        %get3A_436 = vector.shape_cast %get3A_435 : vector<1x16xf32> to vector<16xf32>
        %mul3A_437 = arith.mulf %get3A_436, %gather3A_432 : vector<16xf32>
        %swap3A_438 = arith.index_cast %add3A_428 : i32 to index
        %swap3A_439 = arith.constant 0 : index
        %swap3A_440 = tpu.vector_load %arg13[%swap3A_438, %swap3A_439] {strides = array<i32>} : memref<128x32xf32, #tpu.memory_space<vmem>>, vector<1x16xf32>,
        %swap3A_441 = vector.shape_cast %swap3A_440 : vector<1x16xf32> to vector<16xf32>
        %swap3A_442 = vector.shape_cast %mul3A_437 : vector<16xf32> to vector<1x16xf32>
        tpu.vector_store %arg13[%swap3A_438, %swap3A_439], %swap3A_442 {strides = array<i32>} : memref<128x32xf32, #tpu.memory_space<vmem>>, vector<1x16xf32>,
        %get3A_443 = arith.index_cast %add3A_428 : i32 to index
        %get3A_444 = arith.constant 16 : index
        %get3A_445 = tpu.vector_load %arg13[%get3A_443, %get3A_444] {strides = array<i32>} : memref<128x32xf32, #tpu.memory_space<vmem>>, vector<1x16xf32>,
        %get3A_446 = vector.shape_cast %get3A_445 : vector<1x16xf32> to vector<16xf32>
        %mul3A_447 = arith.mulf %get3A_446, %gather3A_432 : vector<16xf32>
        %swap3A_448 = arith.index_cast %add3A_428 : i32 to index
        %swap3A_449 = arith.constant 16 : index
        %swap3A_450 = tpu.vector_load %arg13[%swap3A_448, %swap3A_449] {strides = array<i32>} : memref<128x32xf32, #tpu.memory_space<vmem>>, vector<1x16xf32>,
        %swap3A_451 = vector.shape_cast %swap3A_450 : vector<1x16xf32> to vector<16xf32>
        %swap3A_452 = vector.shape_cast %mul3A_447 : vector<16xf32> to vector<1x16xf32>
        tpu.vector_store %arg13[%swap3A_448, %swap3A_449], %swap3A_452 {strides = array<i32>} : memref<128x32xf32, #tpu.memory_space<vmem>>, vector<1x16xf32>,
        %mul3A_453 = arith.constant 16 : i32
        %mul3A_454 = arith.muli %scan3A_140, %mul3A_453 : i32
        %add3A_455 = arith.constant 11 : i32
        %add3A_456 = arith.addi %mul3A_454, %add3A_455 : i32
        %broadcast_in_dim3A_457 = arith.constant 11 : i32
        %broadcast_in_dim3A_458 = vector.broadcast %broadcast_in_dim3A_457 : i32 to vector<16x1xi32>
        %gather3A_459 = vector.shape_cast %broadcast_in_dim3A_458 : vector<16x1xi32> to vector<16xi32>
        %gather3A_460 = tpu.dynamic_gather %get3A_145[%gather3A_459] in [0] : vector<16xf32>, vector<16xi32> -> vector<16xf32>
        %get3A_461 = arith.index_cast %add3A_456 : i32 to index
        %get3A_462 = arith.constant 0 : index
        %get3A_463 = tpu.vector_load %arg13[%get3A_461, %get3A_462] {strides = array<i32>} : memref<128x32xf32, #tpu.memory_space<vmem>>, vector<1x16xf32>,
        %get3A_464 = vector.shape_cast %get3A_463 : vector<1x16xf32> to vector<16xf32>
        %mul3A_465 = arith.mulf %get3A_464, %gather3A_460 : vector<16xf32>
        %swap3A_466 = arith.index_cast %add3A_456 : i32 to index
        %swap3A_467 = arith.constant 0 : index
        %swap3A_468 = tpu.vector_load %arg13[%swap3A_466, %swap3A_467] {strides = array<i32>} : memref<128x32xf32, #tpu.memory_space<vmem>>, vector<1x16xf32>,
        %swap3A_469 = vector.shape_cast %swap3A_468 : vector<1x16xf32> to vector<16xf32>
        %swap3A_470 = vector.shape_cast %mul3A_465 : vector<16xf32> to vector<1x16xf32>
        tpu.vector_store %arg13[%swap3A_466, %swap3A_467], %swap3A_470 {strides = array<i32>} : memref<128x32xf32, #tpu.memory_space<vmem>>, vector<1x16xf32>,
        %get3A_471 = arith.index_cast %add3A_456 : i32 to index
        %get3A_472 = arith.constant 16 : index
        %get3A_473 = tpu.vector_load %arg13[%get3A_471, %get3A_472] {strides = array<i32>} : memref<128x32xf32, #tpu.memory_space<vmem>>, vector<1x16xf32>,
        %get3A_474 = vector.shape_cast %get3A_473 : vector<1x16xf32> to vector<16xf32>
        %mul3A_475 = arith.mulf %get3A_474, %gather3A_460 : vector<16xf32>
        %swap3A_476 = arith.index_cast %add3A_456 : i32 to index
        %swap3A_477 = arith.constant 16 : index
        %swap3A_478 = tpu.vector_load %arg13[%swap3A_476, %swap3A_477] {strides = array<i32>} : memref<128x32xf32, #tpu.memory_space<vmem>>, vector<1x16xf32>,
        %swap3A_479 = vector.shape_cast %swap3A_478 : vector<1x16xf32> to vector<16xf32>
        %swap3A_480 = vector.shape_cast %mul3A_475 : vector<16xf32> to vector<1x16xf32>
        tpu.vector_store %arg13[%swap3A_476, %swap3A_477], %swap3A_480 {strides = array<i32>} : memref<128x32xf32, #tpu.memory_space<vmem>>, vector<1x16xf32>,
        %mul3A_481 = arith.constant 16 : i32
        %mul3A_482 = arith.muli %scan3A_140, %mul3A_481 : i32
        %add3A_483 = arith.constant 12 : i32
        %add3A_484 = arith.addi %mul3A_482, %add3A_483 : i32
        %broadcast_in_dim3A_485 = arith.constant 12 : i32
        %broadcast_in_dim3A_486 = vector.broadcast %broadcast_in_dim3A_485 : i32 to vector<16x1xi32>
        %gather3A_487 = vector.shape_cast %broadcast_in_dim3A_486 : vector<16x1xi32> to vector<16xi32>
        %gather3A_488 = tpu.dynamic_gather %get3A_145[%gather3A_487] in [0] : vector<16xf32>, vector<16xi32> -> vector<16xf32>
        %get3A_489 = arith.index_cast %add3A_484 : i32 to index
        %get3A_490 = arith.constant 0 : index
        %get3A_491 = tpu.vector_load %arg13[%get3A_489, %get3A_490] {strides = array<i32>} : memref<128x32xf32, #tpu.memory_space<vmem>>, vector<1x16xf32>,
        %get3A_492 = vector.shape_cast %get3A_491 : vector<1x16xf32> to vector<16xf32>
        %mul3A_493 = arith.mulf %get3A_492, %gather3A_488 : vector<16xf32>
        %swap3A_494 = arith.index_cast %add3A_484 : i32 to index
        %swap3A_495 = arith.constant 0 : index
        %swap3A_496 = tpu.vector_load %arg13[%swap3A_494, %swap3A_495] {strides = array<i32>} : memref<128x32xf32, #tpu.memory_space<vmem>>, vector<1x16xf32>,
        %swap3A_497 = vector.shape_cast %swap3A_496 : vector<1x16xf32> to vector<16xf32>
        %swap3A_498 = vector.shape_cast %mul3A_493 : vector<16xf32> to vector<1x16xf32>
        tpu.vector_store %arg13[%swap3A_494, %swap3A_495], %swap3A_498 {strides = array<i32>} : memref<128x32xf32, #tpu.memory_space<vmem>>, vector<1x16xf32>,
        %get3A_499 = arith.index_cast %add3A_484 : i32 to index
        %get3A_500 = arith.constant 16 : index
        %get3A_501 = tpu.vector_load %arg13[%get3A_499, %get3A_500] {strides = array<i32>} : memref<128x32xf32, #tpu.memory_space<vmem>>, vector<1x16xf32>,
        %get3A_502 = vector.shape_cast %get3A_501 : vector<1x16xf32> to vector<16xf32>
        %mul3A_503 = arith.mulf %get3A_502, %gather3A_488 : vector<16xf32>
        %swap3A_504 = arith.index_cast %add3A_484 : i32 to index
        %swap3A_505 = arith.constant 16 : index
        %swap3A_506 = tpu.vector_load %arg13[%swap3A_504, %swap3A_505] {strides = array<i32>} : memref<128x32xf32, #tpu.memory_space<vmem>>, vector<1x16xf32>,
        %swap3A_507 = vector.shape_cast %swap3A_506 : vector<1x16xf32> to vector<16xf32>
        %swap3A_508 = vector.shape_cast %mul3A_503 : vector<16xf32> to vector<1x16xf32>
        tpu.vector_store %arg13[%swap3A_504, %swap3A_505], %swap3A_508 {strides = array<i32>} : memref<128x32xf32, #tpu.memory_space<vmem>>, vector<1x16xf32>,
        %mul3A_509 = arith.constant 16 : i32
        %mul3A_510 = arith.muli %scan3A_140, %mul3A_509 : i32
        %add3A_511 = arith.constant 13 : i32
        %add3A_512 = arith.addi %mul3A_510, %add3A_511 : i32
        %broadcast_in_dim3A_513 = arith.constant 13 : i32
        %broadcast_in_dim3A_514 = vector.broadcast %broadcast_in_dim3A_513 : i32 to vector<16x1xi32>
        %gather3A_515 = vector.shape_cast %broadcast_in_dim3A_514 : vector<16x1xi32> to vector<16xi32>
        %gather3A_516 = tpu.dynamic_gather %get3A_145[%gather3A_515] in [0] : vector<16xf32>, vector<16xi32> -> vector<16xf32>
        %get3A_517 = arith.index_cast %add3A_512 : i32 to index
        %get3A_518 = arith.constant 0 : index
        %get3A_519 = tpu.vector_load %arg13[%get3A_517, %get3A_518] {strides = array<i32>} : memref<128x32xf32, #tpu.memory_space<vmem>>, vector<1x16xf32>,
        %get3A_520 = vector.shape_cast %get3A_519 : vector<1x16xf32> to vector<16xf32>
        %mul3A_521 = arith.mulf %get3A_520, %gather3A_516 : vector<16xf32>
        %swap3A_522 = arith.index_cast %add3A_512 : i32 to index
        %swap3A_523 = arith.constant 0 : index
        %swap3A_524 = tpu.vector_load %arg13[%swap3A_522, %swap3A_523] {strides = array<i32>} : memref<128x32xf32, #tpu.memory_space<vmem>>, vector<1x16xf32>,
        %swap3A_525 = vector.shape_cast %swap3A_524 : vector<1x16xf32> to vector<16xf32>
        %swap3A_526 = vector.shape_cast %mul3A_521 : vector<16xf32> to vector<1x16xf32>
        tpu.vector_store %arg13[%swap3A_522, %swap3A_523], %swap3A_526 {strides = array<i32>} : memref<128x32xf32, #tpu.memory_space<vmem>>, vector<1x16xf32>,
        %get3A_527 = arith.index_cast %add3A_512 : i32 to index
        %get3A_528 = arith.constant 16 : index
        %get3A_529 = tpu.vector_load %arg13[%get3A_527, %get3A_528] {strides = array<i32>} : memref<128x32xf32, #tpu.memory_space<vmem>>, vector<1x16xf32>,
        %get3A_530 = vector.shape_cast %get3A_529 : vector<1x16xf32> to vector<16xf32>
        %mul3A_531 = arith.mulf %get3A_530, %gather3A_516 : vector<16xf32>
        %swap3A_532 = arith.index_cast %add3A_512 : i32 to index
        %swap3A_533 = arith.constant 16 : index
        %swap3A_534 = tpu.vector_load %arg13[%swap3A_532, %swap3A_533] {strides = array<i32>} : memref<128x32xf32, #tpu.memory_space<vmem>>, vector<1x16xf32>,
        %swap3A_535 = vector.shape_cast %swap3A_534 : vector<1x16xf32> to vector<16xf32>
        %swap3A_536 = vector.shape_cast %mul3A_531 : vector<16xf32> to vector<1x16xf32>
        tpu.vector_store %arg13[%swap3A_532, %swap3A_533], %swap3A_536 {strides = array<i32>} : memref<128x32xf32, #tpu.memory_space<vmem>>, vector<1x16xf32>,
        %mul3A_537 = arith.constant 16 : i32
        %mul3A_538 = arith.muli %scan3A_140, %mul3A_537 : i32
        %add3A_539 = arith.constant 14 : i32
        %add3A_540 = arith.addi %mul3A_538, %add3A_539 : i32
        %broadcast_in_dim3A_541 = arith.constant 14 : i32
        %broadcast_in_dim3A_542 = vector.broadcast %broadcast_in_dim3A_541 : i32 to vector<16x1xi32>
        %gather3A_543 = vector.shape_cast %broadcast_in_dim3A_542 : vector<16x1xi32> to vector<16xi32>
        %gather3A_544 = tpu.dynamic_gather %get3A_145[%gather3A_543] in [0] : vector<16xf32>, vector<16xi32> -> vector<16xf32>
        %get3A_545 = arith.index_cast %add3A_540 : i32 to index
        %get3A_546 = arith.constant 0 : index
        %get3A_547 = tpu.vector_load %arg13[%get3A_545, %get3A_546] {strides = array<i32>} : memref<128x32xf32, #tpu.memory_space<vmem>>, vector<1x16xf32>,
        %get3A_548 = vector.shape_cast %get3A_547 : vector<1x16xf32> to vector<16xf32>
        %mul3A_549 = arith.mulf %get3A_548, %gather3A_544 : vector<16xf32>
        %swap3A_550 = arith.index_cast %add3A_540 : i32 to index
        %swap3A_551 = arith.constant 0 : index
        %swap3A_552 = tpu.vector_load %arg13[%swap3A_550, %swap3A_551] {strides = array<i32>} : memref<128x32xf32, #tpu.memory_space<vmem>>, vector<1x16xf32>,
        %swap3A_553 = vector.shape_cast %swap3A_552 : vector<1x16xf32> to vector<16xf32>
        %swap3A_554 = vector.shape_cast %mul3A_549 : vector<16xf32> to vector<1x16xf32>
        tpu.vector_store %arg13[%swap3A_550, %swap3A_551], %swap3A_554 {strides = array<i32>} : memref<128x32xf32, #tpu.memory_space<vmem>>, vector<1x16xf32>,
        %get3A_555 = arith.index_cast %add3A_540 : i32 to index
        %get3A_556 = arith.constant 16 : index
        %get3A_557 = tpu.vector_load %arg13[%get3A_555, %get3A_556] {strides = array<i32>} : memref<128x32xf32, #tpu.memory_space<vmem>>, vector<1x16xf32>,
        %get3A_558 = vector.shape_cast %get3A_557 : vector<1x16xf32> to vector<16xf32>
        %mul3A_559 = arith.mulf %get3A_558, %gather3A_544 : vector<16xf32>
        %swap3A_560 = arith.index_cast %add3A_540 : i32 to index
        %swap3A_561 = arith.constant 16 : index
        %swap3A_562 = tpu.vector_load %arg13[%swap3A_560, %swap3A_561] {strides = array<i32>} : memref<128x32xf32, #tpu.memory_space<vmem>>, vector<1x16xf32>,
        %swap3A_563 = vector.shape_cast %swap3A_562 : vector<1x16xf32> to vector<16xf32>
        %swap3A_564 = vector.shape_cast %mul3A_559 : vector<16xf32> to vector<1x16xf32>
        tpu.vector_store %arg13[%swap3A_560, %swap3A_561], %swap3A_564 {strides = array<i32>} : memref<128x32xf32, #tpu.memory_space<vmem>>, vector<1x16xf32>,
        %mul3A_565 = arith.constant 16 : i32
        %mul3A_566 = arith.muli %scan3A_140, %mul3A_565 : i32
        %add3A_567 = arith.constant 15 : i32
        %add3A_568 = arith.addi %mul3A_566, %add3A_567 : i32
        %broadcast_in_dim3A_569 = arith.constant 15 : i32
        %broadcast_in_dim3A_570 = vector.broadcast %broadcast_in_dim3A_569 : i32 to vector<16x1xi32>
        %gather3A_571 = vector.shape_cast %broadcast_in_dim3A_570 : vector<16x1xi32> to vector<16xi32>
        %gather3A_572 = tpu.dynamic_gather %get3A_145[%gather3A_571] in [0] : vector<16xf32>, vector<16xi32> -> vector<16xf32>
        %get3A_573 = arith.index_cast %add3A_568 : i32 to index
        %get3A_574 = arith.constant 0 : index
        %get3A_575 = tpu.vector_load %arg13[%get3A_573, %get3A_574] {strides = array<i32>} : memref<128x32xf32, #tpu.memory_space<vmem>>, vector<1x16xf32>,
        %get3A_576 = vector.shape_cast %get3A_575 : vector<1x16xf32> to vector<16xf32>
        %mul3A_577 = arith.mulf %get3A_576, %gather3A_572 : vector<16xf32>
        %swap3A_578 = arith.index_cast %add3A_568 : i32 to index
        %swap3A_579 = arith.constant 0 : index
        %swap3A_580 = tpu.vector_load %arg13[%swap3A_578, %swap3A_579] {strides = array<i32>} : memref<128x32xf32, #tpu.memory_space<vmem>>, vector<1x16xf32>,
        %swap3A_581 = vector.shape_cast %swap3A_580 : vector<1x16xf32> to vector<16xf32>
        %swap3A_582 = vector.shape_cast %mul3A_577 : vector<16xf32> to vector<1x16xf32>
        tpu.vector_store %arg13[%swap3A_578, %swap3A_579], %swap3A_582 {strides = array<i32>} : memref<128x32xf32, #tpu.memory_space<vmem>>, vector<1x16xf32>,
        %get3A_583 = arith.index_cast %add3A_568 : i32 to index
        %get3A_584 = arith.constant 16 : index
        %get3A_585 = tpu.vector_load %arg13[%get3A_583, %get3A_584] {strides = array<i32>} : memref<128x32xf32, #tpu.memory_space<vmem>>, vector<1x16xf32>,
        %get3A_586 = vector.shape_cast %get3A_585 : vector<1x16xf32> to vector<16xf32>
        %mul3A_587 = arith.mulf %get3A_586, %gather3A_572 : vector<16xf32>
        %swap3A_588 = arith.index_cast %add3A_568 : i32 to index
        %swap3A_589 = arith.constant 16 : index
        %swap3A_590 = tpu.vector_load %arg13[%swap3A_588, %swap3A_589] {strides = array<i32>} : memref<128x32xf32, #tpu.memory_space<vmem>>, vector<1x16xf32>,
        %swap3A_591 = vector.shape_cast %swap3A_590 : vector<1x16xf32> to vector<16xf32>
        %swap3A_592 = vector.shape_cast %mul3A_587 : vector<16xf32> to vector<1x16xf32>
        tpu.vector_store %arg13[%swap3A_588, %swap3A_589], %swap3A_592 {strides = array<i32>} : memref<128x32xf32, #tpu.memory_space<vmem>>, vector<1x16xf32>,
      }
      %scan3A_139 = arith.constant 8 : i32
      "tpu.region"() ({
        %run_scoped3A = tpu.sem_alloc : memref<!tpu.dma_semaphore, #tpu.memory_space<semaphore_mem>>
        %dma_start3A_140 = arith.constant 0 : i32
        %dma_start3A_141 = arith.constant 0 : i32
        %dma_start3A_142 = tpu.memref_slice %arg9[%dma_start3A_140, %dma_start3A_141] : memref<50048x32xf32, #tpu.memory_space<vmem_shared>> -> memref<50048x32xf32, #tpu.memory_space<vmem_shared>>
        tpu.enqueue_indirect_dma source(%arg13 : memref<128x32xf32, #tpu.memory_space<vmem>>) target(%dma_start3A_142 : memref<50048x32xf32, #tpu.memory_space<vmem_shared>>) offsets(%arg11 : memref<128xi32, #tpu.memory_space<vmem>>) semaphore(%run_scoped3A : memref<!tpu.dma_semaphore, #tpu.memory_space<semaphore_mem>>) {add = true}
        %dma_wait3A_143 = arith.constant 0 : i32
        %dma_wait3A_144 = arith.constant 0 : i32
        %dma_wait3A_145 = tpu.memref_slice %arg9[%dma_wait3A_143, %dma_wait3A_144] : memref<50048x32xf32, #tpu.memory_space<vmem_shared>> -> memref<50048x32xf32, #tpu.memory_space<vmem_shared>>
        tpu.wait_indirect_dma semaphore(%run_scoped3A : memref<!tpu.dma_semaphore, #tpu.memory_space<semaphore_mem>>) src(%arg13 : memref<128x32xf32, #tpu.memory_space<vmem>>) dst(%dma_wait3A_145 : memref<50048x32xf32, #tpu.memory_space<vmem_shared>>)
        tpu.yield
      }) : () -> ()
    }
    %scan3A_34 = arith.constant 400 : i32
    %barrier3A_35 = arith.constant 0 : index
    tpu.barrier barrier_id(%barrier3A_35)
    %scan3A_36 = arith.constant 0 : i32
    %scan3A_37 = arith.constant 0 : i32
    %scan3A_38 = arith.constant 17 : i32
    %scan3A_39 = arith.addi %scan3A_37, %scan3A_38 : i32
    %scan3A_40 = arith.constant 1 : i32
    scf.for %scan3A_57 = %scan3A_37 to %scan3A_39 step %scan3A_40  : i32 {
      %mul3A_58 = arith.constant 184 : i32
      %mul3A_59 = arith.muli %scan3A_57, %mul3A_58 : i32
      %add3A = arith.addi %mul3A_2, %mul3A_59 : i32
      %add3A_60 = arith.addi %mul3A_0, %add3A : i32
      "tpu.region"() ({
        %run_scoped3A = tpu.sem_alloc : memref<!tpu.dma_semaphore, #tpu.memory_space<semaphore_mem>>
        %dma_start3A = arith.constant 0 : i32
        %dma_start3A_61 = tpu.memref_slice %arg7[%add3A_60, %dma_start3A] : memref<100096x32xf32, #tpu.memory_space<hbm>> -> memref<184x32xf32, #tpu.memory_space<hbm>>
        %dma_start3A_62 = arith.constant 0 : i32
        %dma_start3A_63 = tpu.memref_slice %arg9[%add3A, %dma_start3A_62] : memref<50048x32xf32, #tpu.memory_space<vmem_shared>> -> memref<184x32xf32, #tpu.memory_space<vmem_shared>>
        tpu.enqueue_dma source(%dma_start3A_63 : memref<184x32xf32, #tpu.memory_space<vmem_shared>>) target(%dma_start3A_61 : memref<184x32xf32, #tpu.memory_space<hbm>>) target_semaphore(%run_scoped3A : memref<!tpu.dma_semaphore, #tpu.memory_space<semaphore_mem>>)
        %dma_wait3A = arith.constant 0 : i32
        %dma_wait3A_64 = tpu.memref_slice %arg7[%add3A_60, %dma_wait3A] : memref<100096x32xf32, #tpu.memory_space<hbm>> -> memref<184x32xf32, #tpu.memory_space<hbm>>
        %dma_wait3A_65 = arith.constant 0 : i32
        %dma_wait3A_66 = tpu.memref_slice %arg9[%add3A, %dma_wait3A_65] : memref<50048x32xf32, #tpu.memory_space<vmem_shared>> -> memref<184x32xf32, #tpu.memory_space<vmem_shared>>
        tpu.wait_dma2 semaphore(%run_scoped3A : memref<!tpu.dma_semaphore, #tpu.memory_space<semaphore_mem>>) src(%dma_wait3A_66 : memref<184x32xf32, #tpu.memory_space<vmem_shared>>) dst(%dma_wait3A_64 : memref<184x32xf32, #tpu.memory_space<hbm>>)
        tpu.yield
      }) : () -> ()
      "tpu.region"() ({
        %run_scoped3A = tpu.sem_alloc : memref<!tpu.dma_semaphore, #tpu.memory_space<semaphore_mem>>
        %dma_start3A = arith.constant 0 : i32
        %dma_start3A_61 = tpu.memref_slice %arg9[%add3A, %dma_start3A] : memref<50048x32xf32, #tpu.memory_space<vmem_shared>> -> memref<184x32xf32, #tpu.memory_space<vmem_shared>>
        %dma_start3A_62 = arith.constant 0 : i32
        %dma_start3A_63 = tpu.memref_slice %arg9[%add3A, %dma_start3A_62] : memref<50048x32xf32, #tpu.memory_space<vmem_shared>> -> memref<184x32xf32, #tpu.memory_space<vmem_shared>>
        tpu.enqueue_dma source(%arg14 : memref<184x32xf32, #tpu.memory_space<vmem>>) target(%dma_start3A_63 : memref<184x32xf32, #tpu.memory_space<vmem_shared>>) target_semaphore(%run_scoped3A : memref<!tpu.dma_semaphore, #tpu.memory_space<semaphore_mem>>)
        %dma_wait3A = arith.constant 0 : i32
        %dma_wait3A_64 = tpu.memref_slice %arg9[%add3A, %dma_wait3A] : memref<50048x32xf32, #tpu.memory_space<vmem_shared>> -> memref<184x32xf32, #tpu.memory_space<vmem_shared>>
        %dma_wait3A_65 = arith.constant 0 : i32
        %dma_wait3A_66 = tpu.memref_slice %arg9[%add3A, %dma_wait3A_65] : memref<50048x32xf32, #tpu.memory_space<vmem_shared>> -> memref<184x32xf32, #tpu.memory_space<vmem_shared>>
        tpu.wait_dma2 semaphore(%run_scoped3A : memref<!tpu.dma_semaphore, #tpu.memory_space<semaphore_mem>>) src(%arg14 : memref<184x32xf32, #tpu.memory_space<vmem>>) dst(%dma_wait3A_66 : memref<184x32xf32, #tpu.memory_space<vmem_shared>>)
        tpu.yield
      }) : () -> ()
    }
    %scan3A_41 = arith.constant 17 : i32
    %barrier3A_42 = arith.constant 0 : index
    tpu.barrier barrier_id(%barrier3A_42)
    %scan3A_43 = arith.constant 0 : i32
    %scan3A_44 = arith.constant 0 : i32
    %scan3A_45 = arith.constant 400 : i32
    %scan3A_46 = arith.addi %scan3A_44, %scan3A_45 : i32
    %scan3A_47 = arith.constant 1 : i32
    scf.for %scan3A_57 = %scan3A_44 to %scan3A_46 step %scan3A_47  : i32 {
      %mul3A_58 = arith.constant 400 : i32
      %mul3A_59 = arith.muli %arg1, %mul3A_58 : i32
      %add3A = arith.addi %mul3A_59, %scan3A_57 : i32
      "tpu.region"() ({
        %run_scoped3A = tpu.sem_alloc : memref<!tpu.dma_semaphore, #tpu.memory_space<semaphore_mem>>
        %dma_start3A_140 = arith.constant 0 : i32
        %dma_start3A_141 = tpu.memref_slice %arg3[%add3A, %dma_start3A_140] : memref<6400x128xi32, #tpu.memory_space<hbm>> -> memref<1x128xi32, #tpu.memory_space<hbm>>
        %dma_start3A_142 = tpu.memref_squeeze %dma_start3A_141 : memref<1x128xi32, #tpu.memory_space<hbm>> -> memref<128xi32, #tpu.memory_space<hbm>>
        %dma_start3A_143 = arith.constant 0 : i32
        %dma_start3A_144 = tpu.memref_slice %arg3[%add3A, %dma_start3A_143] : memref<6400x128xi32, #tpu.memory_space<hbm>> -> memref<1x128xi32, #tpu.memory_space<hbm>>
        %dma_start3A_145 = tpu.memref_squeeze %dma_start3A_144 : memref<1x128xi32, #tpu.memory_space<hbm>> -> memref<128xi32, #tpu.memory_space<hbm>>
        tpu.enqueue_dma source(%dma_start3A_145 : memref<128xi32, #tpu.memory_space<hbm>>) target(%arg10 : memref<128xi32, #tpu.memory_space<vmem>>) target_semaphore(%run_scoped3A : memref<!tpu.dma_semaphore, #tpu.memory_space<semaphore_mem>>)
        %dma_wait3A_146 = arith.constant 0 : i32
        %dma_wait3A_147 = tpu.memref_slice %arg3[%add3A, %dma_wait3A_146] : memref<6400x128xi32, #tpu.memory_space<hbm>> -> memref<1x128xi32, #tpu.memory_space<hbm>>
        %dma_wait3A_148 = tpu.memref_squeeze %dma_wait3A_147 : memref<1x128xi32, #tpu.memory_space<hbm>> -> memref<128xi32, #tpu.memory_space<hbm>>
        %dma_wait3A_149 = arith.constant 0 : i32
        %dma_wait3A_150 = tpu.memref_slice %arg3[%add3A, %dma_wait3A_149] : memref<6400x128xi32, #tpu.memory_space<hbm>> -> memref<1x128xi32, #tpu.memory_space<hbm>>
        %dma_wait3A_151 = tpu.memref_squeeze %dma_wait3A_150 : memref<1x128xi32, #tpu.memory_space<hbm>> -> memref<128xi32, #tpu.memory_space<hbm>>
        tpu.wait_dma2 semaphore(%run_scoped3A : memref<!tpu.dma_semaphore, #tpu.memory_space<semaphore_mem>>) src(%dma_wait3A_151 : memref<128xi32, #tpu.memory_space<hbm>>) dst(%arg10 : memref<128xi32, #tpu.memory_space<vmem>>)
        tpu.yield
      }) : () -> ()
      "tpu.region"() ({
        %run_scoped3A = tpu.sem_alloc : memref<!tpu.dma_semaphore, #tpu.memory_space<semaphore_mem>>
        %dma_start3A_140 = arith.constant 0 : i32
        %dma_start3A_141 = tpu.memref_slice %arg4[%add3A, %dma_start3A_140] : memref<6400x128xi32, #tpu.memory_space<hbm>> -> memref<1x128xi32, #tpu.memory_space<hbm>>
        %dma_start3A_142 = tpu.memref_squeeze %dma_start3A_141 : memref<1x128xi32, #tpu.memory_space<hbm>> -> memref<128xi32, #tpu.memory_space<hbm>>
        %dma_start3A_143 = arith.constant 0 : i32
        %dma_start3A_144 = tpu.memref_slice %arg4[%add3A, %dma_start3A_143] : memref<6400x128xi32, #tpu.memory_space<hbm>> -> memref<1x128xi32, #tpu.memory_space<hbm>>
        %dma_start3A_145 = tpu.memref_squeeze %dma_start3A_144 : memref<1x128xi32, #tpu.memory_space<hbm>> -> memref<128xi32, #tpu.memory_space<hbm>>
        tpu.enqueue_dma source(%dma_start3A_145 : memref<128xi32, #tpu.memory_space<hbm>>) target(%arg11 : memref<128xi32, #tpu.memory_space<vmem>>) target_semaphore(%run_scoped3A : memref<!tpu.dma_semaphore, #tpu.memory_space<semaphore_mem>>)
        %dma_wait3A_146 = arith.constant 0 : i32
        %dma_wait3A_147 = tpu.memref_slice %arg4[%add3A, %dma_wait3A_146] : memref<6400x128xi32, #tpu.memory_space<hbm>> -> memref<1x128xi32, #tpu.memory_space<hbm>>
        %dma_wait3A_148 = tpu.memref_squeeze %dma_wait3A_147 : memref<1x128xi32, #tpu.memory_space<hbm>> -> memref<128xi32, #tpu.memory_space<hbm>>
        %dma_wait3A_149 = arith.constant 0 : i32
        %dma_wait3A_150 = tpu.memref_slice %arg4[%add3A, %dma_wait3A_149] : memref<6400x128xi32, #tpu.memory_space<hbm>> -> memref<1x128xi32, #tpu.memory_space<hbm>>
        %dma_wait3A_151 = tpu.memref_squeeze %dma_wait3A_150 : memref<1x128xi32, #tpu.memory_space<hbm>> -> memref<128xi32, #tpu.memory_space<hbm>>
        tpu.wait_dma2 semaphore(%run_scoped3A : memref<!tpu.dma_semaphore, #tpu.memory_space<semaphore_mem>>) src(%dma_wait3A_151 : memref<128xi32, #tpu.memory_space<hbm>>) dst(%arg11 : memref<128xi32, #tpu.memory_space<vmem>>)
        tpu.yield
      }) : () -> ()
      "tpu.region"() ({
        %run_scoped3A = tpu.sem_alloc : memref<!tpu.dma_semaphore, #tpu.memory_space<semaphore_mem>>
        %dma_start3A_140 = arith.constant 0 : i32
        %dma_start3A_141 = tpu.memref_slice %arg5[%add3A, %dma_start3A_140] : memref<6400x128xf32, #tpu.memory_space<hbm>> -> memref<1x128xf32, #tpu.memory_space<hbm>>
        %dma_start3A_142 = tpu.memref_squeeze %dma_start3A_141 : memref<1x128xf32, #tpu.memory_space<hbm>> -> memref<128xf32, #tpu.memory_space<hbm>>
        %dma_start3A_143 = arith.constant 0 : i32
        %dma_start3A_144 = tpu.memref_slice %arg5[%add3A, %dma_start3A_143] : memref<6400x128xf32, #tpu.memory_space<hbm>> -> memref<1x128xf32, #tpu.memory_space<hbm>>
        %dma_start3A_145 = tpu.memref_squeeze %dma_start3A_144 : memref<1x128xf32, #tpu.memory_space<hbm>> -> memref<128xf32, #tpu.memory_space<hbm>>
        tpu.enqueue_dma source(%dma_start3A_145 : memref<128xf32, #tpu.memory_space<hbm>>) target(%arg12 : memref<128xf32, #tpu.memory_space<vmem>>) target_semaphore(%run_scoped3A : memref<!tpu.dma_semaphore, #tpu.memory_space<semaphore_mem>>)
        %dma_wait3A_146 = arith.constant 0 : i32
        %dma_wait3A_147 = tpu.memref_slice %arg5[%add3A, %dma_wait3A_146] : memref<6400x128xf32, #tpu.memory_space<hbm>> -> memref<1x128xf32, #tpu.memory_space<hbm>>
        %dma_wait3A_148 = tpu.memref_squeeze %dma_wait3A_147 : memref<1x128xf32, #tpu.memory_space<hbm>> -> memref<128xf32, #tpu.memory_space<hbm>>
        %dma_wait3A_149 = arith.constant 0 : i32
        %dma_wait3A_150 = tpu.memref_slice %arg5[%add3A, %dma_wait3A_149] : memref<6400x128xf32, #tpu.memory_space<hbm>> -> memref<1x128xf32, #tpu.memory_space<hbm>>
        %dma_wait3A_151 = tpu.memref_squeeze %dma_wait3A_150 : memref<1x128xf32, #tpu.memory_space<hbm>> -> memref<128xf32, #tpu.memory_space<hbm>>
        tpu.wait_dma2 semaphore(%run_scoped3A : memref<!tpu.dma_semaphore, #tpu.memory_space<semaphore_mem>>) src(%dma_wait3A_151 : memref<128xf32, #tpu.memory_space<hbm>>) dst(%arg12 : memref<128xf32, #tpu.memory_space<vmem>>)
        tpu.yield
      }) : () -> ()
      %get3A = arith.constant 0 : index
      %get3A_60 = tpu.vector_load %arg10[%get3A] {strides = array<i32>} : memref<128xi32, #tpu.memory_space<vmem>>, vector<16xi32>,
      %get3A_61 = vector.shape_cast %get3A_60 : vector<16xi32> to vector<16xi32>
      %add3A_62 = vector.broadcast %mul3A_0 : i32 to vector<16xi32>
      %add3A_63 = arith.addi %get3A_61, %add3A_62 : vector<16xi32>
      %swap3A = arith.constant 0 : index
      %swap3A_64 = tpu.vector_load %arg10[%swap3A] {strides = array<i32>} : memref<128xi32, #tpu.memory_space<vmem>>, vector<16xi32>,
      %swap3A_65 = vector.shape_cast %swap3A_64 : vector<16xi32> to vector<16xi32>
      %swap3A_66 = vector.shape_cast %add3A_63 : vector<16xi32> to vector<16xi32>
      tpu.vector_store %arg10[%swap3A], %swap3A_66 {strides = array<i32>} : memref<128xi32, #tpu.memory_space<vmem>>, vector<16xi32>,
      %get3A_67 = arith.constant 16 : index
      %get3A_68 = tpu.vector_load %arg10[%get3A_67] {strides = array<i32>} : memref<128xi32, #tpu.memory_space<vmem>>, vector<16xi32>,
      %get3A_69 = vector.shape_cast %get3A_68 : vector<16xi32> to vector<16xi32>
      %add3A_70 = vector.broadcast %mul3A_0 : i32 to vector<16xi32>
      %add3A_71 = arith.addi %get3A_69, %add3A_70 : vector<16xi32>
      %swap3A_72 = arith.constant 16 : index
      %swap3A_73 = tpu.vector_load %arg10[%swap3A_72] {strides = array<i32>} : memref<128xi32, #tpu.memory_space<vmem>>, vector<16xi32>,
      %swap3A_74 = vector.shape_cast %swap3A_73 : vector<16xi32> to vector<16xi32>
      %swap3A_75 = vector.shape_cast %add3A_71 : vector<16xi32> to vector<16xi32>
      tpu.vector_store %arg10[%swap3A_72], %swap3A_75 {strides = array<i32>} : memref<128xi32, #tpu.memory_space<vmem>>, vector<16xi32>,
      %get3A_76 = arith.constant 32 : index
      %get3A_77 = tpu.vector_load %arg10[%get3A_76] {strides = array<i32>} : memref<128xi32, #tpu.memory_space<vmem>>, vector<16xi32>,
      %get3A_78 = vector.shape_cast %get3A_77 : vector<16xi32> to vector<16xi32>
      %add3A_79 = vector.broadcast %mul3A_0 : i32 to vector<16xi32>
      %add3A_80 = arith.addi %get3A_78, %add3A_79 : vector<16xi32>
      %swap3A_81 = arith.constant 32 : index
      %swap3A_82 = tpu.vector_load %arg10[%swap3A_81] {strides = array<i32>} : memref<128xi32, #tpu.memory_space<vmem>>, vector<16xi32>,
      %swap3A_83 = vector.shape_cast %swap3A_82 : vector<16xi32> to vector<16xi32>
      %swap3A_84 = vector.shape_cast %add3A_80 : vector<16xi32> to vector<16xi32>
      tpu.vector_store %arg10[%swap3A_81], %swap3A_84 {strides = array<i32>} : memref<128xi32, #tpu.memory_space<vmem>>, vector<16xi32>,
      %get3A_85 = arith.constant 48 : index
      %get3A_86 = tpu.vector_load %arg10[%get3A_85] {strides = array<i32>} : memref<128xi32, #tpu.memory_space<vmem>>, vector<16xi32>,
      %get3A_87 = vector.shape_cast %get3A_86 : vector<16xi32> to vector<16xi32>
      %add3A_88 = vector.broadcast %mul3A_0 : i32 to vector<16xi32>
      %add3A_89 = arith.addi %get3A_87, %add3A_88 : vector<16xi32>
      %swap3A_90 = arith.constant 48 : index
      %swap3A_91 = tpu.vector_load %arg10[%swap3A_90] {strides = array<i32>} : memref<128xi32, #tpu.memory_space<vmem>>, vector<16xi32>,
      %swap3A_92 = vector.shape_cast %swap3A_91 : vector<16xi32> to vector<16xi32>
      %swap3A_93 = vector.shape_cast %add3A_89 : vector<16xi32> to vector<16xi32>
      tpu.vector_store %arg10[%swap3A_90], %swap3A_93 {strides = array<i32>} : memref<128xi32, #tpu.memory_space<vmem>>, vector<16xi32>,
      %get3A_94 = arith.constant 64 : index
      %get3A_95 = tpu.vector_load %arg10[%get3A_94] {strides = array<i32>} : memref<128xi32, #tpu.memory_space<vmem>>, vector<16xi32>,
      %get3A_96 = vector.shape_cast %get3A_95 : vector<16xi32> to vector<16xi32>
      %add3A_97 = vector.broadcast %mul3A_0 : i32 to vector<16xi32>
      %add3A_98 = arith.addi %get3A_96, %add3A_97 : vector<16xi32>
      %swap3A_99 = arith.constant 64 : index
      %swap3A_100 = tpu.vector_load %arg10[%swap3A_99] {strides = array<i32>} : memref<128xi32, #tpu.memory_space<vmem>>, vector<16xi32>,
      %swap3A_101 = vector.shape_cast %swap3A_100 : vector<16xi32> to vector<16xi32>
      %swap3A_102 = vector.shape_cast %add3A_98 : vector<16xi32> to vector<16xi32>
      tpu.vector_store %arg10[%swap3A_99], %swap3A_102 {strides = array<i32>} : memref<128xi32, #tpu.memory_space<vmem>>, vector<16xi32>,
      %get3A_103 = arith.constant 80 : index
      %get3A_104 = tpu.vector_load %arg10[%get3A_103] {strides = array<i32>} : memref<128xi32, #tpu.memory_space<vmem>>, vector<16xi32>,
      %get3A_105 = vector.shape_cast %get3A_104 : vector<16xi32> to vector<16xi32>
      %add3A_106 = vector.broadcast %mul3A_0 : i32 to vector<16xi32>
      %add3A_107 = arith.addi %get3A_105, %add3A_106 : vector<16xi32>
      %swap3A_108 = arith.constant 80 : index
      %swap3A_109 = tpu.vector_load %arg10[%swap3A_108] {strides = array<i32>} : memref<128xi32, #tpu.memory_space<vmem>>, vector<16xi32>,
      %swap3A_110 = vector.shape_cast %swap3A_109 : vector<16xi32> to vector<16xi32>
      %swap3A_111 = vector.shape_cast %add3A_107 : vector<16xi32> to vector<16xi32>
      tpu.vector_store %arg10[%swap3A_108], %swap3A_111 {strides = array<i32>} : memref<128xi32, #tpu.memory_space<vmem>>, vector<16xi32>,
      %get3A_112 = arith.constant 96 : index
      %get3A_113 = tpu.vector_load %arg10[%get3A_112] {strides = array<i32>} : memref<128xi32, #tpu.memory_space<vmem>>, vector<16xi32>,
      %get3A_114 = vector.shape_cast %get3A_113 : vector<16xi32> to vector<16xi32>
      %add3A_115 = vector.broadcast %mul3A_0 : i32 to vector<16xi32>
      %add3A_116 = arith.addi %get3A_114, %add3A_115 : vector<16xi32>
      %swap3A_117 = arith.constant 96 : index
      %swap3A_118 = tpu.vector_load %arg10[%swap3A_117] {strides = array<i32>} : memref<128xi32, #tpu.memory_space<vmem>>, vector<16xi32>,
      %swap3A_119 = vector.shape_cast %swap3A_118 : vector<16xi32> to vector<16xi32>
      %swap3A_120 = vector.shape_cast %add3A_116 : vector<16xi32> to vector<16xi32>
      tpu.vector_store %arg10[%swap3A_117], %swap3A_120 {strides = array<i32>} : memref<128xi32, #tpu.memory_space<vmem>>, vector<16xi32>,
      %get3A_121 = arith.constant 112 : index
      %get3A_122 = tpu.vector_load %arg10[%get3A_121] {strides = array<i32>} : memref<128xi32, #tpu.memory_space<vmem>>, vector<16xi32>,
      %get3A_123 = vector.shape_cast %get3A_122 : vector<16xi32> to vector<16xi32>
      %add3A_124 = vector.broadcast %mul3A_0 : i32 to vector<16xi32>
      %add3A_125 = arith.addi %get3A_123, %add3A_124 : vector<16xi32>
      %swap3A_126 = arith.constant 112 : index
      %swap3A_127 = tpu.vector_load %arg10[%swap3A_126] {strides = array<i32>} : memref<128xi32, #tpu.memory_space<vmem>>, vector<16xi32>,
      %swap3A_128 = vector.shape_cast %swap3A_127 : vector<16xi32> to vector<16xi32>
      %swap3A_129 = vector.shape_cast %add3A_125 : vector<16xi32> to vector<16xi32>
      tpu.vector_store %arg10[%swap3A_126], %swap3A_129 {strides = array<i32>} : memref<128xi32, #tpu.memory_space<vmem>>, vector<16xi32>,
      %dma_start3A = arith.constant 0 : i32
      %dma_start3A_130 = arith.constant 0 : i32
      %dma_start3A_131 = tpu.memref_slice %arg7[%dma_start3A, %dma_start3A_130] : memref<100096x32xf32, #tpu.memory_space<hbm>> -> memref<100096x32xf32, #tpu.memory_space<hbm>>
      tpu.enqueue_indirect_dma source(%dma_start3A_131 : memref<100096x32xf32, #tpu.memory_space<hbm>>) target(%arg13 : memref<128x32xf32, #tpu.memory_space<vmem>>) offsets(%arg10 : memref<128xi32, #tpu.memory_space<vmem>>) semaphore(%arg15 : memref<!tpu.dma_semaphore, #tpu.memory_space<semaphore_mem>>)
      %dma_wait3A = arith.constant 0 : i32
      %dma_wait3A_132 = arith.constant 0 : i32
      %dma_wait3A_133 = tpu.memref_slice %arg7[%dma_wait3A, %dma_wait3A_132] : memref<100096x32xf32, #tpu.memory_space<hbm>> -> memref<100096x32xf32, #tpu.memory_space<hbm>>
      tpu.wait_indirect_dma semaphore(%arg15 : memref<!tpu.dma_semaphore, #tpu.memory_space<semaphore_mem>>) src(%dma_wait3A_133 : memref<100096x32xf32, #tpu.memory_space<hbm>>) dst(%arg13 : memref<128x32xf32, #tpu.memory_space<vmem>>)
      %scan3A_134 = arith.constant 0 : i32
      %scan3A_135 = arith.constant 0 : i32
      %scan3A_136 = arith.constant 8 : i32
      %scan3A_137 = arith.addi %scan3A_135, %scan3A_136 : i32
      %scan3A_138 = arith.constant 1 : i32
      scf.for %scan3A_140 = %scan3A_135 to %scan3A_137 step %scan3A_138  : i32 {
        %mul3A_141 = arith.constant 16 : i32
        %mul3A_142 = arith.muli %scan3A_140, %mul3A_141 : i32
        %get3A_143 = arith.index_cast %mul3A_142 : i32 to index
        %get3A_144 = tpu.vector_load %arg12[%get3A_143] {strides = array<i32>} : memref<128xf32, #tpu.memory_space<vmem>>, vector<16xf32>,
        %get3A_145 = vector.shape_cast %get3A_144 : vector<16xf32> to vector<16xf32>
        %mul3A_146 = arith.constant 16 : i32
        %mul3A_147 = arith.muli %scan3A_140, %mul3A_146 : i32
        %add3A_148 = arith.constant 0 : i32
        %add3A_149 = arith.addi %mul3A_147, %add3A_148 : i32
        %broadcast_in_dim3A_150 = arith.constant 0 : i32
        %broadcast_in_dim3A_151 = vector.broadcast %broadcast_in_dim3A_150 : i32 to vector<16x1xi32>
        %gather3A = vector.shape_cast %broadcast_in_dim3A_151 : vector<16x1xi32> to vector<16xi32>
        %gather3A_152 = tpu.dynamic_gather %get3A_145[%gather3A] in [0] : vector<16xf32>, vector<16xi32> -> vector<16xf32>
        %get3A_153 = arith.index_cast %add3A_149 : i32 to index
        %get3A_154 = arith.constant 0 : index
        %get3A_155 = tpu.vector_load %arg13[%get3A_153, %get3A_154] {strides = array<i32>} : memref<128x32xf32, #tpu.memory_space<vmem>>, vector<1x16xf32>,
        %get3A_156 = vector.shape_cast %get3A_155 : vector<1x16xf32> to vector<16xf32>
        %mul3A_157 = arith.mulf %get3A_156, %gather3A_152 : vector<16xf32>
        %swap3A_158 = arith.index_cast %add3A_149 : i32 to index
        %swap3A_159 = arith.constant 0 : index
        %swap3A_160 = tpu.vector_load %arg13[%swap3A_158, %swap3A_159] {strides = array<i32>} : memref<128x32xf32, #tpu.memory_space<vmem>>, vector<1x16xf32>,
        %swap3A_161 = vector.shape_cast %swap3A_160 : vector<1x16xf32> to vector<16xf32>
        %swap3A_162 = vector.shape_cast %mul3A_157 : vector<16xf32> to vector<1x16xf32>
        tpu.vector_store %arg13[%swap3A_158, %swap3A_159], %swap3A_162 {strides = array<i32>} : memref<128x32xf32, #tpu.memory_space<vmem>>, vector<1x16xf32>,
        %get3A_163 = arith.index_cast %add3A_149 : i32 to index
        %get3A_164 = arith.constant 16 : index
        %get3A_165 = tpu.vector_load %arg13[%get3A_163, %get3A_164] {strides = array<i32>} : memref<128x32xf32, #tpu.memory_space<vmem>>, vector<1x16xf32>,
        %get3A_166 = vector.shape_cast %get3A_165 : vector<1x16xf32> to vector<16xf32>
        %mul3A_167 = arith.mulf %get3A_166, %gather3A_152 : vector<16xf32>
        %swap3A_168 = arith.index_cast %add3A_149 : i32 to index
        %swap3A_169 = arith.constant 16 : index
        %swap3A_170 = tpu.vector_load %arg13[%swap3A_168, %swap3A_169] {strides = array<i32>} : memref<128x32xf32, #tpu.memory_space<vmem>>, vector<1x16xf32>,
        %swap3A_171 = vector.shape_cast %swap3A_170 : vector<1x16xf32> to vector<16xf32>
        %swap3A_172 = vector.shape_cast %mul3A_167 : vector<16xf32> to vector<1x16xf32>
        tpu.vector_store %arg13[%swap3A_168, %swap3A_169], %swap3A_172 {strides = array<i32>} : memref<128x32xf32, #tpu.memory_space<vmem>>, vector<1x16xf32>,
        %mul3A_173 = arith.constant 16 : i32
        %mul3A_174 = arith.muli %scan3A_140, %mul3A_173 : i32
        %add3A_175 = arith.constant 1 : i32
        %add3A_176 = arith.addi %mul3A_174, %add3A_175 : i32
        %broadcast_in_dim3A_177 = arith.constant 1 : i32
        %broadcast_in_dim3A_178 = vector.broadcast %broadcast_in_dim3A_177 : i32 to vector<16x1xi32>
        %gather3A_179 = vector.shape_cast %broadcast_in_dim3A_178 : vector<16x1xi32> to vector<16xi32>
        %gather3A_180 = tpu.dynamic_gather %get3A_145[%gather3A_179] in [0] : vector<16xf32>, vector<16xi32> -> vector<16xf32>
        %get3A_181 = arith.index_cast %add3A_176 : i32 to index
        %get3A_182 = arith.constant 0 : index
        %get3A_183 = tpu.vector_load %arg13[%get3A_181, %get3A_182] {strides = array<i32>} : memref<128x32xf32, #tpu.memory_space<vmem>>, vector<1x16xf32>,
        %get3A_184 = vector.shape_cast %get3A_183 : vector<1x16xf32> to vector<16xf32>
        %mul3A_185 = arith.mulf %get3A_184, %gather3A_180 : vector<16xf32>
        %swap3A_186 = arith.index_cast %add3A_176 : i32 to index
        %swap3A_187 = arith.constant 0 : index
        %swap3A_188 = tpu.vector_load %arg13[%swap3A_186, %swap3A_187] {strides = array<i32>} : memref<128x32xf32, #tpu.memory_space<vmem>>, vector<1x16xf32>,
        %swap3A_189 = vector.shape_cast %swap3A_188 : vector<1x16xf32> to vector<16xf32>
        %swap3A_190 = vector.shape_cast %mul3A_185 : vector<16xf32> to vector<1x16xf32>
        tpu.vector_store %arg13[%swap3A_186, %swap3A_187], %swap3A_190 {strides = array<i32>} : memref<128x32xf32, #tpu.memory_space<vmem>>, vector<1x16xf32>,
        %get3A_191 = arith.index_cast %add3A_176 : i32 to index
        %get3A_192 = arith.constant 16 : index
        %get3A_193 = tpu.vector_load %arg13[%get3A_191, %get3A_192] {strides = array<i32>} : memref<128x32xf32, #tpu.memory_space<vmem>>, vector<1x16xf32>,
        %get3A_194 = vector.shape_cast %get3A_193 : vector<1x16xf32> to vector<16xf32>
        %mul3A_195 = arith.mulf %get3A_194, %gather3A_180 : vector<16xf32>
        %swap3A_196 = arith.index_cast %add3A_176 : i32 to index
        %swap3A_197 = arith.constant 16 : index
        %swap3A_198 = tpu.vector_load %arg13[%swap3A_196, %swap3A_197] {strides = array<i32>} : memref<128x32xf32, #tpu.memory_space<vmem>>, vector<1x16xf32>,
        %swap3A_199 = vector.shape_cast %swap3A_198 : vector<1x16xf32> to vector<16xf32>
        %swap3A_200 = vector.shape_cast %mul3A_195 : vector<16xf32> to vector<1x16xf32>
        tpu.vector_store %arg13[%swap3A_196, %swap3A_197], %swap3A_200 {strides = array<i32>} : memref<128x32xf32, #tpu.memory_space<vmem>>, vector<1x16xf32>,
        %mul3A_201 = arith.constant 16 : i32
        %mul3A_202 = arith.muli %scan3A_140, %mul3A_201 : i32
        %add3A_203 = arith.constant 2 : i32
        %add3A_204 = arith.addi %mul3A_202, %add3A_203 : i32
        %broadcast_in_dim3A_205 = arith.constant 2 : i32
        %broadcast_in_dim3A_206 = vector.broadcast %broadcast_in_dim3A_205 : i32 to vector<16x1xi32>
        %gather3A_207 = vector.shape_cast %broadcast_in_dim3A_206 : vector<16x1xi32> to vector<16xi32>
        %gather3A_208 = tpu.dynamic_gather %get3A_145[%gather3A_207] in [0] : vector<16xf32>, vector<16xi32> -> vector<16xf32>
        %get3A_209 = arith.index_cast %add3A_204 : i32 to index
        %get3A_210 = arith.constant 0 : index
        %get3A_211 = tpu.vector_load %arg13[%get3A_209, %get3A_210] {strides = array<i32>} : memref<128x32xf32, #tpu.memory_space<vmem>>, vector<1x16xf32>,
        %get3A_212 = vector.shape_cast %get3A_211 : vector<1x16xf32> to vector<16xf32>
        %mul3A_213 = arith.mulf %get3A_212, %gather3A_208 : vector<16xf32>
        %swap3A_214 = arith.index_cast %add3A_204 : i32 to index
        %swap3A_215 = arith.constant 0 : index
        %swap3A_216 = tpu.vector_load %arg13[%swap3A_214, %swap3A_215] {strides = array<i32>} : memref<128x32xf32, #tpu.memory_space<vmem>>, vector<1x16xf32>,
        %swap3A_217 = vector.shape_cast %swap3A_216 : vector<1x16xf32> to vector<16xf32>
        %swap3A_218 = vector.shape_cast %mul3A_213 : vector<16xf32> to vector<1x16xf32>
        tpu.vector_store %arg13[%swap3A_214, %swap3A_215], %swap3A_218 {strides = array<i32>} : memref<128x32xf32, #tpu.memory_space<vmem>>, vector<1x16xf32>,
        %get3A_219 = arith.index_cast %add3A_204 : i32 to index
        %get3A_220 = arith.constant 16 : index
        %get3A_221 = tpu.vector_load %arg13[%get3A_219, %get3A_220] {strides = array<i32>} : memref<128x32xf32, #tpu.memory_space<vmem>>, vector<1x16xf32>,
        %get3A_222 = vector.shape_cast %get3A_221 : vector<1x16xf32> to vector<16xf32>
        %mul3A_223 = arith.mulf %get3A_222, %gather3A_208 : vector<16xf32>
        %swap3A_224 = arith.index_cast %add3A_204 : i32 to index
        %swap3A_225 = arith.constant 16 : index
        %swap3A_226 = tpu.vector_load %arg13[%swap3A_224, %swap3A_225] {strides = array<i32>} : memref<128x32xf32, #tpu.memory_space<vmem>>, vector<1x16xf32>,
        %swap3A_227 = vector.shape_cast %swap3A_226 : vector<1x16xf32> to vector<16xf32>
        %swap3A_228 = vector.shape_cast %mul3A_223 : vector<16xf32> to vector<1x16xf32>
        tpu.vector_store %arg13[%swap3A_224, %swap3A_225], %swap3A_228 {strides = array<i32>} : memref<128x32xf32, #tpu.memory_space<vmem>>, vector<1x16xf32>,
        %mul3A_229 = arith.constant 16 : i32
        %mul3A_230 = arith.muli %scan3A_140, %mul3A_229 : i32
        %add3A_231 = arith.constant 3 : i32
        %add3A_232 = arith.addi %mul3A_230, %add3A_231 : i32
        %broadcast_in_dim3A_233 = arith.constant 3 : i32
        %broadcast_in_dim3A_234 = vector.broadcast %broadcast_in_dim3A_233 : i32 to vector<16x1xi32>
        %gather3A_235 = vector.shape_cast %broadcast_in_dim3A_234 : vector<16x1xi32> to vector<16xi32>
        %gather3A_236 = tpu.dynamic_gather %get3A_145[%gather3A_235] in [0] : vector<16xf32>, vector<16xi32> -> vector<16xf32>
        %get3A_237 = arith.index_cast %add3A_232 : i32 to index
        %get3A_238 = arith.constant 0 : index
        %get3A_239 = tpu.vector_load %arg13[%get3A_237, %get3A_238] {strides = array<i32>} : memref<128x32xf32, #tpu.memory_space<vmem>>, vector<1x16xf32>,
        %get3A_240 = vector.shape_cast %get3A_239 : vector<1x16xf32> to vector<16xf32>
        %mul3A_241 = arith.mulf %get3A_240, %gather3A_236 : vector<16xf32>
        %swap3A_242 = arith.index_cast %add3A_232 : i32 to index
        %swap3A_243 = arith.constant 0 : index
        %swap3A_244 = tpu.vector_load %arg13[%swap3A_242, %swap3A_243] {strides = array<i32>} : memref<128x32xf32, #tpu.memory_space<vmem>>, vector<1x16xf32>,
        %swap3A_245 = vector.shape_cast %swap3A_244 : vector<1x16xf32> to vector<16xf32>
        %swap3A_246 = vector.shape_cast %mul3A_241 : vector<16xf32> to vector<1x16xf32>
        tpu.vector_store %arg13[%swap3A_242, %swap3A_243], %swap3A_246 {strides = array<i32>} : memref<128x32xf32, #tpu.memory_space<vmem>>, vector<1x16xf32>,
        %get3A_247 = arith.index_cast %add3A_232 : i32 to index
        %get3A_248 = arith.constant 16 : index
        %get3A_249 = tpu.vector_load %arg13[%get3A_247, %get3A_248] {strides = array<i32>} : memref<128x32xf32, #tpu.memory_space<vmem>>, vector<1x16xf32>,
        %get3A_250 = vector.shape_cast %get3A_249 : vector<1x16xf32> to vector<16xf32>
        %mul3A_251 = arith.mulf %get3A_250, %gather3A_236 : vector<16xf32>
        %swap3A_252 = arith.index_cast %add3A_232 : i32 to index
        %swap3A_253 = arith.constant 16 : index
        %swap3A_254 = tpu.vector_load %arg13[%swap3A_252, %swap3A_253] {strides = array<i32>} : memref<128x32xf32, #tpu.memory_space<vmem>>, vector<1x16xf32>,
        %swap3A_255 = vector.shape_cast %swap3A_254 : vector<1x16xf32> to vector<16xf32>
        %swap3A_256 = vector.shape_cast %mul3A_251 : vector<16xf32> to vector<1x16xf32>
        tpu.vector_store %arg13[%swap3A_252, %swap3A_253], %swap3A_256 {strides = array<i32>} : memref<128x32xf32, #tpu.memory_space<vmem>>, vector<1x16xf32>,
        %mul3A_257 = arith.constant 16 : i32
        %mul3A_258 = arith.muli %scan3A_140, %mul3A_257 : i32
        %add3A_259 = arith.constant 4 : i32
        %add3A_260 = arith.addi %mul3A_258, %add3A_259 : i32
        %broadcast_in_dim3A_261 = arith.constant 4 : i32
        %broadcast_in_dim3A_262 = vector.broadcast %broadcast_in_dim3A_261 : i32 to vector<16x1xi32>
        %gather3A_263 = vector.shape_cast %broadcast_in_dim3A_262 : vector<16x1xi32> to vector<16xi32>
        %gather3A_264 = tpu.dynamic_gather %get3A_145[%gather3A_263] in [0] : vector<16xf32>, vector<16xi32> -> vector<16xf32>
        %get3A_265 = arith.index_cast %add3A_260 : i32 to index
        %get3A_266 = arith.constant 0 : index
        %get3A_267 = tpu.vector_load %arg13[%get3A_265, %get3A_266] {strides = array<i32>} : memref<128x32xf32, #tpu.memory_space<vmem>>, vector<1x16xf32>,
        %get3A_268 = vector.shape_cast %get3A_267 : vector<1x16xf32> to vector<16xf32>
        %mul3A_269 = arith.mulf %get3A_268, %gather3A_264 : vector<16xf32>
        %swap3A_270 = arith.index_cast %add3A_260 : i32 to index
        %swap3A_271 = arith.constant 0 : index
        %swap3A_272 = tpu.vector_load %arg13[%swap3A_270, %swap3A_271] {strides = array<i32>} : memref<128x32xf32, #tpu.memory_space<vmem>>, vector<1x16xf32>,
        %swap3A_273 = vector.shape_cast %swap3A_272 : vector<1x16xf32> to vector<16xf32>
        %swap3A_274 = vector.shape_cast %mul3A_269 : vector<16xf32> to vector<1x16xf32>
        tpu.vector_store %arg13[%swap3A_270, %swap3A_271], %swap3A_274 {strides = array<i32>} : memref<128x32xf32, #tpu.memory_space<vmem>>, vector<1x16xf32>,
        %get3A_275 = arith.index_cast %add3A_260 : i32 to index
        %get3A_276 = arith.constant 16 : index
        %get3A_277 = tpu.vector_load %arg13[%get3A_275, %get3A_276] {strides = array<i32>} : memref<128x32xf32, #tpu.memory_space<vmem>>, vector<1x16xf32>,
        %get3A_278 = vector.shape_cast %get3A_277 : vector<1x16xf32> to vector<16xf32>
        %mul3A_279 = arith.mulf %get3A_278, %gather3A_264 : vector<16xf32>
        %swap3A_280 = arith.index_cast %add3A_260 : i32 to index
        %swap3A_281 = arith.constant 16 : index
        %swap3A_282 = tpu.vector_load %arg13[%swap3A_280, %swap3A_281] {strides = array<i32>} : memref<128x32xf32, #tpu.memory_space<vmem>>, vector<1x16xf32>,
        %swap3A_283 = vector.shape_cast %swap3A_282 : vector<1x16xf32> to vector<16xf32>
        %swap3A_284 = vector.shape_cast %mul3A_279 : vector<16xf32> to vector<1x16xf32>
        tpu.vector_store %arg13[%swap3A_280, %swap3A_281], %swap3A_284 {strides = array<i32>} : memref<128x32xf32, #tpu.memory_space<vmem>>, vector<1x16xf32>,
        %mul3A_285 = arith.constant 16 : i32
        %mul3A_286 = arith.muli %scan3A_140, %mul3A_285 : i32
        %add3A_287 = arith.constant 5 : i32
        %add3A_288 = arith.addi %mul3A_286, %add3A_287 : i32
        %broadcast_in_dim3A_289 = arith.constant 5 : i32
        %broadcast_in_dim3A_290 = vector.broadcast %broadcast_in_dim3A_289 : i32 to vector<16x1xi32>
        %gather3A_291 = vector.shape_cast %broadcast_in_dim3A_290 : vector<16x1xi32> to vector<16xi32>
        %gather3A_292 = tpu.dynamic_gather %get3A_145[%gather3A_291] in [0] : vector<16xf32>, vector<16xi32> -> vector<16xf32>
        %get3A_293 = arith.index_cast %add3A_288 : i32 to index
        %get3A_294 = arith.constant 0 : index
        %get3A_295 = tpu.vector_load %arg13[%get3A_293, %get3A_294] {strides = array<i32>} : memref<128x32xf32, #tpu.memory_space<vmem>>, vector<1x16xf32>,
        %get3A_296 = vector.shape_cast %get3A_295 : vector<1x16xf32> to vector<16xf32>
        %mul3A_297 = arith.mulf %get3A_296, %gather3A_292 : vector<16xf32>
        %swap3A_298 = arith.index_cast %add3A_288 : i32 to index
        %swap3A_299 = arith.constant 0 : index
        %swap3A_300 = tpu.vector_load %arg13[%swap3A_298, %swap3A_299] {strides = array<i32>} : memref<128x32xf32, #tpu.memory_space<vmem>>, vector<1x16xf32>,
        %swap3A_301 = vector.shape_cast %swap3A_300 : vector<1x16xf32> to vector<16xf32>
        %swap3A_302 = vector.shape_cast %mul3A_297 : vector<16xf32> to vector<1x16xf32>
        tpu.vector_store %arg13[%swap3A_298, %swap3A_299], %swap3A_302 {strides = array<i32>} : memref<128x32xf32, #tpu.memory_space<vmem>>, vector<1x16xf32>,
        %get3A_303 = arith.index_cast %add3A_288 : i32 to index
        %get3A_304 = arith.constant 16 : index
        %get3A_305 = tpu.vector_load %arg13[%get3A_303, %get3A_304] {strides = array<i32>} : memref<128x32xf32, #tpu.memory_space<vmem>>, vector<1x16xf32>,
        %get3A_306 = vector.shape_cast %get3A_305 : vector<1x16xf32> to vector<16xf32>
        %mul3A_307 = arith.mulf %get3A_306, %gather3A_292 : vector<16xf32>
        %swap3A_308 = arith.index_cast %add3A_288 : i32 to index
        %swap3A_309 = arith.constant 16 : index
        %swap3A_310 = tpu.vector_load %arg13[%swap3A_308, %swap3A_309] {strides = array<i32>} : memref<128x32xf32, #tpu.memory_space<vmem>>, vector<1x16xf32>,
        %swap3A_311 = vector.shape_cast %swap3A_310 : vector<1x16xf32> to vector<16xf32>
        %swap3A_312 = vector.shape_cast %mul3A_307 : vector<16xf32> to vector<1x16xf32>
        tpu.vector_store %arg13[%swap3A_308, %swap3A_309], %swap3A_312 {strides = array<i32>} : memref<128x32xf32, #tpu.memory_space<vmem>>, vector<1x16xf32>,
        %mul3A_313 = arith.constant 16 : i32
        %mul3A_314 = arith.muli %scan3A_140, %mul3A_313 : i32
        %add3A_315 = arith.constant 6 : i32
        %add3A_316 = arith.addi %mul3A_314, %add3A_315 : i32
        %broadcast_in_dim3A_317 = arith.constant 6 : i32
        %broadcast_in_dim3A_318 = vector.broadcast %broadcast_in_dim3A_317 : i32 to vector<16x1xi32>
        %gather3A_319 = vector.shape_cast %broadcast_in_dim3A_318 : vector<16x1xi32> to vector<16xi32>
        %gather3A_320 = tpu.dynamic_gather %get3A_145[%gather3A_319] in [0] : vector<16xf32>, vector<16xi32> -> vector<16xf32>
        %get3A_321 = arith.index_cast %add3A_316 : i32 to index
        %get3A_322 = arith.constant 0 : index
        %get3A_323 = tpu.vector_load %arg13[%get3A_321, %get3A_322] {strides = array<i32>} : memref<128x32xf32, #tpu.memory_space<vmem>>, vector<1x16xf32>,
        %get3A_324 = vector.shape_cast %get3A_323 : vector<1x16xf32> to vector<16xf32>
        %mul3A_325 = arith.mulf %get3A_324, %gather3A_320 : vector<16xf32>
        %swap3A_326 = arith.index_cast %add3A_316 : i32 to index
        %swap3A_327 = arith.constant 0 : index
        %swap3A_328 = tpu.vector_load %arg13[%swap3A_326, %swap3A_327] {strides = array<i32>} : memref<128x32xf32, #tpu.memory_space<vmem>>, vector<1x16xf32>,
        %swap3A_329 = vector.shape_cast %swap3A_328 : vector<1x16xf32> to vector<16xf32>
        %swap3A_330 = vector.shape_cast %mul3A_325 : vector<16xf32> to vector<1x16xf32>
        tpu.vector_store %arg13[%swap3A_326, %swap3A_327], %swap3A_330 {strides = array<i32>} : memref<128x32xf32, #tpu.memory_space<vmem>>, vector<1x16xf32>,
        %get3A_331 = arith.index_cast %add3A_316 : i32 to index
        %get3A_332 = arith.constant 16 : index
        %get3A_333 = tpu.vector_load %arg13[%get3A_331, %get3A_332] {strides = array<i32>} : memref<128x32xf32, #tpu.memory_space<vmem>>, vector<1x16xf32>,
        %get3A_334 = vector.shape_cast %get3A_333 : vector<1x16xf32> to vector<16xf32>
        %mul3A_335 = arith.mulf %get3A_334, %gather3A_320 : vector<16xf32>
        %swap3A_336 = arith.index_cast %add3A_316 : i32 to index
        %swap3A_337 = arith.constant 16 : index
        %swap3A_338 = tpu.vector_load %arg13[%swap3A_336, %swap3A_337] {strides = array<i32>} : memref<128x32xf32, #tpu.memory_space<vmem>>, vector<1x16xf32>,
        %swap3A_339 = vector.shape_cast %swap3A_338 : vector<1x16xf32> to vector<16xf32>
        %swap3A_340 = vector.shape_cast %mul3A_335 : vector<16xf32> to vector<1x16xf32>
        tpu.vector_store %arg13[%swap3A_336, %swap3A_337], %swap3A_340 {strides = array<i32>} : memref<128x32xf32, #tpu.memory_space<vmem>>, vector<1x16xf32>,
        %mul3A_341 = arith.constant 16 : i32
        %mul3A_342 = arith.muli %scan3A_140, %mul3A_341 : i32
        %add3A_343 = arith.constant 7 : i32
        %add3A_344 = arith.addi %mul3A_342, %add3A_343 : i32
        %broadcast_in_dim3A_345 = arith.constant 7 : i32
        %broadcast_in_dim3A_346 = vector.broadcast %broadcast_in_dim3A_345 : i32 to vector<16x1xi32>
        %gather3A_347 = vector.shape_cast %broadcast_in_dim3A_346 : vector<16x1xi32> to vector<16xi32>
        %gather3A_348 = tpu.dynamic_gather %get3A_145[%gather3A_347] in [0] : vector<16xf32>, vector<16xi32> -> vector<16xf32>
        %get3A_349 = arith.index_cast %add3A_344 : i32 to index
        %get3A_350 = arith.constant 0 : index
        %get3A_351 = tpu.vector_load %arg13[%get3A_349, %get3A_350] {strides = array<i32>} : memref<128x32xf32, #tpu.memory_space<vmem>>, vector<1x16xf32>,
        %get3A_352 = vector.shape_cast %get3A_351 : vector<1x16xf32> to vector<16xf32>
        %mul3A_353 = arith.mulf %get3A_352, %gather3A_348 : vector<16xf32>
        %swap3A_354 = arith.index_cast %add3A_344 : i32 to index
        %swap3A_355 = arith.constant 0 : index
        %swap3A_356 = tpu.vector_load %arg13[%swap3A_354, %swap3A_355] {strides = array<i32>} : memref<128x32xf32, #tpu.memory_space<vmem>>, vector<1x16xf32>,
        %swap3A_357 = vector.shape_cast %swap3A_356 : vector<1x16xf32> to vector<16xf32>
        %swap3A_358 = vector.shape_cast %mul3A_353 : vector<16xf32> to vector<1x16xf32>
        tpu.vector_store %arg13[%swap3A_354, %swap3A_355], %swap3A_358 {strides = array<i32>} : memref<128x32xf32, #tpu.memory_space<vmem>>, vector<1x16xf32>,
        %get3A_359 = arith.index_cast %add3A_344 : i32 to index
        %get3A_360 = arith.constant 16 : index
        %get3A_361 = tpu.vector_load %arg13[%get3A_359, %get3A_360] {strides = array<i32>} : memref<128x32xf32, #tpu.memory_space<vmem>>, vector<1x16xf32>,
        %get3A_362 = vector.shape_cast %get3A_361 : vector<1x16xf32> to vector<16xf32>
        %mul3A_363 = arith.mulf %get3A_362, %gather3A_348 : vector<16xf32>
        %swap3A_364 = arith.index_cast %add3A_344 : i32 to index
        %swap3A_365 = arith.constant 16 : index
        %swap3A_366 = tpu.vector_load %arg13[%swap3A_364, %swap3A_365] {strides = array<i32>} : memref<128x32xf32, #tpu.memory_space<vmem>>, vector<1x16xf32>,
        %swap3A_367 = vector.shape_cast %swap3A_366 : vector<1x16xf32> to vector<16xf32>
        %swap3A_368 = vector.shape_cast %mul3A_363 : vector<16xf32> to vector<1x16xf32>
        tpu.vector_store %arg13[%swap3A_364, %swap3A_365], %swap3A_368 {strides = array<i32>} : memref<128x32xf32, #tpu.memory_space<vmem>>, vector<1x16xf32>,
        %mul3A_369 = arith.constant 16 : i32
        %mul3A_370 = arith.muli %scan3A_140, %mul3A_369 : i32
        %add3A_371 = arith.constant 8 : i32
        %add3A_372 = arith.addi %mul3A_370, %add3A_371 : i32
        %broadcast_in_dim3A_373 = arith.constant 8 : i32
        %broadcast_in_dim3A_374 = vector.broadcast %broadcast_in_dim3A_373 : i32 to vector<16x1xi32>
        %gather3A_375 = vector.shape_cast %broadcast_in_dim3A_374 : vector<16x1xi32> to vector<16xi32>
        %gather3A_376 = tpu.dynamic_gather %get3A_145[%gather3A_375] in [0] : vector<16xf32>, vector<16xi32> -> vector<16xf32>
        %get3A_377 = arith.index_cast %add3A_372 : i32 to index
        %get3A_378 = arith.constant 0 : index
        %get3A_379 = tpu.vector_load %arg13[%get3A_377, %get3A_378] {strides = array<i32>} : memref<128x32xf32, #tpu.memory_space<vmem>>, vector<1x16xf32>,
        %get3A_380 = vector.shape_cast %get3A_379 : vector<1x16xf32> to vector<16xf32>
        %mul3A_381 = arith.mulf %get3A_380, %gather3A_376 : vector<16xf32>
        %swap3A_382 = arith.index_cast %add3A_372 : i32 to index
        %swap3A_383 = arith.constant 0 : index
        %swap3A_384 = tpu.vector_load %arg13[%swap3A_382, %swap3A_383] {strides = array<i32>} : memref<128x32xf32, #tpu.memory_space<vmem>>, vector<1x16xf32>,
        %swap3A_385 = vector.shape_cast %swap3A_384 : vector<1x16xf32> to vector<16xf32>
        %swap3A_386 = vector.shape_cast %mul3A_381 : vector<16xf32> to vector<1x16xf32>
        tpu.vector_store %arg13[%swap3A_382, %swap3A_383], %swap3A_386 {strides = array<i32>} : memref<128x32xf32, #tpu.memory_space<vmem>>, vector<1x16xf32>,
        %get3A_387 = arith.index_cast %add3A_372 : i32 to index
        %get3A_388 = arith.constant 16 : index
        %get3A_389 = tpu.vector_load %arg13[%get3A_387, %get3A_388] {strides = array<i32>} : memref<128x32xf32, #tpu.memory_space<vmem>>, vector<1x16xf32>,
        %get3A_390 = vector.shape_cast %get3A_389 : vector<1x16xf32> to vector<16xf32>
        %mul3A_391 = arith.mulf %get3A_390, %gather3A_376 : vector<16xf32>
        %swap3A_392 = arith.index_cast %add3A_372 : i32 to index
        %swap3A_393 = arith.constant 16 : index
        %swap3A_394 = tpu.vector_load %arg13[%swap3A_392, %swap3A_393] {strides = array<i32>} : memref<128x32xf32, #tpu.memory_space<vmem>>, vector<1x16xf32>,
        %swap3A_395 = vector.shape_cast %swap3A_394 : vector<1x16xf32> to vector<16xf32>
        %swap3A_396 = vector.shape_cast %mul3A_391 : vector<16xf32> to vector<1x16xf32>
        tpu.vector_store %arg13[%swap3A_392, %swap3A_393], %swap3A_396 {strides = array<i32>} : memref<128x32xf32, #tpu.memory_space<vmem>>, vector<1x16xf32>,
        %mul3A_397 = arith.constant 16 : i32
        %mul3A_398 = arith.muli %scan3A_140, %mul3A_397 : i32
        %add3A_399 = arith.constant 9 : i32
        %add3A_400 = arith.addi %mul3A_398, %add3A_399 : i32
        %broadcast_in_dim3A_401 = arith.constant 9 : i32
        %broadcast_in_dim3A_402 = vector.broadcast %broadcast_in_dim3A_401 : i32 to vector<16x1xi32>
        %gather3A_403 = vector.shape_cast %broadcast_in_dim3A_402 : vector<16x1xi32> to vector<16xi32>
        %gather3A_404 = tpu.dynamic_gather %get3A_145[%gather3A_403] in [0] : vector<16xf32>, vector<16xi32> -> vector<16xf32>
        %get3A_405 = arith.index_cast %add3A_400 : i32 to index
        %get3A_406 = arith.constant 0 : index
        %get3A_407 = tpu.vector_load %arg13[%get3A_405, %get3A_406] {strides = array<i32>} : memref<128x32xf32, #tpu.memory_space<vmem>>, vector<1x16xf32>,
        %get3A_408 = vector.shape_cast %get3A_407 : vector<1x16xf32> to vector<16xf32>
        %mul3A_409 = arith.mulf %get3A_408, %gather3A_404 : vector<16xf32>
        %swap3A_410 = arith.index_cast %add3A_400 : i32 to index
        %swap3A_411 = arith.constant 0 : index
        %swap3A_412 = tpu.vector_load %arg13[%swap3A_410, %swap3A_411] {strides = array<i32>} : memref<128x32xf32, #tpu.memory_space<vmem>>, vector<1x16xf32>,
        %swap3A_413 = vector.shape_cast %swap3A_412 : vector<1x16xf32> to vector<16xf32>
        %swap3A_414 = vector.shape_cast %mul3A_409 : vector<16xf32> to vector<1x16xf32>
        tpu.vector_store %arg13[%swap3A_410, %swap3A_411], %swap3A_414 {strides = array<i32>} : memref<128x32xf32, #tpu.memory_space<vmem>>, vector<1x16xf32>,
        %get3A_415 = arith.index_cast %add3A_400 : i32 to index
        %get3A_416 = arith.constant 16 : index
        %get3A_417 = tpu.vector_load %arg13[%get3A_415, %get3A_416] {strides = array<i32>} : memref<128x32xf32, #tpu.memory_space<vmem>>, vector<1x16xf32>,
        %get3A_418 = vector.shape_cast %get3A_417 : vector<1x16xf32> to vector<16xf32>
        %mul3A_419 = arith.mulf %get3A_418, %gather3A_404 : vector<16xf32>
        %swap3A_420 = arith.index_cast %add3A_400 : i32 to index
        %swap3A_421 = arith.constant 16 : index
        %swap3A_422 = tpu.vector_load %arg13[%swap3A_420, %swap3A_421] {strides = array<i32>} : memref<128x32xf32, #tpu.memory_space<vmem>>, vector<1x16xf32>,
        %swap3A_423 = vector.shape_cast %swap3A_422 : vector<1x16xf32> to vector<16xf32>
        %swap3A_424 = vector.shape_cast %mul3A_419 : vector<16xf32> to vector<1x16xf32>
        tpu.vector_store %arg13[%swap3A_420, %swap3A_421], %swap3A_424 {strides = array<i32>} : memref<128x32xf32, #tpu.memory_space<vmem>>, vector<1x16xf32>,
        %mul3A_425 = arith.constant 16 : i32
        %mul3A_426 = arith.muli %scan3A_140, %mul3A_425 : i32
        %add3A_427 = arith.constant 10 : i32
        %add3A_428 = arith.addi %mul3A_426, %add3A_427 : i32
        %broadcast_in_dim3A_429 = arith.constant 10 : i32
        %broadcast_in_dim3A_430 = vector.broadcast %broadcast_in_dim3A_429 : i32 to vector<16x1xi32>
        %gather3A_431 = vector.shape_cast %broadcast_in_dim3A_430 : vector<16x1xi32> to vector<16xi32>
        %gather3A_432 = tpu.dynamic_gather %get3A_145[%gather3A_431] in [0] : vector<16xf32>, vector<16xi32> -> vector<16xf32>
        %get3A_433 = arith.index_cast %add3A_428 : i32 to index
        %get3A_434 = arith.constant 0 : index
        %get3A_435 = tpu.vector_load %arg13[%get3A_433, %get3A_434] {strides = array<i32>} : memref<128x32xf32, #tpu.memory_space<vmem>>, vector<1x16xf32>,
        %get3A_436 = vector.shape_cast %get3A_435 : vector<1x16xf32> to vector<16xf32>
        %mul3A_437 = arith.mulf %get3A_436, %gather3A_432 : vector<16xf32>
        %swap3A_438 = arith.index_cast %add3A_428 : i32 to index
        %swap3A_439 = arith.constant 0 : index
        %swap3A_440 = tpu.vector_load %arg13[%swap3A_438, %swap3A_439] {strides = array<i32>} : memref<128x32xf32, #tpu.memory_space<vmem>>, vector<1x16xf32>,
        %swap3A_441 = vector.shape_cast %swap3A_440 : vector<1x16xf32> to vector<16xf32>
        %swap3A_442 = vector.shape_cast %mul3A_437 : vector<16xf32> to vector<1x16xf32>
        tpu.vector_store %arg13[%swap3A_438, %swap3A_439], %swap3A_442 {strides = array<i32>} : memref<128x32xf32, #tpu.memory_space<vmem>>, vector<1x16xf32>,
        %get3A_443 = arith.index_cast %add3A_428 : i32 to index
        %get3A_444 = arith.constant 16 : index
        %get3A_445 = tpu.vector_load %arg13[%get3A_443, %get3A_444] {strides = array<i32>} : memref<128x32xf32, #tpu.memory_space<vmem>>, vector<1x16xf32>,
        %get3A_446 = vector.shape_cast %get3A_445 : vector<1x16xf32> to vector<16xf32>
        %mul3A_447 = arith.mulf %get3A_446, %gather3A_432 : vector<16xf32>
        %swap3A_448 = arith.index_cast %add3A_428 : i32 to index
        %swap3A_449 = arith.constant 16 : index
        %swap3A_450 = tpu.vector_load %arg13[%swap3A_448, %swap3A_449] {strides = array<i32>} : memref<128x32xf32, #tpu.memory_space<vmem>>, vector<1x16xf32>,
        %swap3A_451 = vector.shape_cast %swap3A_450 : vector<1x16xf32> to vector<16xf32>
        %swap3A_452 = vector.shape_cast %mul3A_447 : vector<16xf32> to vector<1x16xf32>
        tpu.vector_store %arg13[%swap3A_448, %swap3A_449], %swap3A_452 {strides = array<i32>} : memref<128x32xf32, #tpu.memory_space<vmem>>, vector<1x16xf32>,
        %mul3A_453 = arith.constant 16 : i32
        %mul3A_454 = arith.muli %scan3A_140, %mul3A_453 : i32
        %add3A_455 = arith.constant 11 : i32
        %add3A_456 = arith.addi %mul3A_454, %add3A_455 : i32
        %broadcast_in_dim3A_457 = arith.constant 11 : i32
        %broadcast_in_dim3A_458 = vector.broadcast %broadcast_in_dim3A_457 : i32 to vector<16x1xi32>
        %gather3A_459 = vector.shape_cast %broadcast_in_dim3A_458 : vector<16x1xi32> to vector<16xi32>
        %gather3A_460 = tpu.dynamic_gather %get3A_145[%gather3A_459] in [0] : vector<16xf32>, vector<16xi32> -> vector<16xf32>
        %get3A_461 = arith.index_cast %add3A_456 : i32 to index
        %get3A_462 = arith.constant 0 : index
        %get3A_463 = tpu.vector_load %arg13[%get3A_461, %get3A_462] {strides = array<i32>} : memref<128x32xf32, #tpu.memory_space<vmem>>, vector<1x16xf32>,
        %get3A_464 = vector.shape_cast %get3A_463 : vector<1x16xf32> to vector<16xf32>
        %mul3A_465 = arith.mulf %get3A_464, %gather3A_460 : vector<16xf32>
        %swap3A_466 = arith.index_cast %add3A_456 : i32 to index
        %swap3A_467 = arith.constant 0 : index
        %swap3A_468 = tpu.vector_load %arg13[%swap3A_466, %swap3A_467] {strides = array<i32>} : memref<128x32xf32, #tpu.memory_space<vmem>>, vector<1x16xf32>,
        %swap3A_469 = vector.shape_cast %swap3A_468 : vector<1x16xf32> to vector<16xf32>
        %swap3A_470 = vector.shape_cast %mul3A_465 : vector<16xf32> to vector<1x16xf32>
        tpu.vector_store %arg13[%swap3A_466, %swap3A_467], %swap3A_470 {strides = array<i32>} : memref<128x32xf32, #tpu.memory_space<vmem>>, vector<1x16xf32>,
        %get3A_471 = arith.index_cast %add3A_456 : i32 to index
        %get3A_472 = arith.constant 16 : index
        %get3A_473 = tpu.vector_load %arg13[%get3A_471, %get3A_472] {strides = array<i32>} : memref<128x32xf32, #tpu.memory_space<vmem>>, vector<1x16xf32>,
        %get3A_474 = vector.shape_cast %get3A_473 : vector<1x16xf32> to vector<16xf32>
        %mul3A_475 = arith.mulf %get3A_474, %gather3A_460 : vector<16xf32>
        %swap3A_476 = arith.index_cast %add3A_456 : i32 to index
        %swap3A_477 = arith.constant 16 : index
        %swap3A_478 = tpu.vector_load %arg13[%swap3A_476, %swap3A_477] {strides = array<i32>} : memref<128x32xf32, #tpu.memory_space<vmem>>, vector<1x16xf32>,
        %swap3A_479 = vector.shape_cast %swap3A_478 : vector<1x16xf32> to vector<16xf32>
        %swap3A_480 = vector.shape_cast %mul3A_475 : vector<16xf32> to vector<1x16xf32>
        tpu.vector_store %arg13[%swap3A_476, %swap3A_477], %swap3A_480 {strides = array<i32>} : memref<128x32xf32, #tpu.memory_space<vmem>>, vector<1x16xf32>,
        %mul3A_481 = arith.constant 16 : i32
        %mul3A_482 = arith.muli %scan3A_140, %mul3A_481 : i32
        %add3A_483 = arith.constant 12 : i32
        %add3A_484 = arith.addi %mul3A_482, %add3A_483 : i32
        %broadcast_in_dim3A_485 = arith.constant 12 : i32
        %broadcast_in_dim3A_486 = vector.broadcast %broadcast_in_dim3A_485 : i32 to vector<16x1xi32>
        %gather3A_487 = vector.shape_cast %broadcast_in_dim3A_486 : vector<16x1xi32> to vector<16xi32>
        %gather3A_488 = tpu.dynamic_gather %get3A_145[%gather3A_487] in [0] : vector<16xf32>, vector<16xi32> -> vector<16xf32>
        %get3A_489 = arith.index_cast %add3A_484 : i32 to index
        %get3A_490 = arith.constant 0 : index
        %get3A_491 = tpu.vector_load %arg13[%get3A_489, %get3A_490] {strides = array<i32>} : memref<128x32xf32, #tpu.memory_space<vmem>>, vector<1x16xf32>,
        %get3A_492 = vector.shape_cast %get3A_491 : vector<1x16xf32> to vector<16xf32>
        %mul3A_493 = arith.mulf %get3A_492, %gather3A_488 : vector<16xf32>
        %swap3A_494 = arith.index_cast %add3A_484 : i32 to index
        %swap3A_495 = arith.constant 0 : index
        %swap3A_496 = tpu.vector_load %arg13[%swap3A_494, %swap3A_495] {strides = array<i32>} : memref<128x32xf32, #tpu.memory_space<vmem>>, vector<1x16xf32>,
        %swap3A_497 = vector.shape_cast %swap3A_496 : vector<1x16xf32> to vector<16xf32>
        %swap3A_498 = vector.shape_cast %mul3A_493 : vector<16xf32> to vector<1x16xf32>
        tpu.vector_store %arg13[%swap3A_494, %swap3A_495], %swap3A_498 {strides = array<i32>} : memref<128x32xf32, #tpu.memory_space<vmem>>, vector<1x16xf32>,
        %get3A_499 = arith.index_cast %add3A_484 : i32 to index
        %get3A_500 = arith.constant 16 : index
        %get3A_501 = tpu.vector_load %arg13[%get3A_499, %get3A_500] {strides = array<i32>} : memref<128x32xf32, #tpu.memory_space<vmem>>, vector<1x16xf32>,
        %get3A_502 = vector.shape_cast %get3A_501 : vector<1x16xf32> to vector<16xf32>
        %mul3A_503 = arith.mulf %get3A_502, %gather3A_488 : vector<16xf32>
        %swap3A_504 = arith.index_cast %add3A_484 : i32 to index
        %swap3A_505 = arith.constant 16 : index
        %swap3A_506 = tpu.vector_load %arg13[%swap3A_504, %swap3A_505] {strides = array<i32>} : memref<128x32xf32, #tpu.memory_space<vmem>>, vector<1x16xf32>,
        %swap3A_507 = vector.shape_cast %swap3A_506 : vector<1x16xf32> to vector<16xf32>
        %swap3A_508 = vector.shape_cast %mul3A_503 : vector<16xf32> to vector<1x16xf32>
        tpu.vector_store %arg13[%swap3A_504, %swap3A_505], %swap3A_508 {strides = array<i32>} : memref<128x32xf32, #tpu.memory_space<vmem>>, vector<1x16xf32>,
        %mul3A_509 = arith.constant 16 : i32
        %mul3A_510 = arith.muli %scan3A_140, %mul3A_509 : i32
        %add3A_511 = arith.constant 13 : i32
        %add3A_512 = arith.addi %mul3A_510, %add3A_511 : i32
        %broadcast_in_dim3A_513 = arith.constant 13 : i32
        %broadcast_in_dim3A_514 = vector.broadcast %broadcast_in_dim3A_513 : i32 to vector<16x1xi32>
        %gather3A_515 = vector.shape_cast %broadcast_in_dim3A_514 : vector<16x1xi32> to vector<16xi32>
        %gather3A_516 = tpu.dynamic_gather %get3A_145[%gather3A_515] in [0] : vector<16xf32>, vector<16xi32> -> vector<16xf32>
        %get3A_517 = arith.index_cast %add3A_512 : i32 to index
        %get3A_518 = arith.constant 0 : index
        %get3A_519 = tpu.vector_load %arg13[%get3A_517, %get3A_518] {strides = array<i32>} : memref<128x32xf32, #tpu.memory_space<vmem>>, vector<1x16xf32>,
        %get3A_520 = vector.shape_cast %get3A_519 : vector<1x16xf32> to vector<16xf32>
        %mul3A_521 = arith.mulf %get3A_520, %gather3A_516 : vector<16xf32>
        %swap3A_522 = arith.index_cast %add3A_512 : i32 to index
        %swap3A_523 = arith.constant 0 : index
        %swap3A_524 = tpu.vector_load %arg13[%swap3A_522, %swap3A_523] {strides = array<i32>} : memref<128x32xf32, #tpu.memory_space<vmem>>, vector<1x16xf32>,
        %swap3A_525 = vector.shape_cast %swap3A_524 : vector<1x16xf32> to vector<16xf32>
        %swap3A_526 = vector.shape_cast %mul3A_521 : vector<16xf32> to vector<1x16xf32>
        tpu.vector_store %arg13[%swap3A_522, %swap3A_523], %swap3A_526 {strides = array<i32>} : memref<128x32xf32, #tpu.memory_space<vmem>>, vector<1x16xf32>,
        %get3A_527 = arith.index_cast %add3A_512 : i32 to index
        %get3A_528 = arith.constant 16 : index
        %get3A_529 = tpu.vector_load %arg13[%get3A_527, %get3A_528] {strides = array<i32>} : memref<128x32xf32, #tpu.memory_space<vmem>>, vector<1x16xf32>,
        %get3A_530 = vector.shape_cast %get3A_529 : vector<1x16xf32> to vector<16xf32>
        %mul3A_531 = arith.mulf %get3A_530, %gather3A_516 : vector<16xf32>
        %swap3A_532 = arith.index_cast %add3A_512 : i32 to index
        %swap3A_533 = arith.constant 16 : index
        %swap3A_534 = tpu.vector_load %arg13[%swap3A_532, %swap3A_533] {strides = array<i32>} : memref<128x32xf32, #tpu.memory_space<vmem>>, vector<1x16xf32>,
        %swap3A_535 = vector.shape_cast %swap3A_534 : vector<1x16xf32> to vector<16xf32>
        %swap3A_536 = vector.shape_cast %mul3A_531 : vector<16xf32> to vector<1x16xf32>
        tpu.vector_store %arg13[%swap3A_532, %swap3A_533], %swap3A_536 {strides = array<i32>} : memref<128x32xf32, #tpu.memory_space<vmem>>, vector<1x16xf32>,
        %mul3A_537 = arith.constant 16 : i32
        %mul3A_538 = arith.muli %scan3A_140, %mul3A_537 : i32
        %add3A_539 = arith.constant 14 : i32
        %add3A_540 = arith.addi %mul3A_538, %add3A_539 : i32
        %broadcast_in_dim3A_541 = arith.constant 14 : i32
        %broadcast_in_dim3A_542 = vector.broadcast %broadcast_in_dim3A_541 : i32 to vector<16x1xi32>
        %gather3A_543 = vector.shape_cast %broadcast_in_dim3A_542 : vector<16x1xi32> to vector<16xi32>
        %gather3A_544 = tpu.dynamic_gather %get3A_145[%gather3A_543] in [0] : vector<16xf32>, vector<16xi32> -> vector<16xf32>
        %get3A_545 = arith.index_cast %add3A_540 : i32 to index
        %get3A_546 = arith.constant 0 : index
        %get3A_547 = tpu.vector_load %arg13[%get3A_545, %get3A_546] {strides = array<i32>} : memref<128x32xf32, #tpu.memory_space<vmem>>, vector<1x16xf32>,
        %get3A_548 = vector.shape_cast %get3A_547 : vector<1x16xf32> to vector<16xf32>
        %mul3A_549 = arith.mulf %get3A_548, %gather3A_544 : vector<16xf32>
        %swap3A_550 = arith.index_cast %add3A_540 : i32 to index
        %swap3A_551 = arith.constant 0 : index
        %swap3A_552 = tpu.vector_load %arg13[%swap3A_550, %swap3A_551] {strides = array<i32>} : memref<128x32xf32, #tpu.memory_space<vmem>>, vector<1x16xf32>,
        %swap3A_553 = vector.shape_cast %swap3A_552 : vector<1x16xf32> to vector<16xf32>
        %swap3A_554 = vector.shape_cast %mul3A_549 : vector<16xf32> to vector<1x16xf32>
        tpu.vector_store %arg13[%swap3A_550, %swap3A_551], %swap3A_554 {strides = array<i32>} : memref<128x32xf32, #tpu.memory_space<vmem>>, vector<1x16xf32>,
        %get3A_555 = arith.index_cast %add3A_540 : i32 to index
        %get3A_556 = arith.constant 16 : index
        %get3A_557 = tpu.vector_load %arg13[%get3A_555, %get3A_556] {strides = array<i32>} : memref<128x32xf32, #tpu.memory_space<vmem>>, vector<1x16xf32>,
        %get3A_558 = vector.shape_cast %get3A_557 : vector<1x16xf32> to vector<16xf32>
        %mul3A_559 = arith.mulf %get3A_558, %gather3A_544 : vector<16xf32>
        %swap3A_560 = arith.index_cast %add3A_540 : i32 to index
        %swap3A_561 = arith.constant 16 : index
        %swap3A_562 = tpu.vector_load %arg13[%swap3A_560, %swap3A_561] {strides = array<i32>} : memref<128x32xf32, #tpu.memory_space<vmem>>, vector<1x16xf32>,
        %swap3A_563 = vector.shape_cast %swap3A_562 : vector<1x16xf32> to vector<16xf32>
        %swap3A_564 = vector.shape_cast %mul3A_559 : vector<16xf32> to vector<1x16xf32>
        tpu.vector_store %arg13[%swap3A_560, %swap3A_561], %swap3A_564 {strides = array<i32>} : memref<128x32xf32, #tpu.memory_space<vmem>>, vector<1x16xf32>,
        %mul3A_565 = arith.constant 16 : i32
        %mul3A_566 = arith.muli %scan3A_140, %mul3A_565 : i32
        %add3A_567 = arith.constant 15 : i32
        %add3A_568 = arith.addi %mul3A_566, %add3A_567 : i32
        %broadcast_in_dim3A_569 = arith.constant 15 : i32
        %broadcast_in_dim3A_570 = vector.broadcast %broadcast_in_dim3A_569 : i32 to vector<16x1xi32>
        %gather3A_571 = vector.shape_cast %broadcast_in_dim3A_570 : vector<16x1xi32> to vector<16xi32>
        %gather3A_572 = tpu.dynamic_gather %get3A_145[%gather3A_571] in [0] : vector<16xf32>, vector<16xi32> -> vector<16xf32>
        %get3A_573 = arith.index_cast %add3A_568 : i32 to index
        %get3A_574 = arith.constant 0 : index
        %get3A_575 = tpu.vector_load %arg13[%get3A_573, %get3A_574] {strides = array<i32>} : memref<128x32xf32, #tpu.memory_space<vmem>>, vector<1x16xf32>,
        %get3A_576 = vector.shape_cast %get3A_575 : vector<1x16xf32> to vector<16xf32>
        %mul3A_577 = arith.mulf %get3A_576, %gather3A_572 : vector<16xf32>
        %swap3A_578 = arith.index_cast %add3A_568 : i32 to index
        %swap3A_579 = arith.constant 0 : index
        %swap3A_580 = tpu.vector_load %arg13[%swap3A_578, %swap3A_579] {strides = array<i32>} : memref<128x32xf32, #tpu.memory_space<vmem>>, vector<1x16xf32>,
        %swap3A_581 = vector.shape_cast %swap3A_580 : vector<1x16xf32> to vector<16xf32>
        %swap3A_582 = vector.shape_cast %mul3A_577 : vector<16xf32> to vector<1x16xf32>
        tpu.vector_store %arg13[%swap3A_578, %swap3A_579], %swap3A_582 {strides = array<i32>} : memref<128x32xf32, #tpu.memory_space<vmem>>, vector<1x16xf32>,
        %get3A_583 = arith.index_cast %add3A_568 : i32 to index
        %get3A_584 = arith.constant 16 : index
        %get3A_585 = tpu.vector_load %arg13[%get3A_583, %get3A_584] {strides = array<i32>} : memref<128x32xf32, #tpu.memory_space<vmem>>, vector<1x16xf32>,
        %get3A_586 = vector.shape_cast %get3A_585 : vector<1x16xf32> to vector<16xf32>
        %mul3A_587 = arith.mulf %get3A_586, %gather3A_572 : vector<16xf32>
        %swap3A_588 = arith.index_cast %add3A_568 : i32 to index
        %swap3A_589 = arith.constant 16 : index
        %swap3A_590 = tpu.vector_load %arg13[%swap3A_588, %swap3A_589] {strides = array<i32>} : memref<128x32xf32, #tpu.memory_space<vmem>>, vector<1x16xf32>,
        %swap3A_591 = vector.shape_cast %swap3A_590 : vector<1x16xf32> to vector<16xf32>
        %swap3A_592 = vector.shape_cast %mul3A_587 : vector<16xf32> to vector<1x16xf32>
        tpu.vector_store %arg13[%swap3A_588, %swap3A_589], %swap3A_592 {strides = array<i32>} : memref<128x32xf32, #tpu.memory_space<vmem>>, vector<1x16xf32>,
      }
      %scan3A_139 = arith.constant 8 : i32
      "tpu.region"() ({
        %run_scoped3A = tpu.sem_alloc : memref<!tpu.dma_semaphore, #tpu.memory_space<semaphore_mem>>
        %dma_start3A_140 = arith.constant 0 : i32
        %dma_start3A_141 = arith.constant 0 : i32
        %dma_start3A_142 = tpu.memref_slice %arg9[%dma_start3A_140, %dma_start3A_141] : memref<50048x32xf32, #tpu.memory_space<vmem_shared>> -> memref<50048x32xf32, #tpu.memory_space<vmem_shared>>
        tpu.enqueue_indirect_dma source(%arg13 : memref<128x32xf32, #tpu.memory_space<vmem>>) target(%dma_start3A_142 : memref<50048x32xf32, #tpu.memory_space<vmem_shared>>) offsets(%arg11 : memref<128xi32, #tpu.memory_space<vmem>>) semaphore(%run_scoped3A : memref<!tpu.dma_semaphore, #tpu.memory_space<semaphore_mem>>) {add = true}
        %dma_wait3A_143 = arith.constant 0 : i32
        %dma_wait3A_144 = arith.constant 0 : i32
        %dma_wait3A_145 = tpu.memref_slice %arg9[%dma_wait3A_143, %dma_wait3A_144] : memref<50048x32xf32, #tpu.memory_space<vmem_shared>> -> memref<50048x32xf32, #tpu.memory_space<vmem_shared>>
        tpu.wait_indirect_dma semaphore(%run_scoped3A : memref<!tpu.dma_semaphore, #tpu.memory_space<semaphore_mem>>) src(%arg13 : memref<128x32xf32, #tpu.memory_space<vmem>>) dst(%dma_wait3A_145 : memref<50048x32xf32, #tpu.memory_space<vmem_shared>>)
        tpu.yield
      }) : () -> ()
    }
    %scan3A_48 = arith.constant 400 : i32
    %barrier3A_49 = arith.constant 0 : index
    tpu.barrier barrier_id(%barrier3A_49)
    %scan3A_50 = arith.constant 0 : i32
    %scan3A_51 = arith.constant 0 : i32
    %scan3A_52 = arith.constant 17 : i32
    %scan3A_53 = arith.addi %scan3A_51, %scan3A_52 : i32
    %scan3A_54 = arith.constant 1 : i32
    scf.for %scan3A_57 = %scan3A_51 to %scan3A_53 step %scan3A_54  : i32 {
      %mul3A_58 = arith.constant 184 : i32
      %mul3A_59 = arith.muli %scan3A_57, %mul3A_58 : i32
      %add3A = arith.addi %mul3A_2, %mul3A_59 : i32
      %add3A_60 = arith.addi %mul3A_0, %add3A : i32
      "tpu.region"() ({
        %run_scoped3A = tpu.sem_alloc : memref<!tpu.dma_semaphore, #tpu.memory_space<semaphore_mem>>
        %dma_start3A = arith.constant 0 : i32
        %dma_start3A_61 = tpu.memref_slice %arg8[%add3A_60, %dma_start3A] : memref<100096x32xf32, #tpu.memory_space<hbm>> -> memref<184x32xf32, #tpu.memory_space<hbm>>
        %dma_start3A_62 = arith.constant 0 : i32
        %dma_start3A_63 = tpu.memref_slice %arg9[%add3A, %dma_start3A_62] : memref<50048x32xf32, #tpu.memory_space<vmem_shared>> -> memref<184x32xf32, #tpu.memory_space<vmem_shared>>
        tpu.enqueue_dma source(%dma_start3A_63 : memref<184x32xf32, #tpu.memory_space<vmem_shared>>) target(%dma_start3A_61 : memref<184x32xf32, #tpu.memory_space<hbm>>) target_semaphore(%run_scoped3A : memref<!tpu.dma_semaphore, #tpu.memory_space<semaphore_mem>>)
        %dma_wait3A = arith.constant 0 : i32
        %dma_wait3A_64 = tpu.memref_slice %arg8[%add3A_60, %dma_wait3A] : memref<100096x32xf32, #tpu.memory_space<hbm>> -> memref<184x32xf32, #tpu.memory_space<hbm>>
        %dma_wait3A_65 = arith.constant 0 : i32
        %dma_wait3A_66 = tpu.memref_slice %arg9[%add3A, %dma_wait3A_65] : memref<50048x32xf32, #tpu.memory_space<vmem_shared>> -> memref<184x32xf32, #tpu.memory_space<vmem_shared>>
        tpu.wait_dma2 semaphore(%run_scoped3A : memref<!tpu.dma_semaphore, #tpu.memory_space<semaphore_mem>>) src(%dma_wait3A_66 : memref<184x32xf32, #tpu.memory_space<vmem_shared>>) dst(%dma_wait3A_64 : memref<184x32xf32, #tpu.memory_space<hbm>>)
        tpu.yield
      }) : () -> ()
      "tpu.region"() ({
        %run_scoped3A = tpu.sem_alloc : memref<!tpu.dma_semaphore, #tpu.memory_space<semaphore_mem>>
        %dma_start3A = arith.constant 0 : i32
        %dma_start3A_61 = tpu.memref_slice %arg9[%add3A, %dma_start3A] : memref<50048x32xf32, #tpu.memory_space<vmem_shared>> -> memref<184x32xf32, #tpu.memory_space<vmem_shared>>
        %dma_start3A_62 = arith.constant 0 : i32
        %dma_start3A_63 = tpu.memref_slice %arg9[%add3A, %dma_start3A_62] : memref<50048x32xf32, #tpu.memory_space<vmem_shared>> -> memref<184x32xf32, #tpu.memory_space<vmem_shared>>
        tpu.enqueue_dma source(%arg14 : memref<184x32xf32, #tpu.memory_space<vmem>>) target(%dma_start3A_63 : memref<184x32xf32, #tpu.memory_space<vmem_shared>>) target_semaphore(%run_scoped3A : memref<!tpu.dma_semaphore, #tpu.memory_space<semaphore_mem>>)
        %dma_wait3A = arith.constant 0 : i32
        %dma_wait3A_64 = tpu.memref_slice %arg9[%add3A, %dma_wait3A] : memref<50048x32xf32, #tpu.memory_space<vmem_shared>> -> memref<184x32xf32, #tpu.memory_space<vmem_shared>>
        %dma_wait3A_65 = arith.constant 0 : i32
        %dma_wait3A_66 = tpu.memref_slice %arg9[%add3A, %dma_wait3A_65] : memref<50048x32xf32, #tpu.memory_space<vmem_shared>> -> memref<184x32xf32, #tpu.memory_space<vmem_shared>>
        tpu.wait_dma2 semaphore(%run_scoped3A : memref<!tpu.dma_semaphore, #tpu.memory_space<semaphore_mem>>) src(%arg14 : memref<184x32xf32, #tpu.memory_space<vmem>>) dst(%dma_wait3A_66 : memref<184x32xf32, #tpu.memory_space<vmem_shared>>)
        tpu.yield
      }) : () -> ()
    }
    %scan3A_55 = arith.constant 17 : i32
    %barrier3A_56 = arith.constant 0 : index
    tpu.barrier barrier_id(%barrier3A_56)
    return
  }
}

module attributes {stable_mosaic.version = 14 : i64} {
  func.func @_mean_body(%arg0: i32, %arg1: memref<3128x128xf32, #tpu.memory_space<vmem>>, %arg2: memref<3128x128xf32, #tpu.memory_space<vmem>>, %arg3: memref<3128x128xf32, #tpu.memory_space<vmem>>, %arg4: memref<3128x128xf32, #tpu.memory_space<vmem>>, %arg5: memref<3128x128xf32, #tpu.memory_space<vmem>>) attributes {dimension_semantics = [#tpu.dimension_semantics<arbitrary>], iteration_bounds = array<i64: 8>, scalar_prefetch = 0 : i64, scratch_operands = 0 : i64, tpu.core_type = #tpu.core_type<tc>, window_params = [{transform_indices = @transform_0, window_bounds = array<i64: 3128, 128>}, {transform_indices = @transform_1, window_bounds = array<i64: 3128, 128>}, {transform_indices = @transform_2, window_bounds = array<i64: 3128, 128>}, {transform_indices = @transform_3, window_bounds = array<i64: 3128, 128>}, {transform_indices = @transform_4, window_bounds = array<i64: 3128, 128>}]} {
    %get3A = arith.constant 0 : index
    %get3A_0 = arith.constant 0 : index
    %get3A_1 = vector.load %arg1[%get3A, %get3A_0] : memref<3128x128xf32, #tpu.memory_space<vmem>>, vector<3128x128xf32>
    %get3A_2 = arith.constant 0 : index
    %get3A_3 = arith.constant 0 : index
    %get3A_4 = vector.load %arg2[%get3A_2, %get3A_3] : memref<3128x128xf32, #tpu.memory_space<vmem>>, vector<3128x128xf32>
    %add3A = arith.addf %get3A_1, %get3A_4 : vector<3128x128xf32>
    %get3A_5 = arith.constant 0 : index
    %get3A_6 = arith.constant 0 : index
    %get3A_7 = vector.load %arg3[%get3A_5, %get3A_6] : memref<3128x128xf32, #tpu.memory_space<vmem>>, vector<3128x128xf32>
    %add3A_8 = arith.addf %add3A, %get3A_7 : vector<3128x128xf32>
    %get3A_9 = arith.constant 0 : index
    %get3A_10 = arith.constant 0 : index
    %get3A_11 = vector.load %arg4[%get3A_9, %get3A_10] : memref<3128x128xf32, #tpu.memory_space<vmem>>, vector<3128x128xf32>
    %add3A_12 = arith.addf %add3A_8, %get3A_11 : vector<3128x128xf32>
    %mul3A = arith.constant 2.500000e-01 : f32
    %mul3A_13 = vector.broadcast %mul3A : f32 to vector<3128x128xf32>
    %mul3A_14 = arith.mulf %mul3A_13, %add3A_12 : vector<3128x128xf32>
    %swap3A = arith.constant 0 : index
    %swap3A_15 = arith.constant 0 : index
    %swap3A_16 = vector.load %arg5[%swap3A, %swap3A_15] : memref<3128x128xf32, #tpu.memory_space<vmem>>, vector<3128x128xf32>
    tpu.vector_store %arg5[%swap3A, %swap3A_15], %mul3A_14 {strides = array<i32>} : memref<3128x128xf32, #tpu.memory_space<vmem>>, vector<3128x128xf32>,
    return
  }
  func.func @transform_0(%arg0: i32) -> (i32, i32) {
    %c0_i32 = arith.constant 0 : i32
    %c0_i32_0 = arith.constant 0 : i32
    return %arg0, %c0_i32 : i32, i32
  }
  func.func @transform_1(%arg0: i32) -> (i32, i32) {
    %c0_i32 = arith.constant 0 : i32
    %c0_i32_0 = arith.constant 0 : i32
    return %arg0, %c0_i32 : i32, i32
  }
  func.func @transform_2(%arg0: i32) -> (i32, i32) {
    %c0_i32 = arith.constant 0 : i32
    %c0_i32_0 = arith.constant 0 : i32
    return %arg0, %c0_i32 : i32, i32
  }
  func.func @transform_3(%arg0: i32) -> (i32, i32) {
    %c0_i32 = arith.constant 0 : i32
    %c0_i32_0 = arith.constant 0 : i32
    return %arg0, %c0_i32 : i32, i32
  }
  func.func @transform_4(%arg0: i32) -> (i32, i32) {
    %c0_i32 = arith.constant 0 : i32
    %c0_i32_0 = arith.constant 0 : i32
    return %arg0, %c0_i32 : i32, i32
  }
}

</mosaic_0001>

<sc_bundles>
// kernel: kernel.4.cloned.1.call-start
scs
__scs_entry_jumppad:
0x0: {  	(pc) =	sbr.rel $0x88, $3  }
0x1: {  	(tag) =	ssettag $0x0;
	lr =	simm.s32 $0x1  }
0x2: {  	[smem:$0x3F9D] =	sst lr;
	_ =	strace $0xD0000000  }
0x3: {  	_ = 	snop  }
0x4: {  	_ = 	snop  }
0x5: {  	_ = 	snop  }
0x6: {  	_ = 	snop  }
0x7: {  	_ = 	snop  }
__scs_overlays_trampoline_lowered:
0x8: {  	[smem:$0x3FAC] =	sst s0  }
0x9: {  	[smem:$0x3FAD] =	sst s1  }
0xa: {  	[smem:$0x3FAE] =	sst s2  }
0xb: {  	[smem:$0x3FAF] =	sst s3  }
0xc: {  	[smem:$0x3FB0] =	sst s4  }
0xd: {  	[smem:$0x3FB1] =	sst s5  }
0xe: {  	[smem:$0x3FB2] =	sst s6  }
0xf: {  	[smem:$0x3FB3] =	sst s7  }
0x10: {  	[smem:$0x3FB4] =	sst s8  }
0x11: {  	[smem:$0x3FB5] =	sst s9;
	s0 =	simm.s32 @!p0 $0x0  }
0x12: {  	s1 =	sld [smem:$0x3F9B];
	s0 =	simm.s32 @p0 $0x1  }
0x13: {  	[smem:$0x3FB6] =	sst s0;
	s0 =	simm.s32 @!p1 $0x0  }
0x14: {  	s2 =	sld [smem:$0x3F9A];
	s0 =	simm.s32 @p1 $0x1  }
0x15: {  	[smem:$0x3FB7] =	sst s0;
	s0 =	simm.s32 @!p2 $0x0  }
0x16: {  	s3 =	sld [smem:$0x3FDB];
	s0 =	simm.s32 @p2 $0x1  }
0x17: {  	s4 =	simm.s32 $0x1BF5;
	[smem:$0x3FB9] =	sst s0  }
0x18: {  	s0 =	sld [smem:$0x3F9C];
	_ =	swait.ge [sflag:s4], $0x0  }
0x19: {  	s7 =	sld [smem:$0x3F9D]  }
0x1a: {  	s8 =	sadd.s32 $0xFFFFE003, lr  }
0x1b: {  	s9 =	sadd.s32 $0xFFFFFEF7, lr;
	s5 =	simm.s32 $0xFFFFFFFF;
	p2 =	slt.u32 s8, $0xFFFFF086  }
0x1c: {  	p1 =	slt.u32 s9, $0xF7A;
	s5 =	simm.s32 @!p2 $0x0  }
0x1d: {  	s5 =	simm.s32 @p1 $0x1;
	p0 =	seq.s32 s7, s2  }
0x1e: {  	s7 =	smul.u32 @!p0 $0xF7A, s2;
	p2 =	seq.s32 @!p0 s5, $0x0  }
0x1f: {  	s9 =	smul.u32 $0xF7A, s1;
	s8 =	simm.s32 @!p0 $0x1BF5;
	p2 =	por !p2, p0  }
0x20: {  	[sflag:s8] =	ssyncset.s32 @!p0 $0xFFFFF086;
	s6 =	sadd.s32 @!p0 s3, s7;
	s7 =	simm.s32 @!p0 $0x108  }
0x21: {  	s3 =	sadd.s32 s3, s9;
	s6 =	sadd.s32 @!p0 $0x88, s6;
	s7 =	simm.s32 @p2 $0x1082  }
0x22: {  	[simem:s7], [sflag:s8] =	dma.local @!p0 [hbm:s6], $0xF7A  }
0x23: {  	s9 =	sor.u32 $0xD0000000, s2;
	s6 =	simm.s32 $0x108;
	_ =	swait.ge @!p0 [sflag:s8], $0x0  }
0x24: {  	s3 =	sadd.s32 $0x88, s3;
	s6 =	simm.s32 @!p1 $0x1082;
	[sflag:s4] =	ssyncset.s32 $0xFFFFF086  }
0x25: {  	[simem:s6], [sflag:s4] =	dma.local [hbm:s3], $0xF7A  }
0x26: {  	[smem:$0x3F9D] =	sst s1;
	(tag) =	ssettag s2;
	_ =	strace s9  }
0x27: {  	s1 =	sld [smem:$0x3FAD]  }
0x28: {  	s2 =	sld [smem:$0x3FAE]  }
0x29: {  	s4 =	sld [smem:$0x3FB0]  }
0x2a: {  	p0 =	seq.s32 s5, $0x0;
	s5 =	sld [smem:$0x3FB1]  }
0x2b: {  	s6 =	sld [smem:$0x3FB2]  }
0x2c: {  	s7 =	sld [smem:$0x3FB3]  }
0x2d: {  	s3 =	simm.s32 $0x108;
	s8 =	sld [smem:$0x3FB4]  }
0x2e: {  	s3 =	simm.s32 @!p0 $0x1082;
	s9 =	sld [smem:$0x3FB5]  }
0x2f: {  	lr =	sadd.s32 s0, s3;
	s0 =	sld [smem:$0x3FAC]  }
0x30: {  	s3 =	sld [smem:$0x3FAF]  }
0x31: {  	[smem:$0x3FB8] =	sst s10  }
0x32: {  	s10 =	sld [smem:$0x3FB6];
	_ =	sdelay $0x3  }
0x33: {  	p0 =	seq.s32 s10, $0x1;
	s10 =	sld [smem:$0x3FB8];
	_ =	sdelay $0x3  }
0x34: {  	[smem:$0x3FB8] =	sst s10  }
0x35: {  	s10 =	sld [smem:$0x3FB7];
	_ =	sdelay $0x3  }
0x36: {  	p1 =	seq.s32 s10, $0x1;
	s10 =	sld [smem:$0x3FB8];
	_ =	sdelay $0x3  }
0x37: {  	[smem:$0x3FB8] =	sst s10  }
0x38: {  	s10 =	sld [smem:$0x3FB9]  }
0x39: {  	_ = 	snop;
	(pc) =	sbr.ind lr, $3  }
0x3a: {  	_ = 	snop  }
0x3b: {  	_ = 	snop  }
0x3c: {  	p2 =	seq.s32 s10, $0x1;
	s10 =	sld [smem:$0x3FB8]  }
0x3d: {  	_ =	shalt  }
0x3e: {  	_ =	shalt  }
0x3f: {  	_ =	shalt  }
0x40: {  	_ =	shalt  }
0x41: {  	_ =	shalt  }
0x42: {  	_ =	shalt  }
0x43: {  	_ =	shalt  }
0x44: {  	_ =	shalt  }
0x45: {  	_ =	shalt  }
0x46: {  	_ =	shalt  }
0x47: {  	_ =	shalt  }
0x48: {  	_ =	shalt  }
0x49: {  	_ =	shalt  }
0x4a: {  	_ =	shalt  }
0x4b: {  	_ =	shalt  }
0x4c: {  	_ =	shalt  }
0x4d: {  	_ =	shalt  }
0x4e: {  	_ =	shalt  }
0x4f: {  	_ =	shalt  }
0x50: {  	_ =	shalt  }
0x51: {  	_ =	shalt  }
0x52: {  	_ =	shalt  }
0x53: {  	_ =	shalt  }
0x54: {  	_ =	shalt  }
0x55: {  	_ =	shalt  }
0x56: {  	_ =	shalt  }
0x57: {  	_ =	shalt  }
0x58: {  	_ =	shalt  }
0x59: {  	_ =	shalt  }
0x5a: {  	_ =	shalt  }
0x5b: {  	_ =	shalt  }
0x5c: {  	_ =	shalt  }
0x5d: {  	_ =	shalt  }
0x5e: {  	_ =	shalt  }
0x5f: {  	_ =	shalt  }
0x60: {  	_ =	shalt  }
0x61: {  	_ =	shalt  }
0x62: {  	_ =	shalt  }
0x63: {  	_ =	shalt  }
0x64: {  	_ =	shalt  }
0x65: {  	_ =	shalt  }
0x66: {  	_ =	shalt  }
0x67: {  	_ =	shalt  }
0x68: {  	_ =	shalt  }
0x69: {  	_ =	shalt  }
0x6a: {  	_ =	shalt  }
0x6b: {  	_ =	shalt  }
0x6c: {  	_ =	shalt  }
0x6d: {  	_ =	shalt  }
0x6e: {  	_ =	shalt  }
0x6f: {  	_ =	shalt  }
0x70: {  	_ =	shalt  }
0x71: {  	_ =	shalt  }
0x72: {  	_ =	shalt  }
0x73: {  	_ =	shalt  }
0x74: {  	_ =	shalt  }
0x75: {  	_ =	shalt  }
0x76: {  	_ =	shalt  }
0x77: {  	_ =	shalt  }
0x78: {  	_ =	shalt  }
0x79: {  	_ =	shalt  }
0x7a: {  	_ =	shalt  }
0x7b: {  	_ =	shalt  }
0x7c: {  	_ =	shalt  }
0x7d: {  	_ =	shalt  }
0x7e: {  	_ =	shalt  }
0x7f: {  	_ =	shalt  }
0x80: {  	_ =	shalt  }
0x81: {  	_ =	shalt  }
0x82: {  	_ =	shalt  }
0x83: {  	_ =	shalt  }
0x84: {  	_ =	shalt  }
0x85: {  	_ =	shalt  }
0x86: {  	_ =	shalt  }
0x87: {  	_ =	shalt  }
.Lfunc_end0:
.L_simem_size_0:
called_computation_lowered:
.L_overlay_start_0:
0x88: {  	s2 =	sld [smem:$0x3FD9]  }
0x89: {  	s3 =	sld [smem:$0x3FFE];
	_ =	sdelay $0x1  }
0x8a: {  	s1 =	srdreg.scid  }
0x8b: {  	s0 =	sand.u32 $0x1, s1  }
0x8c: {  	s14 =	sshll.u32 s0, $0xA;
	s2 =	sadd.s32 s3, s2  }
0x8d: {  	s2 =	sadd.s32 s2, s14  }
0x8e: {  	[smem:$0x3FC4] =	sst s2  }
0x8f: {  	_ = 	snop  }
0x90: {  	s2 =	sld [smem:$0x3FD0];
	_ =	sdelay $0x2  }
0x91: {  	s15 =	simm.s32 $0xA;
	s4 =	simm.s32 $0x10  }
0x92: {  	[smem:s4], [sflag:s15] =	dma.local [hbm:s2], $0x1  }
0x93: {  	_ =	swait.eq [sflag:s15], $0x1  }
0x94: {  	[sflag:s15] =	ssyncset.done $0x0  }
0x95: {  	s16 =	sld [smem:$0x10];
	[sflag:s15] =	ssyncadd.s32 $0xFFFFFFFF  }
0x96: {  	s17 =	sld [smem:$0x11];
	(tm) =	ssettm $0x1  }
0x97: {  	s18 =	sld [smem:$0x3FFB];
	_ =	sdelay $0x3  }
0x98: {  	_ =	strace s18  }
0x99: {  	s4 =	sld [smem:$0x3FFC];
	_ =	sdelay $0x3  }
0x9a: {  	_ =	strace s4  }
0x9b: {  	s4 =	sld [smem:$0x3FFD];
	_ =	sdelay $0x3  }
0x9c: {  	_ =	strace s4  }
0x9d: {  	_ =	strace $0x8FFFFFFF  }
0x9e: {  	s19 =	sld [smem:$0x3FDB];
	_ =	sdelay $0x1  }
0x9f: {  	s5 =	simm.s32 $_scs_section_size  }
0xa0: {  	s6 =	simm.s32 $_size__tile_overlayer_lowered;
	s7 =	simm.s32 $_tile_overlayer_lowered  }
0xa1: {  	s22 =	simm.s32 $0x1BFF;
	s21 =	sshll.u32 s7, $0x1;
	s4 =	sadd.s32 s5, s19  }
0xa2: {  	s8 =	simm.s32 $0x0;
	s20 =	sshll.u32 s6, $0x1;
	s6 =	sadd.s32 s21, s4  }
0xa3: {  	[timem:s8], [sflag:s22] =	dma.local [hbm:s6], s20  }
0xa4: {  	_ =	swait.ge [sflag:s22], s20  }
0xa5: {  	s5 =	ssub.s32 $0x0, s20;
	[sflag:s22] =	ssyncset.done $0x0  }
0xa6: {  	[sflag:s22] =	ssyncadd.s32 s5;
	_ =	sdelay $0x1  }
0xa7: {  	s23 =	simm.s32 $0x1B8B  }
0xa8: {  	_ =	swait.ge [sflag:s23], $0x1  }
0xa9: {  	[sflag:s23] =	ssyncset.done $0x0  }
0xaa: {  	s25 =	simm.s32 $0x1B8E;
	s24 =	sld [smem:$0x3FFE];
	[sflag:s23] =	ssyncadd.s32 $0xFFFFFFFF  }
0xab: {  	s26 =	simm.s32 $execute0_lowered;
	[smem:$0x3FD2] =	sst s25  }
0xac: {  	s6 =	sshll.u32 s26, $0x1;
	_ =	strace $0x80000046;
	[dreg:$0x1] =	wrdreg $0xFFFFFFFF  }
0xad: {  	s28 =	simm.s32 $_size_execute0_lowered;
	s4 =	sadd.s32 s4, s6;
	[dreg:$0x0] =	wrdreg $0x0  }
0xae: {  	s6 =	sshll.u32 s28, $0x1;
	[dreg:$0x2] =	wrdreg s4  }
0xaf: {  	[dreg:$0x3] =	wrdreg s6  }
0xb0: {  	[dreg:$0x4] =	wrdreg $0xC0  }
0xb1: {  	_ =	task [dreg:s8], $0x5FFFF  }
0xb2: {  	[dreg:$0x1] =	wrdreg $0xFFFFFFFF  }
0xb3: {  	[dreg:$0x0] =	wrdreg $0x60  }
0xb4: {  	[dreg:$0x2] =	wrdreg s24  }
0xb5: {  	[dreg:$0x3] =	wrdreg s17  }
0xb6: {  	[dreg:$0x4] =	wrdreg s16  }
0xb7: {  	[dreg:$0x5] =	wrdreg $0x0  }
0xb8: {  	[dreg:$0x6] =	wrdreg $0x9  }
0xb9: {  	_ =	task.clear_ibuf [dreg:s8], $0x7FFFF;
	_ =	strace $0x90000046  }
0xba: {  	s29 =	simm.s32 $0x9;
	_ =	strace $0x80000048  }
0xbb: {  	_ =	swait.ge [sflag:s29], $0x1  }
0xbc: {  	[sflag:s29] =	ssyncadd.s32 $0xFFFFFFFF  }
0xbd: {  	_ =	strace $0x90000048  }
0xbe: {  	_ =	sfence  }
0xbf: {  	s30 =	sld [smem:$0x0];
	_ =	sdelay $0x2  }
0xc0: {  	s31 =	sshll.u32 s1, $0xD;
	s1 =	sshrl.u32 s1, $0x2  }
0xc1: {  	s3 =	sand.u32 $0x4000, s31;
	s1 =	sadd.s32 s1, s30  }
0xc2: {  	s0 =	sor.u32 s3, s0;
	s1 =	sshll.u32 s1, $0x11  }
0xc3: {  	s0 =	sor.u32 s1, s0  }
0xc4: {  	s0 =	sadd.s32 $0x8F2B, s0  }
0xc5: {  	[sflag:s0] =	ssyncadd.remote.s32 $0x1  }
0xc6: {  	_ =	sfence.sel $0xFFFF  }
0xc7: {  	[dreg:$0x0] =	wrdreg $0xFFFFFFFF;
	(pc) =	sbr.abs _section_cstart, $3  }
0xc8: {  	[dreg:$0x1] =	wrdreg $0xFFFFFFFF  }
0xc9: {  	_ =	task.clear_ibuf [dreg:s8], $0x2FFFF;
	_ =	strace $0x9FFFFFFF  }
0xca: {  	(tm) =	ssettm $0x7FFFFFFF  }
0xcb: {  	_ =	shalt  }
tec
execute0_lowered:
.L_overlay_start_1:
0x0: {  	(tag) =	ssettag $0x1  }
0x1: {  	s0 =	rddreg [dreg:$0x0]  }
0x2: {  	s1 =	rddreg [dreg:$0x1]  }
0x3: {  	s2 =	rddreg [dreg:$0x2];
	s5 =	srdreg.scid  }
0x4: {  	s3 =	rddreg [dreg:$0x3];
	s14 =	stileid.u32;
	s5 =	sand.u32 $0x1, s5  }
0x5: {  	s4 =	simm.s32 $0x0;
	s10 =	smul.u32 $0x61C00, s14;
	s11 =	ssub.s32 $0x2, s5  }
0x6: {  	[smem:$0x7FF] =	sst s4;
	s6 =	sadd.s32 $0x188200, s0;
	s13 =	sshrl.u32 s11, $0x1  }
0x7: {  	_ =	strace $0x80000047;
	s10 =	sshrl.u32 s10, $0x2;
	s13 =	ssub.s32 s11, s13  }
0x8: {  	[dreg:$0x16] =	wrdreg s6;
	s10 =	sadd.s32 s10, s3;
	s13 =	smax.u32 s13, $0x1  }
0x9: {  	[dreg:$0x5] =	wrdreg s13;
	s13 =	smov.u32 s10;
	s10 =	sadd.s32 $0x1700, s10  }
0xa: {  	[dreg:$0x6] =	wrdreg s10;
	s30 =	sadd.s32 $0x2E00, s13  }
0xb: {  	s7 =	sadd.s32 $0x1E9E00, s0;
	s31 =	sadd.s32 $0x4500, s13;
	[dreg:$0x7] =	wrdreg s30  }
0xc: {  	s8 =	sadd.s32 $0x202E00, s0;
	s15 =	sadd.s32 $0x5C00, s13;
	[dreg:$0x8] =	wrdreg s31  }
0xd: {  	s9 =	sadd.s32 $0x264A00, s0;
	s16 =	sadd.s32 $0x7300, s13;
	[dreg:$0x9] =	wrdreg s15  }
0xe: {  	s12 =	smul.u32 $0x30E00, s5;
	s17 =	sadd.s32 $0x8A00, s13;
	[dreg:$0xa] =	wrdreg s16  }
0xf: {  	s5 =	smul.u32 $0xC380, s5;
	s18 =	sadd.s32 $0xA100, s13;
	[dreg:$0xb] =	wrdreg s17  }
0x10: {  	s0 =	sadd.s32 s12, s0;
	s19 =	sadd.s32 $0xB800, s13;
	[dreg:$0xc] =	wrdreg s18  }
0x11: {  	s11 =	smul.u32 $0x190, s14;
	s20 =	sadd.s32 $0xCF00, s13;
	[dreg:$0xd] =	wrdreg s19  }
0x12: {  	s14 =	smul.u32 $0x30E0, s14;
	s22 =	sadd.s32 $0xE600, s13;
	[dreg:$0xe] =	wrdreg s20  }
0x13: {  	v0 =	vmov s5;
	s5 =	simm.s32 $0x19880;
	s24 =	sadd.s32 $0xFD00, s13;
	[dreg:$0xf] =	wrdreg s22  }
0x14: {  	s0 =	sadd.s32 s14, s0;
	s26 =	sadd.s32 $0x11400, s13;
	[dreg:$0x10] =	wrdreg s24  }
0x15: {  	s25 =	sadd.s32 $0x2C6600, s0;
	s28 =	sadd.s32 $0x12B00, s13;
	[dreg:$0x11] =	wrdreg s26  }
0x16: {  	v1 =	vimm.f32 $0.0e+00;
	v2 =	vimm.s32 $0x0;
	s29 =	sadd.s32 $0x14200, s13;
	s15 =	sadd.s32 s12, s8;
	[dreg:$0x12] =	wrdreg s28  }
0x17: {  	v3 =	vimm.s32 $0x1;
	v4 =	vimm.s32 $0x2;
	v5 =	vimm.s32 $0x3;
	s12 =	sadd.s32 s12, s9;
	[dreg:$0x13] =	wrdreg s29;
	s30 =	sadd.s32 $0x15900, s13  }
0x18: {  	v6 =	vimm.s32 $0x4;
	v7 =	vimm.s32 $0x5;
	v8 =	vimm.s32 $0x6;
	s31 =	sadd.s32 $0x17000, s13;
	s16 =	simm.s32 $0x18800;
	s17 =	simm.s32 $0x80  }
0x19: {  	v9 =	vimm.s32 $0x7;
	v10 =	vimm.s32 $0x8;
	v11 =	vimm.s32 $0x9;
	s18 =	simm.s32 $0x18880;
	s19 =	simm.s32 $0x1;
	[dreg:$0x14] =	wrdreg s30  }
0x1a: {  	v12 =	vimm.s32 $0xA;
	v13 =	vimm.s32 $0xB;
	v14 =	vimm.s32 $0xC;
	s21 =	sadd.s32 s14, s15;
	s23 =	sadd.s32 s14, s12;
	[dreg:$0x15] =	wrdreg s31  }
0x1b: {  	v15 =	vimm.s32 $0xD;
	v16 =	vimm.s32 $0xE;
	v17 =	vimm.s32 $0xF;
	s12 =	simm.s32 $0x2;
	s14 =	simm.s32 $0x18700;
	s15 =	simm.s32 $0x18780  }
.LBB2_1:
0x1c: {  	s20 =	simm.s32 $0x80;
	s22 =	simm.s32 $0x0  }
.LBB2_2:
0x1d: {  	p0 =	sne.s32 s20, $0x5B80;
	[tilespmem:s22+$0x19880] =	vst v1;
	s24 =	smov.u32 s20;
	s20 =	sadd.s32 $0x80, s20  }
.Ltmp0:
0x1e: {  	[tilespmem:s22+$0x19890] =	vst v1;
	(pc) =	sbr.rel @p0 .LBB2_2-.Ltmp0, $2  }
0x1f: {  	_ =	sdelay $0x2  }
0x20: {  	s22 =	sshra.s32 s24, $0x2  }
0x21: {  	[tilespmem:s22+$0x19880] =	vst v1  }
0x22: {  	[tilespmem:s22+$0x19890] =	vst v1  }
0x23: {  	[spmem:s13] =	stream.linear.scatter [tilespmem:s5], [sflag:$0x2], $0x1700, $0x38;
	[tilespmem:$0x1AF80] =	vst v63  }
0x24: {  	_ =	swait.ge [sflag:s12], $0x1700  }
0x25: {  	[sflag:s12] =	ssyncset.done $0x0  }
0x26: {  	s0 =	rddreg [dreg:$0x6];
	[sflag:s12] =	ssyncadd.s32 $0xFFFFE900  }
0x27: {  	[spmem:s0] =	stream.linear.scatter [tilespmem:s5], [sflag:$0x2], $0x1700, $0x38;
	[tilespmem:$0x1AF80] =	vst v63  }
0x28: {  	_ =	swait.ge [sflag:s12], $0x1700  }
0x29: {  	[sflag:s12] =	ssyncset.done $0x0  }
0x2a: {  	s24 =	rddreg [dreg:$0x7];
	[sflag:s12] =	ssyncadd.s32 $0xFFFFE900  }
0x2b: {  	[spmem:s24] =	stream.linear.scatter [tilespmem:s5], [sflag:$0x2], $0x1700, $0x38;
	[tilespmem:$0x1AF80] =	vst v63  }
0x2c: {  	_ =	swait.ge [sflag:s12], $0x1700  }
0x2d: {  	[sflag:s12] =	ssyncset.done $0x0  }
0x2e: {  	s26 =	rddreg [dreg:$0x8];
	[sflag:s12] =	ssyncadd.s32 $0xFFFFE900  }
0x2f: {  	[spmem:s26] =	stream.linear.scatter [tilespmem:s5], [sflag:$0x2], $0x1700, $0x38;
	[tilespmem:$0x1AF80] =	vst v63  }
0x30: {  	_ =	swait.ge [sflag:s12], $0x1700  }
0x31: {  	[sflag:s12] =	ssyncset.done $0x0  }
0x32: {  	s28 =	rddreg [dreg:$0x9];
	[sflag:s12] =	ssyncadd.s32 $0xFFFFE900  }
0x33: {  	[spmem:s28] =	stream.linear.scatter [tilespmem:s5], [sflag:$0x2], $0x1700, $0x38;
	[tilespmem:$0x1AF80] =	vst v63  }
0x34: {  	_ =	swait.ge [sflag:s12], $0x1700  }
0x35: {  	[sflag:s12] =	ssyncset.done $0x0  }
0x36: {  	s29 =	rddreg [dreg:$0xa];
	[sflag:s12] =	ssyncadd.s32 $0xFFFFE900  }
0x37: {  	[spmem:s29] =	stream.linear.scatter [tilespmem:s5], [sflag:$0x2], $0x1700, $0x38;
	[tilespmem:$0x1AF80] =	vst v63  }
0x38: {  	_ =	swait.ge [sflag:s12], $0x1700  }
0x39: {  	[sflag:s12] =	ssyncset.done $0x0  }
0x3a: {  	s30 =	rddreg [dreg:$0xb];
	[sflag:s12] =	ssyncadd.s32 $0xFFFFE900  }
0x3b: {  	[spmem:s30] =	stream.linear.scatter [tilespmem:s5], [sflag:$0x2], $0x1700, $0x38;
	[tilespmem:$0x1AF80] =	vst v63  }
0x3c: {  	_ =	swait.ge [sflag:s12], $0x1700  }
0x3d: {  	[sflag:s12] =	ssyncset.done $0x0  }
0x3e: {  	s31 =	rddreg [dreg:$0xc];
	[sflag:s12] =	ssyncadd.s32 $0xFFFFE900  }
0x3f: {  	[spmem:s31] =	stream.linear.scatter [tilespmem:s5], [sflag:$0x2], $0x1700, $0x38;
	[tilespmem:$0x1AF80] =	vst v63  }
0x40: {  	_ =	swait.ge [sflag:s12], $0x1700  }
0x41: {  	[sflag:s12] =	ssyncset.done $0x0  }
0x42: {  	s10 =	rddreg [dreg:$0xd];
	[sflag:s12] =	ssyncadd.s32 $0xFFFFE900  }
0x43: {  	[spmem:s10] =	stream.linear.scatter [tilespmem:s5], [sflag:$0x2], $0x1700, $0x38;
	[tilespmem:$0x1AF80] =	vst v63  }
0x44: {  	_ =	swait.ge [sflag:s12], $0x1700  }
0x45: {  	[sflag:s12] =	ssyncset.done $0x0  }
0x46: {  	s20 =	rddreg [dreg:$0xe];
	[sflag:s12] =	ssyncadd.s32 $0xFFFFE900  }
0x47: {  	[spmem:s20] =	stream.linear.scatter [tilespmem:s5], [sflag:$0x2], $0x1700, $0x38;
	[tilespmem:$0x1AF80] =	vst v63  }
0x48: {  	_ =	swait.ge [sflag:s12], $0x1700  }
0x49: {  	[sflag:s12] =	ssyncset.done $0x0  }
0x4a: {  	s22 =	rddreg [dreg:$0xf];
	[sflag:s12] =	ssyncadd.s32 $0xFFFFE900  }
0x4b: {  	[spmem:s22] =	stream.linear.scatter [tilespmem:s5], [sflag:$0x2], $0x1700, $0x38;
	[tilespmem:$0x1AF80] =	vst v63  }
0x4c: {  	_ =	swait.ge [sflag:s12], $0x1700  }
0x4d: {  	[sflag:s12] =	ssyncset.done $0x0  }
0x4e: {  	s24 =	rddreg [dreg:$0x10];
	[sflag:s12] =	ssyncadd.s32 $0xFFFFE900  }
0x4f: {  	[spmem:s24] =	stream.linear.scatter [tilespmem:s5], [sflag:$0x2], $0x1700, $0x38;
	[tilespmem:$0x1AF80] =	vst v63  }
0x50: {  	_ =	swait.ge [sflag:s12], $0x1700  }
0x51: {  	[sflag:s12] =	ssyncset.done $0x0  }
0x52: {  	s26 =	rddreg [dreg:$0x11];
	[sflag:s12] =	ssyncadd.s32 $0xFFFFE900  }
0x53: {  	[spmem:s26] =	stream.linear.scatter [tilespmem:s5], [sflag:$0x2], $0x1700, $0x38;
	[tilespmem:$0x1AF80] =	vst v63  }
0x54: {  	_ =	swait.ge [sflag:s12], $0x1700  }
0x55: {  	[sflag:s12] =	ssyncset.done $0x0  }
0x56: {  	s28 =	rddreg [dreg:$0x12];
	[sflag:s12] =	ssyncadd.s32 $0xFFFFE900  }
0x57: {  	[spmem:s28] =	stream.linear.scatter [tilespmem:s5], [sflag:$0x2], $0x1700, $0x38;
	[tilespmem:$0x1AF80] =	vst v63  }
0x58: {  	_ =	swait.ge [sflag:s12], $0x1700  }
0x59: {  	[sflag:s12] =	ssyncset.done $0x0  }
0x5a: {  	s29 =	rddreg [dreg:$0x13];
	[sflag:s12] =	ssyncadd.s32 $0xFFFFE900  }
0x5b: {  	[spmem:s29] =	stream.linear.scatter [tilespmem:s5], [sflag:$0x2], $0x1700, $0x38;
	[tilespmem:$0x1AF80] =	vst v63  }
0x5c: {  	_ =	swait.ge [sflag:s12], $0x1700  }
0x5d: {  	[sflag:s12] =	ssyncset.done $0x0  }
0x5e: {  	s30 =	rddreg [dreg:$0x14];
	[sflag:s12] =	ssyncadd.s32 $0xFFFFE900  }
0x5f: {  	[spmem:s30] =	stream.linear.scatter [tilespmem:s5], [sflag:$0x2], $0x1700, $0x38;
	[tilespmem:$0x1AF80] =	vst v63  }
0x60: {  	_ =	swait.ge [sflag:s12], $0x1700  }
0x61: {  	[sflag:s12] =	ssyncset.done $0x0  }
0x62: {  	s31 =	rddreg [dreg:$0x15];
	[sflag:s12] =	ssyncadd.s32 $0xFFFFE900  }
0x63: {  	[spmem:s31] =	stream.linear.scatter [tilespmem:s5], [sflag:$0x2], $0x1700, $0x38;
	[tilespmem:$0x1AF80] =	vst v63  }
0x64: {  	_ =	swait.ge [sflag:s12], $0x1700  }
0x65: {  	[sflag:s12] =	ssyncset.done $0x0  }
0x66: {  	[sflag:s12] =	ssyncadd.s32 $0xFFFFE900  }
0x67: {  	s20 =	simm.s32 $0x0;
	s22 =	simm.s32 $0x0;
	[bflag:$0x0] =	sbarrier.arrive $0xFFFF  }
.LBB2_4:
0x68: {  	s24 =	sadd.s32 s11, s22  }
0x69: {  	s24 =	sshll.u32 s24, $0x4  }
0x6a: {  	s26 =	sadd.s32 s1, s24  }
0x6b: {  	[tilespmem:s14], [sflag:$0x2] =	stream.linear.gather [hbm4b:s26+s20], $0x80, $0x38;
	[tilespmem:$0x1AF80] =	vst v63  }
0x6c: {  	_ =	swait.ge [sflag:s12], $0x80  }
0x6d: {  	[sflag:s12] =	ssyncset.done $0x0  }
0x6e: {  	s30 =	sadd.s32 s2, s24;
	[sflag:s12] =	ssyncadd.s32 $0xFFFFFF80  }
0x6f: {  	[tilespmem:s15], [sflag:$0x2] =	stream.linear.gather [hbm4b:s30+s20], $0x80, $0x38;
	[tilespmem:$0x1AF80] =	vst v63  }
0x70: {  	_ =	swait.ge [sflag:s12], $0x80  }
0x71: {  	[sflag:s12] =	ssyncset.done $0x0  }
0x72: {  	s24 =	sadd.s32 s7, s24;
	[sflag:s12] =	ssyncadd.s32 $0xFFFFFF80  }
0x73: {  	[tilespmem:s16], [sflag:$0x2] =	stream.linear.gather [hbm4b:s24+s20], $0x80, $0x38;
	[tilespmem:$0x1AF80] =	vst v63  }
0x74: {  	_ =	swait.ge [sflag:s12], $0x80  }
0x75: {  	[sflag:s12] =	ssyncset.done $0x0  }
0x76: {  	[sflag:s12] =	ssyncadd.s32 $0xFFFFFF80  }
0x77: {  	v18 =	vld [tilespmem:$0x18700]  }
0x78: {  	v19 =	vld [tilespmem:$0x18710]  }
0x79: {  	v20 =	vld [tilespmem:$0x18720]  }
0x7a: {  	v21 =	vld [tilespmem:$0x18730]  }
0x7b: {  	v22 =	vld [tilespmem:$0x18740]  }
0x7c: {  	v23 =	vld [tilespmem:$0x18750];
	v18 =	vadd.s32 v0, v18  }
0x7d: {  	[tilespmem:$0x18700] =	vst v18;
	v18 =	vadd.s32 v0, v19;
	v19 =	vld [tilespmem:$0x18760]  }
0x7e: {  	[tilespmem:$0x18710] =	vst v18;
	v18 =	vadd.s32 v0, v20;
	v20 =	vld [tilespmem:$0x18770]  }
0x7f: {  	[tilespmem:$0x18720] =	vst v18;
	v18 =	vadd.s32 v0, v21  }
0x80: {  	[tilespmem:$0x18730] =	vst v18;
	v18 =	vadd.s32 v0, v22  }
0x81: {  	[tilespmem:$0x18740] =	vst v18;
	v18 =	vadd.s32 v0, v23  }
0x82: {  	[tilespmem:$0x18750] =	vst v18;
	v18 =	vadd.s32 v0, v19  }
0x83: {  	[tilespmem:$0x18760] =	vst v18;
	v18 =	vadd.s32 v0, v20  }
0x84: {  	[tilespmem:$0x18770] =	vst v18  }
0x85: {  	[tilespmem:s18], [sflag:$0x1] =	stream.indirect.gather [hbm4b:s6+s17], $0x20, s14, s17, $0xb8;
	[tilespmem:$0x1AF80] =	vst v63  }
0x86: {  	_ =	swait.ge [sflag:s19], $0x1000  }
0x87: {  	[sflag:s19] =	ssyncset.done $0x0  }
0x88: {  	s24 =	simm.s32 $0x18980;
	[sflag:s19] =	ssyncadd.s32 $0xFFFFF000  }
0x89: {  	v23 =	vld [tilespmem:s24+$0xFFFFFFA0]  }
0x8a: {  	v21 =	vld [tilespmem:s24+$0xFFFFFFF0]  }
0x8b: {  	v18 =	vld [tilespmem:s24+$0xFFFFFF60]  }
0x8c: {  	v24 =	vld [tilespmem:s24+$0xFFFFFFD0]  }
0x8d: {  	v25 =	vld [tilespmem:s24+$0x80]  }
0x8e: {  	v28 =	vld [tilespmem:s24+$0xFFFFFF10]  }
0x8f: {  	v32 =	vld [tilespmem:s24+$0xE0]  }
0x90: {  	v27 =	vld [tilespmem:s24+$0xFFFFFF40]  }
0x91: {  	s31 =	simm.s32 $0x0;
	v19 =	vld [tilespmem:s24+$0xFFFFFF90]  }
0x92: {  	v20 =	vld [tilespmem:s31+$0x18800]  }
0x93: {  	v26 =	vld [tilespmem:s24+$0xFFFFFFC0]  }
0x94: {  	v29 =	vld [tilespmem:s24+$0xFFFFFF00]  }
0x95: {  	v30 =	vld [tilespmem:s24+$0xD0]  }
0x96: {  	v39 =	vld [tilespmem:s24+$0xC0]  }
0x97: {  	v37 =	vld [tilespmem:s24+$0x90];
	v35 =	vperm.xlane v20, v2;
	v22 =	vperm.xlane v20, v17  }
0x98: {  	v38 =	vld [tilespmem:s24+$0xFFFFFF50];
	v36 =	vperm.xlane v20, v4;
	v34 =	vperm.xlane v20, v16  }
0x99: {  	v33 =	vld [tilespmem:s24+$0xB0];
	v31 =	vperm.xlane v20, v14;
	v41 =	vmul.f32 v29, v35  }
0x9a: {  	s28 =	simm.s32 $0x18980;
	s26 =	simm.s32 $0x40;
	v29 =	vperm.xlane v20, v15;
	v40 =	vmul.f32 v27, v36;
	v27 =	vld [tilespmem:s24+$0x60]  }
.LBB2_5:
0x9b: {  	p0 =	sne.s32 s26, $0x1C0  }
0x9c: {  	[tilespmem:s24+$0xFFFFFF00] =	vst v41;
	v41 =	vld [tilespmem:s24+$0xFFFFFFB0];
	v39 =	vmul.f32 v39, v34;
	v32 =	vmul.f32 v32, v22;
	s28 =	sadd.s32 $0x200, s28;
	s29 =	smov.u32 s26;
	s26 =	sadd.s32 $0x40, s26  }
0x9d: {  	[tilespmem:s24+$0xFFFFFF40] =	vst v40;
	v40 =	vperm.xlane v20, v12;
	v37 =	vmul.f32 v37, v31;
	v42 =	vld [tilespmem:s24+$0xA0]  }
0x9e: {  	v28 =	vmul.f32 v28, v35;
	v35 =	vmul.f32 v38, v36;
	v36 =	vld [tilespmem:s24+$0x70];
	[tilespmem:s24+$0xE0] =	vst v32  }
0x9f: {  	v32 =	vperm.xlane v20, v7;
	v38 =	vld [tilespmem:s24+$0xFFFFFFE0];
	v33 =	vmul.f32 v33, v29;
	[tilespmem:s24+$0xC0] =	vst v39  }
0xa0: {  	v30 =	vmul.f32 v30, v34;
	[tilespmem:s24+$0xFFFFFF10] =	vst v28;
	v28 =	vperm.xlane v20, v8;
	v39 =	vld [tilespmem:s24+$0x40]  }
0xa1: {  	v43 =	vperm.xlane v20, v13;
	v23 =	vmul.f32 v23, v32;
	v34 =	vld [tilespmem:s24+$0xFFFFFF20];
	[tilespmem:s24+$0x90] =	vst v37  }
0xa2: {  	[tilespmem:s24+$0xFFFFFF50] =	vst v35;
	v35 =	vperm.xlane v20, v11;
	v37 =	vld [tilespmem:s24+$0x20];
	v29 =	vmul.f32 v42, v29  }
0xa3: {  	v32 =	vmul.f32 v41, v32;
	v41 =	vld [tilespmem:s24+$0x50];
	v36 =	vmul.f32 v36, v43;
	[tilespmem:s24+$0xD0] =	vst v30  }
0xa4: {  	v25 =	vmul.f32 v25, v31;
	v30 =	vperm.xlane v20, v9;
	v42 =	vld [tilespmem:s24+$0x30];
	[tilespmem:s24+$0xA0] =	vst v29  }
0xa5: {  	v26 =	vmul.f32 v26, v28;
	v29 =	vperm.xlane v20, v5;
	v31 =	vld [tilespmem:s24+$0x0];
	[tilespmem:s24+$0x70] =	vst v36  }
0xa6: {  	v27 =	vmul.f32 v27, v43;
	v24 =	vmul.f32 v24, v28;
	v28 =	vld [tilespmem:s24+$0x10];
	[tilespmem:s24+$0x80] =	vst v25  }
0xa7: {  	v36 =	vperm.xlane v20, v10;
	v39 =	vmul.f32 v39, v40;
	v25 =	vld [tilespmem:s24+$0xFFFFFF30];
	[tilespmem:s24+$0xB0] =	vst v33  }
0xa8: {  	v33 =	vperm.xlane v20, v3;
	v43 =	vld [tilespmem:s24+$0xFFFFFF70];
	[tilespmem:s24+$0xFFFFFFD0] =	vst v24;
	v40 =	vmul.f32 v41, v40  }
0xa9: {  	v21 =	vmul.f32 v21, v30;
	v24 =	vmul.f32 v38, v30;
	[tilespmem:s24+$0xFFFFFFC0] =	vst v26;
	v26 =	vld [tilespmem:s24+$0xF0]  }
0xaa: {  	v38 =	vmul.f32 v42, v35;
	v30 =	vld [tilespmem:s24+$0xFFFFFF80];
	[tilespmem:s24+$0xFFFFFFA0] =	vst v23;
	v31 =	vmul.f32 v31, v36  }
0xab: {  	v23 =	vld [tilespmem:s28+$0xFFFFFFA0];
	[tilespmem:s24+$0xFFFFFFF0] =	vst v21;
	v36 =	vmul.f32 v28, v36;
	v28 =	vmul.f32 v37, v35  }
0xac: {  	v21 =	vmul.f32 v34, v33;
	v33 =	vmul.f32 v25, v33;
	[tilespmem:s24+$0x60] =	vst v27  }
0xad: {  	v18 =	vmul.f32 v18, v29;
	v25 =	vmul.f32 v43, v29;
	[tilespmem:s24+$0xFFFFFFB0] =	vst v32  }
0xae: {  	v20 =	vperm.xlane v20, v6;
	[tilespmem:s24+$0xFFFFFF20] =	vst v21;
	v21 =	vmul.f32 v26, v22  }
0xaf: {  	[tilespmem:s24+$0xFFFFFF60] =	vst v18  }
0xb0: {  	v22 =	vmul.f32 v30, v20;
	v18 =	vmul.f32 v19, v20;
	[tilespmem:s24+$0x40] =	vst v39  }
0xb1: {  	[tilespmem:s24+$0xFFFFFFE0] =	vst v24  }
0xb2: {  	[tilespmem:s24+$0xF0] =	vst v21  }
0xb3: {  	[tilespmem:s24+$0xFFFFFF90] =	vst v18  }
0xb4: {  	v21 =	vld [tilespmem:s28+$0xFFFFFFF0];
	[tilespmem:s24+$0xFFFFFF70] =	vst v25  }
0xb5: {  	v18 =	vld [tilespmem:s28+$0xFFFFFF60];
	[tilespmem:s24+$0x20] =	vst v28  }
0xb6: {  	v24 =	vld [tilespmem:s28+$0xFFFFFFD0];
	[tilespmem:s24+$0x30] =	vst v38  }
0xb7: {  	v25 =	vld [tilespmem:s28+$0x80];
	[tilespmem:s24+$0xFFFFFF80] =	vst v22  }
0xb8: {  	v28 =	vld [tilespmem:s28+$0xFFFFFF10];
	[tilespmem:s24+$0x50] =	vst v40  }
0xb9: {  	v32 =	vld [tilespmem:s28+$0xE0];
	[tilespmem:s24+$0x0] =	vst v31  }
0xba: {  	v27 =	vld [tilespmem:s28+$0xFFFFFF40];
	[tilespmem:s24+$0xFFFFFF30] =	vst v33  }
0xbb: {  	s29 =	sshra.s32 s29, $0x2;
	v19 =	vld [tilespmem:s28+$0xFFFFFF90];
	[tilespmem:s24+$0x10] =	vst v36;
	s24 =	smov.u32 s28  }
0xbc: {  	v20 =	vld [tilespmem:s29+$0x18800]  }
0xbd: {  	v26 =	vld [tilespmem:s28+$0xFFFFFFC0]  }
0xbe: {  	v29 =	vld [tilespmem:s28+$0xFFFFFF00]  }
0xbf: {  	v30 =	vld [tilespmem:s28+$0xD0]  }
.Ltmp1:
0xc0: {  	v39 =	vld [tilespmem:s28+$0xC0];
	(pc) =	sbr.rel @p0 .LBB2_5-.Ltmp1, $4  }
0xc1: {  	v35 =	vperm.xlane v20, v2;
	v37 =	vld [tilespmem:s28+$0x90];
	v22 =	vperm.xlane v20, v17  }
0xc2: {  	v36 =	vperm.xlane v20, v4;
	v34 =	vperm.xlane v20, v16;
	v38 =	vld [tilespmem:s28+$0xFFFFFF50]  }
0xc3: {  	v41 =	vmul.f32 v29, v35;
	v29 =	vperm.xlane v20, v15;
	v33 =	vld [tilespmem:s28+$0xB0]  }
0xc4: {  	v31 =	vperm.xlane v20, v14;
	v40 =	vmul.f32 v27, v36;
	v27 =	vld [tilespmem:s28+$0x60]  }
0xc5: {  	[tilespmem:s24+$0xFFFFFF00] =	vst v41;
	v32 =	vmul.f32 v32, v22  }
0xc6: {  	v39 =	vmul.f32 v39, v34;
	[tilespmem:s24+$0xFFFFFF40] =	vst v40  }
0xc7: {  	v28 =	vmul.f32 v28, v35;
	[tilespmem:s24+$0xE0] =	vst v32  }
0xc8: {  	v56 =	vmul.f32 v30, v34;
	[tilespmem:s24+$0xC0] =	vst v39  }
0xc9: {  	v54 =	vmul.f32 v37, v31;
	[tilespmem:s24+$0xFFFFFF10] =	vst v28  }
0xca: {  	v62 =	vperm.xlane v20, v8;
	v25 =	vmul.f32 v25, v31;
	[tilespmem:s24+$0xD0] =	vst v56  }
0xcb: {  	v36 =	vmul.f32 v38, v36;
	[tilespmem:s24+$0x90] =	vst v54  }
0xcc: {  	v44 =	vperm.xlane v20, v7;
	v24 =	vmul.f32 v24, v62;
	[tilespmem:s24+$0x80] =	vst v25  }
0xcd: {  	v52 =	vld [tilespmem:s24+$0xA0];
	v46 =	vperm.xlane v20, v9;
	v26 =	vmul.f32 v26, v62;
	[tilespmem:s24+$0xFFFFFF50] =	vst v36  }
0xce: {  	v53 =	vld [tilespmem:s24+$0x70];
	v23 =	vmul.f32 v23, v44;
	[tilespmem:s24+$0xFFFFFFD0] =	vst v24  }
0xcf: {  	v55 =	vld [tilespmem:s24+$0xFFFFFFB0];
	v58 =	vperm.xlane v20, v13;
	v21 =	vmul.f32 v21, v46;
	[tilespmem:s24+$0xFFFFFFC0] =	vst v26  }
0xd0: {  	v57 =	vld [tilespmem:s24+$0xFFFFFF20];
	v42 =	vmul.f32 v33, v29;
	[tilespmem:s24+$0xFFFFFFA0] =	vst v23  }
0xd1: {  	v59 =	vld [tilespmem:s24+$0xFFFFFFE0];
	v27 =	vmul.f32 v27, v58;
	[tilespmem:s24+$0xFFFFFFF0] =	vst v21  }
0xd2: {  	v60 =	vmul.f32 v52, v29;
	[tilespmem:s24+$0xB0] =	vst v42  }
0xd3: {  	v61 =	vld [tilespmem:s24+$0x40];
	v51 =	vperm.xlane v20, v3;
	v35 =	vmul.f32 v53, v58;
	[tilespmem:s24+$0x60] =	vst v27  }
0xd4: {  	v52 =	vmul.f32 v55, v44;
	[tilespmem:s24+$0xA0] =	vst v60  }
0xd5: {  	v48 =	vld [tilespmem:s24+$0xFFFFFF70];
	v53 =	vperm.xlane v20, v5;
	v30 =	vmul.f32 v57, v51;
	[tilespmem:s24+$0x70] =	vst v35  }
0xd6: {  	v49 =	vld [tilespmem:s24+$0xFFFFFF80];
	v55 =	vperm.xlane v20, v12;
	v25 =	vmul.f32 v59, v46;
	[tilespmem:s24+$0xFFFFFFB0] =	vst v52  }
0xd7: {  	v54 =	vld [tilespmem:s24+$0xF0];
	v58 =	vperm.xlane v20, v6;
	v18 =	vmul.f32 v18, v53;
	[tilespmem:s24+$0xFFFFFF20] =	vst v30  }
0xd8: {  	v45 =	vld [tilespmem:s24+$0x30];
	v57 =	vmul.f32 v61, v55;
	[tilespmem:s24+$0xFFFFFFE0] =	vst v25  }
0xd9: {  	v43 =	vld [tilespmem:s24+$0x20];
	v19 =	vmul.f32 v19, v58;
	[tilespmem:s24+$0xFFFFFF60] =	vst v18  }
0xda: {  	v47 =	vld [tilespmem:s24+$0x0];
	v60 =	vmul.f32 v48, v53;
	[tilespmem:s24+$0x40] =	vst v57  }
0xdb: {  	v63 =	vld [tilespmem:s24+$0x50];
	v59 =	vperm.xlane v20, v11;
	v62 =	vmul.f32 v49, v58;
	[tilespmem:s24+$0xFFFFFF90] =	vst v19  }
0xdc: {  	v56 =	vld [tilespmem:s24+$0xFFFFFF30];
	v18 =	vmul.f32 v54, v22;
	[tilespmem:s24+$0xFFFFFF70] =	vst v60  }
0xdd: {  	v50 =	vld [tilespmem:s24+$0x10];
	v61 =	vperm.xlane v20, v10;
	v19 =	vmul.f32 v45, v59;
	[tilespmem:s24+$0xFFFFFF80] =	vst v62  }
0xde: {  	[tilespmem:s24+$0xF0] =	vst v18;
	v18 =	vmul.f32 v43, v59  }
0xdf: {  	[tilespmem:s24+$0x30] =	vst v19;
	v19 =	vmul.f32 v47, v61  }
0xe0: {  	[tilespmem:s24+$0x20] =	vst v18;
	v18 =	vmul.f32 v63, v55  }
0xe1: {  	v63 =	vmul.f32 v56, v51;
	[tilespmem:s24+$0x0] =	vst v19  }
0xe2: {  	s22 =	sadd.s32 $0x1, s22;
	[tilespmem:s24+$0x50] =	vst v18;
	v18 =	vmul.f32 v50, v61  }
0xe3: {  	p0 =	sne.s32 s22, $0x190;
	[tilespmem:s24+$0xFFFFFF30] =	vst v63  }
.Ltmp2:
0xe4: {  	[tilespmem:s24+$0x10] =	vst v18;
	(pc) =	sbr.rel @p0 .LBB2_4-.Ltmp2, $4  }
0xe5: {  	[spmem:s3] =	stream.indirect.scatter.add.f32 [tilespmem:s18], [sflag:$0x2], $0x20, s15, s17, $0xb8;
	[tilespmem:$0x1AF80] =	vst v63  }
0xe6: {  	_ =	swait.ge [sflag:s12], $0x1000  }
0xe7: {  	[sflag:s12] =	ssyncset.done $0x0  }
0xe8: {  	[sflag:s12] =	ssyncadd.s32 $0xFFFFF000  }
0xe9: {  	s0 =	stileid.u32  }
0xea: {  	[bflag:$0x0] =	sbarrier.arrive $0xFFFF;
	s24 =	sshll.u32 s0, $0x6  }
0xeb: {  	s22 =	sshrl.u32 s13, $0x3;
	s26 =	sadd.s32 $0x0, s21;
	s20 =	sor.u32 $0x1C02, s24  }
0xec: {  	[hbm:s26], [sflag:s20] =	dma.local [spmem:s22], $0x2E0  }
0xed: {  	_ =	swait.ge [sflag:s12], $0x2E0  }
0xee: {  	s6 =	smov.u32 s4;
	s31 =	simm.s32 $0x5C0;
	[sflag:s12] =	ssyncset.done $0x0  }
0xef: {  	s4 =	smov.u32 s22;
	s22 =	smov.u32 s13;
	[sflag:s12] =	ssyncadd.s32 $0xFFFFFD20  }
0xf0: {  	[spmem:s13] =	stream.linear.scatter [tilespmem:s5], [sflag:$0x2], $0x1700, $0x38;
	[tilespmem:$0x1AF80] =	vst v63  }
0xf1: {  	s26 =	sadd.s32 $0x2E0, s21;
	s28 =	rddreg [dreg:$0x6];
	_ =	swait.ge [sflag:s12], $0x1700  }
0xf2: {  	s30 =	sshrl.u32 s28, $0x3;
	s29 =	sadd.s32 $0x1700, s28;
	[sflag:s12] =	ssyncset.done $0x0  }
.LBB2_8:
0xf3: {  	s0 =	sshrl.u32 s29, $0x3;
	s13 =	sor.u32 $0x1C02, s24  }
0xf4: {  	[sflag:s12] =	ssyncadd.s32 $0xFFFFE900;
	s10 =	smov.u32 s31;
	p0 =	sne.s32 s31, $0x2E00  }
0xf5: {  	[hbm:s26], [sflag:s13] =	dma.local [spmem:s30], $0x2E0  }
0xf6: {  	s26 =	sadd.s32 s10, s21;
	s10 =	sadd.s32 $0x2E0, s31;
	_ =	swait.ge [sflag:s12], $0x2E0  }
.Ltmp3:
0xf7: {  	[sflag:s12] =	ssyncset.done $0x0;
	(pc) =	sbr.rel @p0 .LBB2_8-.Ltmp3, $4  }
0xf8: {  	s30 =	smov.u32 s0;
	[sflag:s12] =	ssyncadd.s32 $0xFFFFFD20  }
0xf9: {  	[spmem:s28] =	stream.linear.scatter [tilespmem:s5], [sflag:$0x2], $0x1700, $0x38;
	[tilespmem:$0x1AF80] =	vst v63  }
0xfa: {  	s28 =	smov.u32 s29;
	_ =	swait.ge [sflag:s12], $0x1700  }
0xfb: {  	s31 =	smov.u32 s10;
	s29 =	sadd.s32 $0x1700, s29;
	[sflag:s12] =	ssyncset.done $0x0  }
0xfc: {  	[sflag:s12] =	ssyncadd.s32 $0xFFFFE900  }
0xfd: {  	[hbm:s26], [sflag:s20] =	dma.local [spmem:s30], $0x2E0  }
0xfe: {  	_ =	swait.ge [sflag:s12], $0x2E0  }
0xff: {  	[sflag:s12] =	ssyncset.done $0x0  }
0x100: {  	[sflag:s12] =	ssyncadd.s32 $0xFFFFFD20  }
0x101: {  	[spmem:s28] =	stream.linear.scatter [tilespmem:s5], [sflag:$0x2], $0x1700, $0x38;
	[tilespmem:$0x1AF80] =	vst v63  }
0x102: {  	_ =	swait.ge [sflag:s12], $0x1700  }
0x103: {  	[sflag:s12] =	ssyncset.done $0x0  }
0x104: {  	s24 =	simm.s32 $0x0;
	[sflag:s12] =	ssyncadd.s32 $0xFFFFE900  }
0x105: {  	s13 =	smov.u32 s22;
	s22 =	smov.u32 s4;
	[bflag:$0x0] =	sbarrier.arrive $0xFFFF  }
0x106: {  	s4 =	smov.u32 s6;
	s26 =	simm.s32 $0x0;
	s6 =	rddreg [dreg:$0x16]  }
.LBB2_10:
0x107: {  	s0 =	sadd.s32 s11, s26  }
0x108: {  	s0 =	sshll.u32 s0, $0x4  }
0x109: {  	s10 =	sadd.s32 s1, s0  }
0x10a: {  	[tilespmem:s14], [sflag:$0x2] =	stream.linear.gather [hbm4b:s10+s24], $0x80, $0x38;
	[tilespmem:$0x1AF80] =	vst v63  }
0x10b: {  	_ =	swait.ge [sflag:s12], $0x80  }
0x10c: {  	[sflag:s12] =	ssyncset.done $0x0  }
0x10d: {  	s31 =	sadd.s32 s2, s0;
	[sflag:s12] =	ssyncadd.s32 $0xFFFFFF80  }
0x10e: {  	[tilespmem:s15], [sflag:$0x2] =	stream.linear.gather [hbm4b:s31+s24], $0x80, $0x38;
	[tilespmem:$0x1AF80] =	vst v63  }
0x10f: {  	_ =	swait.ge [sflag:s12], $0x80  }
0x110: {  	[sflag:s12] =	ssyncset.done $0x0  }
0x111: {  	s0 =	sadd.s32 s7, s0;
	[sflag:s12] =	ssyncadd.s32 $0xFFFFFF80  }
0x112: {  	[tilespmem:s16], [sflag:$0x2] =	stream.linear.gather [hbm4b:s0+s24], $0x80, $0x38;
	[tilespmem:$0x1AF80] =	vst v63  }
0x113: {  	_ =	swait.ge [sflag:s12], $0x80  }
0x114: {  	[sflag:s12] =	ssyncset.done $0x0  }
0x115: {  	[sflag:s12] =	ssyncadd.s32 $0xFFFFFF80  }
0x116: {  	v18 =	vld [tilespmem:$0x18700]  }
0x117: {  	v19 =	vld [tilespmem:$0x18710]  }
0x118: {  	v20 =	vld [tilespmem:$0x18720]  }
0x119: {  	v21 =	vld [tilespmem:$0x18730]  }
0x11a: {  	v22 =	vld [tilespmem:$0x18740]  }
0x11b: {  	v23 =	vld [tilespmem:$0x18750];
	v18 =	vadd.s32 v0, v18  }
0x11c: {  	[tilespmem:$0x18700] =	vst v18;
	v18 =	vadd.s32 v0, v19;
	v19 =	vld [tilespmem:$0x18760]  }
0x11d: {  	[tilespmem:$0x18710] =	vst v18;
	v18 =	vadd.s32 v0, v20;
	v20 =	vld [tilespmem:$0x18770]  }
0x11e: {  	[tilespmem:$0x18720] =	vst v18;
	v18 =	vadd.s32 v0, v21  }
0x11f: {  	[tilespmem:$0x18730] =	vst v18;
	v18 =	vadd.s32 v0, v22  }
0x120: {  	[tilespmem:$0x18740] =	vst v18;
	v18 =	vadd.s32 v0, v23  }
0x121: {  	[tilespmem:$0x18750] =	vst v18;
	v18 =	vadd.s32 v0, v19  }
0x122: {  	[tilespmem:$0x18760] =	vst v18;
	v18 =	vadd.s32 v0, v20  }
0x123: {  	[tilespmem:$0x18770] =	vst v18  }
0x124: {  	[tilespmem:s18], [sflag:$0x1] =	stream.indirect.gather [hbm4b:s8+s17], $0x20, s14, s17, $0xb8;
	[tilespmem:$0x1AF80] =	vst v63  }
0x125: {  	_ =	swait.ge [sflag:s19], $0x1000  }
0x126: {  	[sflag:s19] =	ssyncset.done $0x0  }
0x127: {  	s28 =	simm.s32 $0x18980;
	[sflag:s19] =	ssyncadd.s32 $0xFFFFF000  }
0x128: {  	v23 =	vld [tilespmem:s28+$0xFFFFFFA0]  }
0x129: {  	v21 =	vld [tilespmem:s28+$0xFFFFFFF0]  }
0x12a: {  	v18 =	vld [tilespmem:s28+$0xFFFFFF60]  }
0x12b: {  	v24 =	vld [tilespmem:s28+$0xFFFFFFD0]  }
0x12c: {  	v25 =	vld [tilespmem:s28+$0x80]  }
0x12d: {  	v28 =	vld [tilespmem:s28+$0xFFFFFF10]  }
0x12e: {  	v32 =	vld [tilespmem:s28+$0xE0]  }
0x12f: {  	v27 =	vld [tilespmem:s28+$0xFFFFFF40]  }
0x130: {  	s31 =	simm.s32 $0x0;
	v19 =	vld [tilespmem:s28+$0xFFFFFF90]  }
0x131: {  	v20 =	vld [tilespmem:s31+$0x18800]  }
0x132: {  	v26 =	vld [tilespmem:s28+$0xFFFFFFC0]  }
0x133: {  	v29 =	vld [tilespmem:s28+$0xFFFFFF00]  }
0x134: {  	v30 =	vld [tilespmem:s28+$0xD0]  }
0x135: {  	v39 =	vld [tilespmem:s28+$0xC0]  }
0x136: {  	v37 =	vld [tilespmem:s28+$0x90];
	v35 =	vperm.xlane v20, v2;
	v22 =	vperm.xlane v20, v17  }
0x137: {  	v38 =	vld [tilespmem:s28+$0xFFFFFF50];
	v36 =	vperm.xlane v20, v4;
	v34 =	vperm.xlane v20, v16  }
0x138: {  	v33 =	vld [tilespmem:s28+$0xB0];
	v31 =	vperm.xlane v20, v14;
	v41 =	vmul.f32 v29, v35  }
0x139: {  	s29 =	simm.s32 $0x40;
	s30 =	simm.s32 $0x18980;
	v29 =	vperm.xlane v20, v15;
	v40 =	vmul.f32 v27, v36;
	v27 =	vld [tilespmem:s28+$0x60]  }
.LBB2_11:
0x13a: {  	p0 =	sne.s32 s29, $0x1C0  }
0x13b: {  	[tilespmem:s28+$0xFFFFFF00] =	vst v41;
	v41 =	vld [tilespmem:s28+$0xFFFFFFB0];
	v39 =	vmul.f32 v39, v34;
	v32 =	vmul.f32 v32, v22;
	s30 =	sadd.s32 $0x200, s30;
	s31 =	smov.u32 s29;
	s29 =	sadd.s32 $0x40, s29  }
0x13c: {  	[tilespmem:s28+$0xFFFFFF40] =	vst v40;
	v40 =	vperm.xlane v20, v12;
	v37 =	vmul.f32 v37, v31;
	v42 =	vld [tilespmem:s28+$0xA0]  }
0x13d: {  	v28 =	vmul.f32 v28, v35;
	v35 =	vmul.f32 v38, v36;
	v36 =	vld [tilespmem:s28+$0x70];
	[tilespmem:s28+$0xE0] =	vst v32  }
0x13e: {  	v32 =	vperm.xlane v20, v7;
	v38 =	vld [tilespmem:s28+$0xFFFFFFE0];
	v33 =	vmul.f32 v33, v29;
	[tilespmem:s28+$0xC0] =	vst v39  }
0x13f: {  	v30 =	vmul.f32 v30, v34;
	[tilespmem:s28+$0xFFFFFF10] =	vst v28;
	v28 =	vperm.xlane v20, v8;
	v39 =	vld [tilespmem:s28+$0x40]  }
0x140: {  	v43 =	vperm.xlane v20, v13;
	v23 =	vmul.f32 v23, v32;
	v34 =	vld [tilespmem:s28+$0xFFFFFF20];
	[tilespmem:s28+$0x90] =	vst v37  }
0x141: {  	[tilespmem:s28+$0xFFFFFF50] =	vst v35;
	v35 =	vperm.xlane v20, v11;
	v37 =	vld [tilespmem:s28+$0x20];
	v29 =	vmul.f32 v42, v29  }
0x142: {  	v32 =	vmul.f32 v41, v32;
	v41 =	vld [tilespmem:s28+$0x50];
	v36 =	vmul.f32 v36, v43;
	[tilespmem:s28+$0xD0] =	vst v30  }
0x143: {  	v25 =	vmul.f32 v25, v31;
	v30 =	vperm.xlane v20, v9;
	v42 =	vld [tilespmem:s28+$0x30];
	[tilespmem:s28+$0xA0] =	vst v29  }
0x144: {  	v26 =	vmul.f32 v26, v28;
	v29 =	vperm.xlane v20, v5;
	v31 =	vld [tilespmem:s28+$0x0];
	[tilespmem:s28+$0x70] =	vst v36  }
0x145: {  	v27 =	vmul.f32 v27, v43;
	v24 =	vmul.f32 v24, v28;
	v28 =	vld [tilespmem:s28+$0x10];
	[tilespmem:s28+$0x80] =	vst v25  }
0x146: {  	v36 =	vperm.xlane v20, v10;
	v39 =	vmul.f32 v39, v40;
	v25 =	vld [tilespmem:s28+$0xFFFFFF30];
	[tilespmem:s28+$0xB0] =	vst v33  }
0x147: {  	v33 =	vperm.xlane v20, v3;
	v43 =	vld [tilespmem:s28+$0xFFFFFF70];
	[tilespmem:s28+$0xFFFFFFD0] =	vst v24;
	v40 =	vmul.f32 v41, v40  }
0x148: {  	v21 =	vmul.f32 v21, v30;
	v24 =	vmul.f32 v38, v30;
	[tilespmem:s28+$0xFFFFFFC0] =	vst v26;
	v26 =	vld [tilespmem:s28+$0xF0]  }
0x149: {  	v38 =	vmul.f32 v42, v35;
	v30 =	vld [tilespmem:s28+$0xFFFFFF80];
	[tilespmem:s28+$0xFFFFFFA0] =	vst v23;
	v31 =	vmul.f32 v31, v36  }
0x14a: {  	v23 =	vld [tilespmem:s30+$0xFFFFFFA0];
	[tilespmem:s28+$0xFFFFFFF0] =	vst v21;
	v36 =	vmul.f32 v28, v36;
	v28 =	vmul.f32 v37, v35  }
0x14b: {  	v21 =	vmul.f32 v34, v33;
	v33 =	vmul.f32 v25, v33;
	[tilespmem:s28+$0x60] =	vst v27  }
0x14c: {  	v18 =	vmul.f32 v18, v29;
	v25 =	vmul.f32 v43, v29;
	[tilespmem:s28+$0xFFFFFFB0] =	vst v32  }
0x14d: {  	v20 =	vperm.xlane v20, v6;
	[tilespmem:s28+$0xFFFFFF20] =	vst v21;
	v21 =	vmul.f32 v26, v22  }
0x14e: {  	[tilespmem:s28+$0xFFFFFF60] =	vst v18  }
0x14f: {  	v22 =	vmul.f32 v30, v20;
	v18 =	vmul.f32 v19, v20;
	[tilespmem:s28+$0x40] =	vst v39  }
0x150: {  	[tilespmem:s28+$0xFFFFFFE0] =	vst v24  }
0x151: {  	[tilespmem:s28+$0xF0] =	vst v21  }
0x152: {  	[tilespmem:s28+$0xFFFFFF90] =	vst v18  }
0x153: {  	v21 =	vld [tilespmem:s30+$0xFFFFFFF0];
	[tilespmem:s28+$0xFFFFFF70] =	vst v25  }
0x154: {  	v18 =	vld [tilespmem:s30+$0xFFFFFF60];
	[tilespmem:s28+$0x20] =	vst v28  }
0x155: {  	v24 =	vld [tilespmem:s30+$0xFFFFFFD0];
	[tilespmem:s28+$0x30] =	vst v38  }
0x156: {  	v25 =	vld [tilespmem:s30+$0x80];
	[tilespmem:s28+$0xFFFFFF80] =	vst v22  }
0x157: {  	v28 =	vld [tilespmem:s30+$0xFFFFFF10];
	[tilespmem:s28+$0x50] =	vst v40  }
0x158: {  	v32 =	vld [tilespmem:s30+$0xE0];
	[tilespmem:s28+$0x0] =	vst v31  }
0x159: {  	v27 =	vld [tilespmem:s30+$0xFFFFFF40];
	[tilespmem:s28+$0xFFFFFF30] =	vst v33  }
0x15a: {  	s0 =	sshra.s32 s31, $0x2;
	v19 =	vld [tilespmem:s30+$0xFFFFFF90];
	[tilespmem:s28+$0x10] =	vst v36;
	s28 =	smov.u32 s30  }
0x15b: {  	v20 =	vld [tilespmem:s0+$0x18800]  }
0x15c: {  	v26 =	vld [tilespmem:s30+$0xFFFFFFC0]  }
0x15d: {  	v29 =	vld [tilespmem:s30+$0xFFFFFF00]  }
0x15e: {  	v30 =	vld [tilespmem:s30+$0xD0]  }
.Ltmp4:
0x15f: {  	v39 =	vld [tilespmem:s30+$0xC0];
	(pc) =	sbr.rel @p0 .LBB2_11-.Ltmp4, $4  }
0x160: {  	v35 =	vperm.xlane v20, v2;
	v37 =	vld [tilespmem:s30+$0x90];
	v22 =	vperm.xlane v20, v17  }
0x161: {  	v36 =	vperm.xlane v20, v4;
	v34 =	vperm.xlane v20, v16;
	v38 =	vld [tilespmem:s30+$0xFFFFFF50]  }
0x162: {  	v41 =	vmul.f32 v29, v35;
	v29 =	vperm.xlane v20, v15;
	v33 =	vld [tilespmem:s30+$0xB0]  }
0x163: {  	v31 =	vperm.xlane v20, v14;
	v40 =	vmul.f32 v27, v36;
	v27 =	vld [tilespmem:s30+$0x60]  }
0x164: {  	[tilespmem:s28+$0xFFFFFF00] =	vst v41;
	v32 =	vmul.f32 v32, v22  }
0x165: {  	v39 =	vmul.f32 v39, v34;
	[tilespmem:s28+$0xFFFFFF40] =	vst v40  }
0x166: {  	v28 =	vmul.f32 v28, v35;
	[tilespmem:s28+$0xE0] =	vst v32  }
0x167: {  	v56 =	vmul.f32 v30, v34;
	[tilespmem:s28+$0xC0] =	vst v39  }
0x168: {  	v54 =	vmul.f32 v37, v31;
	[tilespmem:s28+$0xFFFFFF10] =	vst v28  }
0x169: {  	v62 =	vperm.xlane v20, v8;
	v25 =	vmul.f32 v25, v31;
	[tilespmem:s28+$0xD0] =	vst v56  }
0x16a: {  	v36 =	vmul.f32 v38, v36;
	[tilespmem:s28+$0x90] =	vst v54  }
0x16b: {  	v44 =	vperm.xlane v20, v7;
	v24 =	vmul.f32 v24, v62;
	[tilespmem:s28+$0x80] =	vst v25  }
0x16c: {  	v52 =	vld [tilespmem:s28+$0xA0];
	v46 =	vperm.xlane v20, v9;
	v26 =	vmul.f32 v26, v62;
	[tilespmem:s28+$0xFFFFFF50] =	vst v36  }
0x16d: {  	v53 =	vld [tilespmem:s28+$0x70];
	v23 =	vmul.f32 v23, v44;
	[tilespmem:s28+$0xFFFFFFD0] =	vst v24  }
0x16e: {  	v55 =	vld [tilespmem:s28+$0xFFFFFFB0];
	v58 =	vperm.xlane v20, v13;
	v21 =	vmul.f32 v21, v46;
	[tilespmem:s28+$0xFFFFFFC0] =	vst v26  }
0x16f: {  	v57 =	vld [tilespmem:s28+$0xFFFFFF20];
	v42 =	vmul.f32 v33, v29;
	[tilespmem:s28+$0xFFFFFFA0] =	vst v23  }
0x170: {  	v59 =	vld [tilespmem:s28+$0xFFFFFFE0];
	v27 =	vmul.f32 v27, v58;
	[tilespmem:s28+$0xFFFFFFF0] =	vst v21  }
0x171: {  	v60 =	vmul.f32 v52, v29;
	[tilespmem:s28+$0xB0] =	vst v42  }
0x172: {  	v61 =	vld [tilespmem:s28+$0x40];
	v51 =	vperm.xlane v20, v3;
	v35 =	vmul.f32 v53, v58;
	[tilespmem:s28+$0x60] =	vst v27  }
0x173: {  	v52 =	vmul.f32 v55, v44;
	[tilespmem:s28+$0xA0] =	vst v60  }
0x174: {  	v48 =	vld [tilespmem:s28+$0xFFFFFF70];
	v53 =	vperm.xlane v20, v5;
	v30 =	vmul.f32 v57, v51;
	[tilespmem:s28+$0x70] =	vst v35  }
0x175: {  	v49 =	vld [tilespmem:s28+$0xFFFFFF80];
	v55 =	vperm.xlane v20, v12;
	v25 =	vmul.f32 v59, v46;
	[tilespmem:s28+$0xFFFFFFB0] =	vst v52  }
0x176: {  	v54 =	vld [tilespmem:s28+$0xF0];
	v58 =	vperm.xlane v20, v6;
	v18 =	vmul.f32 v18, v53;
	[tilespmem:s28+$0xFFFFFF20] =	vst v30  }
0x177: {  	v45 =	vld [tilespmem:s28+$0x30];
	v57 =	vmul.f32 v61, v55;
	[tilespmem:s28+$0xFFFFFFE0] =	vst v25  }
0x178: {  	v43 =	vld [tilespmem:s28+$0x20];
	v19 =	vmul.f32 v19, v58;
	[tilespmem:s28+$0xFFFFFF60] =	vst v18  }
0x179: {  	v47 =	vld [tilespmem:s28+$0x0];
	v60 =	vmul.f32 v48, v53;
	[tilespmem:s28+$0x40] =	vst v57  }
0x17a: {  	v63 =	vld [tilespmem:s28+$0x50];
	v59 =	vperm.xlane v20, v11;
	v62 =	vmul.f32 v49, v58;
	[tilespmem:s28+$0xFFFFFF90] =	vst v19  }
0x17b: {  	v56 =	vld [tilespmem:s28+$0xFFFFFF30];
	v18 =	vmul.f32 v54, v22;
	[tilespmem:s28+$0xFFFFFF70] =	vst v60  }
0x17c: {  	v50 =	vld [tilespmem:s28+$0x10];
	v61 =	vperm.xlane v20, v10;
	v19 =	vmul.f32 v45, v59;
	[tilespmem:s28+$0xFFFFFF80] =	vst v62  }
0x17d: {  	[tilespmem:s28+$0xF0] =	vst v18;
	v18 =	vmul.f32 v43, v59  }
0x17e: {  	[tilespmem:s28+$0x30] =	vst v19;
	v19 =	vmul.f32 v47, v61  }
0x17f: {  	[tilespmem:s28+$0x20] =	vst v18;
	v18 =	vmul.f32 v63, v55  }
0x180: {  	v63 =	vmul.f32 v56, v51;
	[tilespmem:s28+$0x0] =	vst v19  }
0x181: {  	s26 =	sadd.s32 $0x1, s26;
	[tilespmem:s28+$0x50] =	vst v18;
	v18 =	vmul.f32 v50, v61  }
0x182: {  	p0 =	sne.s32 s26, $0x190;
	[tilespmem:s28+$0xFFFFFF30] =	vst v63  }
.Ltmp5:
0x183: {  	[tilespmem:s28+$0x10] =	vst v18;
	(pc) =	sbr.rel @p0 .LBB2_10-.Ltmp5, $4  }
0x184: {  	[spmem:s3] =	stream.indirect.scatter.add.f32 [tilespmem:s18], [sflag:$0x2], $0x20, s15, s17, $0xb8;
	[tilespmem:$0x1AF80] =	vst v63  }
0x185: {  	_ =	swait.ge [sflag:s12], $0x1000  }
0x186: {  	[sflag:s12] =	ssyncset.done $0x0  }
0x187: {  	[sflag:s12] =	ssyncadd.s32 $0xFFFFF000  }
0x188: {  	[bflag:$0x0] =	sbarrier.arrive $0xFFFF;
	s0 =	sadd.s32 $0x0, s23  }
0x189: {  	[hbm:s0], [sflag:s20] =	dma.local [spmem:s22], $0x2E0  }
0x18a: {  	_ =	swait.ge [sflag:s12], $0x2E0  }
0x18b: {  	[sflag:s12] =	ssyncset.done $0x0  }
0x18c: {  	[sflag:s12] =	ssyncadd.s32 $0xFFFFFD20  }
0x18d: {  	[spmem:s13] =	stream.linear.scatter [tilespmem:s5], [sflag:$0x2], $0x1700, $0x38;
	[tilespmem:$0x1AF80] =	vst v63  }
0x18e: {  	s28 =	sadd.s32 $0x2E0, s23;
	_ =	swait.ge [sflag:s12], $0x1700  }
0x18f: {  	s26 =	simm.s32 $0x5C0;
	[sflag:s12] =	ssyncset.done $0x0;
	s24 =	rddreg [dreg:$0x6]  }
.LBB2_14:
0x190: {  	s0 =	sadd.s32 s26, s23;
	s10 =	sshrl.u32 s24, $0x3;
	[sflag:s12] =	ssyncadd.s32 $0xFFFFE900  }
0x191: {  	[hbm:s28], [sflag:s20] =	dma.local [spmem:s10], $0x2E0  }
0x192: {  	p0 =	sne.s32 s26, $0x2E00;
	s26 =	sadd.s32 $0x2E0, s26;
	_ =	swait.ge [sflag:s12], $0x2E0  }
.Ltmp6:
0x193: {  	s28 =	smov.u32 s0;
	[sflag:s12] =	ssyncset.done $0x0;
	(pc) =	sbr.rel @p0 .LBB2_14-.Ltmp6, $4  }
0x194: {  	[sflag:s12] =	ssyncadd.s32 $0xFFFFFD20  }
0x195: {  	[spmem:s24] =	stream.linear.scatter [tilespmem:s5], [sflag:$0x2], $0x1700, $0x38;
	[tilespmem:$0x1AF80] =	vst v63  }
0x196: {  	_ =	swait.ge [sflag:s12], $0x1700  }
0x197: {  	s24 =	sadd.s32 $0x1700, s24;
	[sflag:s12] =	ssyncset.done $0x0  }
0x198: {  	s0 =	sshrl.u32 s24, $0x3;
	[sflag:s12] =	ssyncadd.s32 $0xFFFFE900  }
0x199: {  	[hbm:s28], [sflag:s20] =	dma.local [spmem:s0], $0x2E0  }
0x19a: {  	_ =	swait.ge [sflag:s12], $0x2E0  }
0x19b: {  	[sflag:s12] =	ssyncset.done $0x0  }
0x19c: {  	[sflag:s12] =	ssyncadd.s32 $0xFFFFFD20  }
0x19d: {  	[spmem:s24] =	stream.linear.scatter [tilespmem:s5], [sflag:$0x2], $0x1700, $0x38;
	[tilespmem:$0x1AF80] =	vst v63  }
0x19e: {  	_ =	swait.ge [sflag:s12], $0x1700  }
0x19f: {  	[sflag:s12] =	ssyncset.done $0x0  }
0x1a0: {  	[sflag:s12] =	ssyncadd.s32 $0xFFFFE900  }
0x1a1: {  	s26 =	simm.s32 $0x0;
	s24 =	simm.s32 $0x0;
	[bflag:$0x0] =	sbarrier.arrive $0xFFFF  }
.LBB2_16:
0x1a2: {  	s0 =	sadd.s32 s11, s26  }
0x1a3: {  	s0 =	sshll.u32 s0, $0x4  }
0x1a4: {  	s10 =	sadd.s32 s1, s0  }
0x1a5: {  	[tilespmem:s14], [sflag:$0x2] =	stream.linear.gather [hbm4b:s10+s24], $0x80, $0x38;
	[tilespmem:$0x1AF80] =	vst v63  }
0x1a6: {  	_ =	swait.ge [sflag:s12], $0x80  }
0x1a7: {  	[sflag:s12] =	ssyncset.done $0x0  }
0x1a8: {  	s31 =	sadd.s32 s2, s0;
	[sflag:s12] =	ssyncadd.s32 $0xFFFFFF80  }
0x1a9: {  	[tilespmem:s15], [sflag:$0x2] =	stream.linear.gather [hbm4b:s31+s24], $0x80, $0x38;
	[tilespmem:$0x1AF80] =	vst v63  }
0x1aa: {  	_ =	swait.ge [sflag:s12], $0x80  }
0x1ab: {  	[sflag:s12] =	ssyncset.done $0x0  }
0x1ac: {  	s0 =	sadd.s32 s7, s0;
	[sflag:s12] =	ssyncadd.s32 $0xFFFFFF80  }
0x1ad: {  	[tilespmem:s16], [sflag:$0x2] =	stream.linear.gather [hbm4b:s0+s24], $0x80, $0x38;
	[tilespmem:$0x1AF80] =	vst v63  }
0x1ae: {  	_ =	swait.ge [sflag:s12], $0x80  }
0x1af: {  	[sflag:s12] =	ssyncset.done $0x0  }
0x1b0: {  	[sflag:s12] =	ssyncadd.s32 $0xFFFFFF80  }
0x1b1: {  	v18 =	vld [tilespmem:$0x18700]  }
0x1b2: {  	v19 =	vld [tilespmem:$0x18710]  }
0x1b3: {  	v20 =	vld [tilespmem:$0x18720]  }
0x1b4: {  	v21 =	vld [tilespmem:$0x18730]  }
0x1b5: {  	v22 =	vld [tilespmem:$0x18740]  }
0x1b6: {  	v23 =	vld [tilespmem:$0x18750];
	v18 =	vadd.s32 v0, v18  }
0x1b7: {  	[tilespmem:$0x18700] =	vst v18;
	v18 =	vadd.s32 v0, v19;
	v19 =	vld [tilespmem:$0x18760]  }
0x1b8: {  	[tilespmem:$0x18710] =	vst v18;
	v18 =	vadd.s32 v0, v20;
	v20 =	vld [tilespmem:$0x18770]  }
0x1b9: {  	[tilespmem:$0x18720] =	vst v18;
	v18 =	vadd.s32 v0, v21  }
0x1ba: {  	[tilespmem:$0x18730] =	vst v18;
	v18 =	vadd.s32 v0, v22  }
0x1bb: {  	[tilespmem:$0x18740] =	vst v18;
	v18 =	vadd.s32 v0, v23  }
0x1bc: {  	[tilespmem:$0x18750] =	vst v18;
	v18 =	vadd.s32 v0, v19  }
0x1bd: {  	[tilespmem:$0x18760] =	vst v18;
	v18 =	vadd.s32 v0, v20  }
0x1be: {  	[tilespmem:$0x18770] =	vst v18  }
0x1bf: {  	[tilespmem:s18], [sflag:$0x1] =	stream.indirect.gather [hbm4b:s9+s17], $0x20, s14, s17, $0xb8;
	[tilespmem:$0x1AF80] =	vst v63  }
0x1c0: {  	_ =	swait.ge [sflag:s19], $0x1000  }
0x1c1: {  	[sflag:s19] =	ssyncset.done $0x0  }
0x1c2: {  	s28 =	simm.s32 $0x18980;
	[sflag:s19] =	ssyncadd.s32 $0xFFFFF000  }
0x1c3: {  	v23 =	vld [tilespmem:s28+$0xFFFFFFA0]  }
0x1c4: {  	v21 =	vld [tilespmem:s28+$0xFFFFFFF0]  }
0x1c5: {  	v18 =	vld [tilespmem:s28+$0xFFFFFF60]  }
0x1c6: {  	v24 =	vld [tilespmem:s28+$0xFFFFFFD0]  }
0x1c7: {  	v25 =	vld [tilespmem:s28+$0x80]  }
0x1c8: {  	v28 =	vld [tilespmem:s28+$0xFFFFFF10]  }
0x1c9: {  	v32 =	vld [tilespmem:s28+$0xE0]  }
0x1ca: {  	v27 =	vld [tilespmem:s28+$0xFFFFFF40]  }
0x1cb: {  	s31 =	simm.s32 $0x0;
	v19 =	vld [tilespmem:s28+$0xFFFFFF90]  }
0x1cc: {  	v20 =	vld [tilespmem:s31+$0x18800]  }
0x1cd: {  	v26 =	vld [tilespmem:s28+$0xFFFFFFC0]  }
0x1ce: {  	v29 =	vld [tilespmem:s28+$0xFFFFFF00]  }
0x1cf: {  	v30 =	vld [tilespmem:s28+$0xD0]  }
0x1d0: {  	v39 =	vld [tilespmem:s28+$0xC0]  }
0x1d1: {  	v37 =	vld [tilespmem:s28+$0x90];
	v35 =	vperm.xlane v20, v2;
	v22 =	vperm.xlane v20, v17  }
0x1d2: {  	v38 =	vld [tilespmem:s28+$0xFFFFFF50];
	v36 =	vperm.xlane v20, v4;
	v34 =	vperm.xlane v20, v16  }
0x1d3: {  	v33 =	vld [tilespmem:s28+$0xB0];
	v31 =	vperm.xlane v20, v14;
	v41 =	vmul.f32 v29, v35  }
0x1d4: {  	s29 =	simm.s32 $0x40;
	s30 =	simm.s32 $0x18980;
	v29 =	vperm.xlane v20, v15;
	v40 =	vmul.f32 v27, v36;
	v27 =	vld [tilespmem:s28+$0x60]  }
.LBB2_17:
0x1d5: {  	p0 =	sne.s32 s29, $0x1C0  }
0x1d6: {  	[tilespmem:s28+$0xFFFFFF00] =	vst v41;
	v41 =	vld [tilespmem:s28+$0xFFFFFFB0];
	v39 =	vmul.f32 v39, v34;
	v32 =	vmul.f32 v32, v22;
	s30 =	sadd.s32 $0x200, s30;
	s31 =	smov.u32 s29;
	s29 =	sadd.s32 $0x40, s29  }
0x1d7: {  	[tilespmem:s28+$0xFFFFFF40] =	vst v40;
	v40 =	vperm.xlane v20, v12;
	v37 =	vmul.f32 v37, v31;
	v42 =	vld [tilespmem:s28+$0xA0]  }
0x1d8: {  	v28 =	vmul.f32 v28, v35;
	v35 =	vmul.f32 v38, v36;
	v36 =	vld [tilespmem:s28+$0x70];
	[tilespmem:s28+$0xE0] =	vst v32  }
0x1d9: {  	v32 =	vperm.xlane v20, v7;
	v38 =	vld [tilespmem:s28+$0xFFFFFFE0];
	v33 =	vmul.f32 v33, v29;
	[tilespmem:s28+$0xC0] =	vst v39  }
0x1da: {  	v30 =	vmul.f32 v30, v34;
	[tilespmem:s28+$0xFFFFFF10] =	vst v28;
	v28 =	vperm.xlane v20, v8;
	v39 =	vld [tilespmem:s28+$0x40]  }
0x1db: {  	v43 =	vperm.xlane v20, v13;
	v23 =	vmul.f32 v23, v32;
	v34 =	vld [tilespmem:s28+$0xFFFFFF20];
	[tilespmem:s28+$0x90] =	vst v37  }
0x1dc: {  	[tilespmem:s28+$0xFFFFFF50] =	vst v35;
	v35 =	vperm.xlane v20, v11;
	v37 =	vld [tilespmem:s28+$0x20];
	v29 =	vmul.f32 v42, v29  }
0x1dd: {  	v32 =	vmul.f32 v41, v32;
	v41 =	vld [tilespmem:s28+$0x50];
	v36 =	vmul.f32 v36, v43;
	[tilespmem:s28+$0xD0] =	vst v30  }
0x1de: {  	v25 =	vmul.f32 v25, v31;
	v30 =	vperm.xlane v20, v9;
	v42 =	vld [tilespmem:s28+$0x30];
	[tilespmem:s28+$0xA0] =	vst v29  }
0x1df: {  	v26 =	vmul.f32 v26, v28;
	v29 =	vperm.xlane v20, v5;
	v31 =	vld [tilespmem:s28+$0x0];
	[tilespmem:s28+$0x70] =	vst v36  }
0x1e0: {  	v27 =	vmul.f32 v27, v43;
	v24 =	vmul.f32 v24, v28;
	v28 =	vld [tilespmem:s28+$0x10];
	[tilespmem:s28+$0x80] =	vst v25  }
0x1e1: {  	v36 =	vperm.xlane v20, v10;
	v39 =	vmul.f32 v39, v40;
	v25 =	vld [tilespmem:s28+$0xFFFFFF30];
	[tilespmem:s28+$0xB0] =	vst v33  }
0x1e2: {  	v33 =	vperm.xlane v20, v3;
	v43 =	vld [tilespmem:s28+$0xFFFFFF70];
	[tilespmem:s28+$0xFFFFFFD0] =	vst v24;
	v40 =	vmul.f32 v41, v40  }
0x1e3: {  	v21 =	vmul.f32 v21, v30;
	v24 =	vmul.f32 v38, v30;
	[tilespmem:s28+$0xFFFFFFC0] =	vst v26;
	v26 =	vld [tilespmem:s28+$0xF0]  }
0x1e4: {  	v38 =	vmul.f32 v42, v35;
	v30 =	vld [tilespmem:s28+$0xFFFFFF80];
	[tilespmem:s28+$0xFFFFFFA0] =	vst v23;
	v31 =	vmul.f32 v31, v36  }
0x1e5: {  	v23 =	vld [tilespmem:s30+$0xFFFFFFA0];
	[tilespmem:s28+$0xFFFFFFF0] =	vst v21;
	v36 =	vmul.f32 v28, v36;
	v28 =	vmul.f32 v37, v35  }
0x1e6: {  	v21 =	vmul.f32 v34, v33;
	v33 =	vmul.f32 v25, v33;
	[tilespmem:s28+$0x60] =	vst v27  }
0x1e7: {  	v18 =	vmul.f32 v18, v29;
	v25 =	vmul.f32 v43, v29;
	[tilespmem:s28+$0xFFFFFFB0] =	vst v32  }
0x1e8: {  	v20 =	vperm.xlane v20, v6;
	[tilespmem:s28+$0xFFFFFF20] =	vst v21;
	v21 =	vmul.f32 v26, v22  }
0x1e9: {  	[tilespmem:s28+$0xFFFFFF60] =	vst v18  }
0x1ea: {  	v22 =	vmul.f32 v30, v20;
	v18 =	vmul.f32 v19, v20;
	[tilespmem:s28+$0x40] =	vst v39  }
0x1eb: {  	[tilespmem:s28+$0xFFFFFFE0] =	vst v24  }
0x1ec: {  	[tilespmem:s28+$0xF0] =	vst v21  }
0x1ed: {  	[tilespmem:s28+$0xFFFFFF90] =	vst v18  }
0x1ee: {  	v21 =	vld [tilespmem:s30+$0xFFFFFFF0];
	[tilespmem:s28+$0xFFFFFF70] =	vst v25  }
0x1ef: {  	v18 =	vld [tilespmem:s30+$0xFFFFFF60];
	[tilespmem:s28+$0x20] =	vst v28  }
0x1f0: {  	v24 =	vld [tilespmem:s30+$0xFFFFFFD0];
	[tilespmem:s28+$0x30] =	vst v38  }
0x1f1: {  	v25 =	vld [tilespmem:s30+$0x80];
	[tilespmem:s28+$0xFFFFFF80] =	vst v22  }
0x1f2: {  	v28 =	vld [tilespmem:s30+$0xFFFFFF10];
	[tilespmem:s28+$0x50] =	vst v40  }
0x1f3: {  	v32 =	vld [tilespmem:s30+$0xE0];
	[tilespmem:s28+$0x0] =	vst v31  }
0x1f4: {  	v27 =	vld [tilespmem:s30+$0xFFFFFF40];
	[tilespmem:s28+$0xFFFFFF30] =	vst v33  }
0x1f5: {  	s0 =	sshra.s32 s31, $0x2;
	v19 =	vld [tilespmem:s30+$0xFFFFFF90];
	[tilespmem:s28+$0x10] =	vst v36;
	s28 =	smov.u32 s30  }
0x1f6: {  	v20 =	vld [tilespmem:s0+$0x18800]  }
0x1f7: {  	v26 =	vld [tilespmem:s30+$0xFFFFFFC0]  }
0x1f8: {  	v29 =	vld [tilespmem:s30+$0xFFFFFF00]  }
0x1f9: {  	v30 =	vld [tilespmem:s30+$0xD0]  }
.Ltmp7:
0x1fa: {  	v39 =	vld [tilespmem:s30+$0xC0];
	(pc) =	sbr.rel @p0 .LBB2_17-.Ltmp7, $4  }
0x1fb: {  	v35 =	vperm.xlane v20, v2;
	v37 =	vld [tilespmem:s30+$0x90];
	v22 =	vperm.xlane v20, v17  }
0x1fc: {  	v36 =	vperm.xlane v20, v4;
	v34 =	vperm.xlane v20, v16;
	v38 =	vld [tilespmem:s30+$0xFFFFFF50]  }
0x1fd: {  	v41 =	vmul.f32 v29, v35;
	v29 =	vperm.xlane v20, v15;
	v33 =	vld [tilespmem:s30+$0xB0]  }
0x1fe: {  	v31 =	vperm.xlane v20, v14;
	v40 =	vmul.f32 v27, v36;
	v27 =	vld [tilespmem:s30+$0x60]  }
0x1ff: {  	[tilespmem:s28+$0xFFFFFF00] =	vst v41;
	v32 =	vmul.f32 v32, v22  }
0x200: {  	v39 =	vmul.f32 v39, v34;
	[tilespmem:s28+$0xFFFFFF40] =	vst v40  }
0x201: {  	v28 =	vmul.f32 v28, v35;
	[tilespmem:s28+$0xE0] =	vst v32  }
0x202: {  	v56 =	vmul.f32 v30, v34;
	[tilespmem:s28+$0xC0] =	vst v39  }
0x203: {  	v54 =	vmul.f32 v37, v31;
	[tilespmem:s28+$0xFFFFFF10] =	vst v28  }
0x204: {  	v62 =	vperm.xlane v20, v8;
	v25 =	vmul.f32 v25, v31;
	[tilespmem:s28+$0xD0] =	vst v56  }
0x205: {  	v36 =	vmul.f32 v38, v36;
	[tilespmem:s28+$0x90] =	vst v54  }
0x206: {  	v44 =	vperm.xlane v20, v7;
	v24 =	vmul.f32 v24, v62;
	[tilespmem:s28+$0x80] =	vst v25  }
0x207: {  	v52 =	vld [tilespmem:s28+$0xA0];
	v46 =	vperm.xlane v20, v9;
	v26 =	vmul.f32 v26, v62;
	[tilespmem:s28+$0xFFFFFF50] =	vst v36  }
0x208: {  	v53 =	vld [tilespmem:s28+$0x70];
	v23 =	vmul.f32 v23, v44;
	[tilespmem:s28+$0xFFFFFFD0] =	vst v24  }
0x209: {  	v55 =	vld [tilespmem:s28+$0xFFFFFFB0];
	v58 =	vperm.xlane v20, v13;
	v21 =	vmul.f32 v21, v46;
	[tilespmem:s28+$0xFFFFFFC0] =	vst v26  }
0x20a: {  	v57 =	vld [tilespmem:s28+$0xFFFFFF20];
	v42 =	vmul.f32 v33, v29;
	[tilespmem:s28+$0xFFFFFFA0] =	vst v23  }
0x20b: {  	v59 =	vld [tilespmem:s28+$0xFFFFFFE0];
	v27 =	vmul.f32 v27, v58;
	[tilespmem:s28+$0xFFFFFFF0] =	vst v21  }
0x20c: {  	v60 =	vmul.f32 v52, v29;
	[tilespmem:s28+$0xB0] =	vst v42  }
0x20d: {  	v61 =	vld [tilespmem:s28+$0x40];
	v51 =	vperm.xlane v20, v3;
	v35 =	vmul.f32 v53, v58;
	[tilespmem:s28+$0x60] =	vst v27  }
0x20e: {  	v52 =	vmul.f32 v55, v44;
	[tilespmem:s28+$0xA0] =	vst v60  }
0x20f: {  	v48 =	vld [tilespmem:s28+$0xFFFFFF70];
	v53 =	vperm.xlane v20, v5;
	v30 =	vmul.f32 v57, v51;
	[tilespmem:s28+$0x70] =	vst v35  }
0x210: {  	v49 =	vld [tilespmem:s28+$0xFFFFFF80];
	v55 =	vperm.xlane v20, v12;
	v25 =	vmul.f32 v59, v46;
	[tilespmem:s28+$0xFFFFFFB0] =	vst v52  }
0x211: {  	v54 =	vld [tilespmem:s28+$0xF0];
	v58 =	vperm.xlane v20, v6;
	v18 =	vmul.f32 v18, v53;
	[tilespmem:s28+$0xFFFFFF20] =	vst v30  }
0x212: {  	v45 =	vld [tilespmem:s28+$0x30];
	v57 =	vmul.f32 v61, v55;
	[tilespmem:s28+$0xFFFFFFE0] =	vst v25  }
0x213: {  	v43 =	vld [tilespmem:s28+$0x20];
	v19 =	vmul.f32 v19, v58;
	[tilespmem:s28+$0xFFFFFF60] =	vst v18  }
0x214: {  	v47 =	vld [tilespmem:s28+$0x0];
	v60 =	vmul.f32 v48, v53;
	[tilespmem:s28+$0x40] =	vst v57  }
0x215: {  	v63 =	vld [tilespmem:s28+$0x50];
	v59 =	vperm.xlane v20, v11;
	v62 =	vmul.f32 v49, v58;
	[tilespmem:s28+$0xFFFFFF90] =	vst v19  }
0x216: {  	v56 =	vld [tilespmem:s28+$0xFFFFFF30];
	v18 =	vmul.f32 v54, v22;
	[tilespmem:s28+$0xFFFFFF70] =	vst v60  }
0x217: {  	v50 =	vld [tilespmem:s28+$0x10];
	v61 =	vperm.xlane v20, v10;
	v19 =	vmul.f32 v45, v59;
	[tilespmem:s28+$0xFFFFFF80] =	vst v62  }
0x218: {  	[tilespmem:s28+$0xF0] =	vst v18;
	v18 =	vmul.f32 v43, v59  }
0x219: {  	[tilespmem:s28+$0x30] =	vst v19;
	v19 =	vmul.f32 v47, v61  }
0x21a: {  	[tilespmem:s28+$0x20] =	vst v18;
	v18 =	vmul.f32 v63, v55  }
0x21b: {  	v63 =	vmul.f32 v56, v51;
	[tilespmem:s28+$0x0] =	vst v19  }
0x21c: {  	s26 =	sadd.s32 $0x1, s26;
	[tilespmem:s28+$0x50] =	vst v18;
	v18 =	vmul.f32 v50, v61  }
0x21d: {  	p0 =	sne.s32 s26, $0x190;
	[tilespmem:s28+$0xFFFFFF30] =	vst v63  }
.Ltmp8:
0x21e: {  	[tilespmem:s28+$0x10] =	vst v18;
	(pc) =	sbr.rel @p0 .LBB2_16-.Ltmp8, $4  }
0x21f: {  	[spmem:s3] =	stream.indirect.scatter.add.f32 [tilespmem:s18], [sflag:$0x2], $0x20, s15, s17, $0xb8;
	[tilespmem:$0x1AF80] =	vst v63  }
0x220: {  	_ =	swait.ge [sflag:s12], $0x1000  }
0x221: {  	[sflag:s12] =	ssyncset.done $0x0  }
0x222: {  	[sflag:s12] =	ssyncadd.s32 $0xFFFFF000  }
0x223: {  	[bflag:$0x0] =	sbarrier.arrive $0xFFFF;
	s0 =	sadd.s32 $0x0, s25  }
0x224: {  	[hbm:s0], [sflag:s20] =	dma.local [spmem:s22], $0x2E0  }
0x225: {  	_ =	swait.ge [sflag:s12], $0x2E0  }
0x226: {  	[sflag:s12] =	ssyncset.done $0x0  }
0x227: {  	[sflag:s12] =	ssyncadd.s32 $0xFFFFFD20  }
0x228: {  	[spmem:s13] =	stream.linear.scatter [tilespmem:s5], [sflag:$0x2], $0x1700, $0x38;
	[tilespmem:$0x1AF80] =	vst v63  }
0x229: {  	s26 =	sadd.s32 $0x2E0, s25;
	_ =	swait.ge [sflag:s12], $0x1700  }
0x22a: {  	s24 =	simm.s32 $0x5C0;
	s22 =	sadd.s32 $0x1700, s13;
	[sflag:s12] =	ssyncset.done $0x0  }
.LBB2_20:
0x22b: {  	s0 =	sadd.s32 s24, s25;
	s10 =	sshrl.u32 s22, $0x3;
	[sflag:s12] =	ssyncadd.s32 $0xFFFFE900  }
0x22c: {  	[hbm:s26], [sflag:s20] =	dma.local [spmem:s10], $0x2E0  }
0x22d: {  	p0 =	sne.s32 s24, $0x2E00;
	s24 =	sadd.s32 $0x2E0, s24;
	_ =	swait.ge [sflag:s12], $0x2E0  }
.Ltmp9:
0x22e: {  	s26 =	smov.u32 s0;
	[sflag:s12] =	ssyncset.done $0x0;
	(pc) =	sbr.rel @p0 .LBB2_20-.Ltmp9, $4  }
0x22f: {  	[sflag:s12] =	ssyncadd.s32 $0xFFFFFD20  }
0x230: {  	[spmem:s22] =	stream.linear.scatter [tilespmem:s5], [sflag:$0x2], $0x1700, $0x38;
	[tilespmem:$0x1AF80] =	vst v63  }
0x231: {  	_ =	swait.ge [sflag:s12], $0x1700  }
0x232: {  	s22 =	sadd.s32 $0x1700, s22;
	[sflag:s12] =	ssyncset.done $0x0  }
0x233: {  	s0 =	sshrl.u32 s22, $0x3;
	[sflag:s12] =	ssyncadd.s32 $0xFFFFE900  }
0x234: {  	[hbm:s26], [sflag:s20] =	dma.local [spmem:s0], $0x2E0  }
0x235: {  	_ =	swait.ge [sflag:s12], $0x2E0  }
0x236: {  	[sflag:s12] =	ssyncset.done $0x0  }
0x237: {  	[sflag:s12] =	ssyncadd.s32 $0xFFFFFD20  }
0x238: {  	[spmem:s22] =	stream.linear.scatter [tilespmem:s5], [sflag:$0x2], $0x1700, $0x38;
	[tilespmem:$0x1AF80] =	vst v63  }
0x239: {  	_ =	swait.ge [sflag:s12], $0x1700  }
0x23a: {  	s4 =	sadd.s32 $0x1, s4;
	s31 =	rddreg [dreg:$0x5]  }
0x23b: {  	p0 =	sne.s32 s4, s31  }
.Ltmp10:
0x23c: {  	_ = 	snop;
	(pc) =	sbr.rel @p0 .LBB2_1-.Ltmp10, $3  }
0x23d: {  	[sflag:s12] =	ssyncset.done $0x0  }
0x23e: {  	[sflag:s12] =	ssyncadd.s32 $0xFFFFE900  }
0x23f: {  	[bflag:$0x0] =	sbarrier.arrive $0xFFFF;
	_ =	sdelay $0x1  }
0x240: {  	_ =	sfence.sel $0x180000  }
0x241: {  	[bflag:$0x0] =	sbarrier.arrive $0xFFFF  }
0x242: {  	_ =	strace $0x90000047  }
0x243: {  	s0 =	stileid.u32;
	[bflag:$0x2] =	sbarrier.arrive $0xFFFF  }
0x244: {  	p0 =	sne.s32 s0, $0x0;
	s0 =	rddreg [dreg:$0x4]  }
0x245: {  	s0 =	sadd.s32 @!p0 $0x100000, s0  }
0x246: {  	[sflag:s0] =	ssyncadd.tile.s32 @!p0 $0x1;
	_ =	shalt  }
.Lfunc_end2:
_tile_overlayer_lowered:
.L_overlay_start_2:
0x247: {  	(tag) =	ssettag $0x2  }
0x248: {  	s0 =	rddreg [dreg:$0x0];
	s2 =	stileid.u32  }
0x249: {  	s1 =	rddreg [dreg:$0x1];
	p0 =	sne.s32 s2, $0x0  }
0x24a: {  	s3 =	rddreg [dreg:$0x2];
	[bflag:$0x3] =	sbarrier.arrive $0xFFFF;
	s2 =	simm.s32 @!p0 $0x1C02  }
0x24b: {  	[timem:s3], [sflag:s2] =	dma.local @!p0 [hbm:s0], s1  }
0x24c: {  	s0 =	simm.s32 @!p0 $0x2  }
0x24d: {  	_ =	swait.ge @!p0 [sflag:s0], s1  }
0x24e: {  	s1 =	ssub.s32 @!p0 $0x0, s1;
	[sflag:s0] =	ssyncset.done @!p0 $0x0  }
0x24f: {  	[sflag:s0] =	ssyncadd.s32 @!p0 s1  }
0x250: {  	[bflag:$0x3] =	sbarrier.arrive $0xFFFF  }
0x251: {  	_ =	shalt  }

</sc_bundles>
